<compile_context>
chip_gen: v7x
topology: tpu7x:2x2x1
jax: 0.10.2.dev20260603
libtpu: 0.0.44.dev20260713+nightly
codegen_flags: <defaults>
</compile_context>

<pallas_src>
import functools

import jax
import jax.numpy as jnp
from jax import lax
from jax.experimental import pallas as pl
from jax.experimental.pallas import tpu as pltpu
from jax.experimental.pallas import tpu_sc as plsc

_HI = lax.Precision.HIGHEST

_N = 10000
_E = 320000
_D = 128
_DE = 4
_EMB = _D + _DE
_NC = 2
_NS = 16
_NW = _NC * _NS
_CHA = 40
_EPTA = _E // _NW
_NCHA = _EPTA // _CHA
_CHB = 80
_EPTB = _E // _NS
_NCHB = _EPTB // _CHB
_RPT = 624
_BN = 2000
_BE = 4000


def _dotT(a, b):
    return lax.dot_general(a, b, (((0,), (0,)), ((), ())),
                           preferred_element_type=jnp.float32, precision=_HI)


def _dot(a, b):
    return lax.dot_general(a, b, (((1,), (0,)), ((), ())),
                           preferred_element_type=jnp.float32, precision=_HI)


def _ee_gram_body(e_ref, ee_ref):
    i = pl.program_id(0)

    @pl.when(i == 0)
    def _():
        ee_ref[...] = jnp.zeros_like(ee_ref)

    eb = e_ref[...]
    ee_ref[...] += jnp.pad(_dotT(eb, eb), ((0, 12), (0, 12)))


def _ee_gram(e):
    return pl.pallas_call(
        _ee_gram_body,
        grid=(_E // _BE,),
        in_specs=[pl.BlockSpec((_BE, _DE), lambda i: (i, 0))],
        out_specs=pl.BlockSpec((16, 16), lambda i: (0, 0)),
        out_shape=jax.ShapeDtypeStruct((16, 16), jnp.float32),
    )(e)


def _stats_body(x_ref, sa0_ref, sa1_ref, mx_ref, mct_ref, sv_ref):
    i = pl.program_id(0)

    @pl.when(i == 0)
    def _():
        mx_ref[...] = jnp.zeros_like(mx_ref)
        mct_ref[...] = jnp.zeros_like(mct_ref)
        sv_ref[...] = jnp.zeros_like(sv_ref)

    xb = x_ref[...]
    sa = sa0_ref[...] + sa1_ref[...]
    sa16 = sa[:, :16]
    c = sa[:, 4:5]
    mx_ref[...] += _dotT(xb, xb * c)
    mct_ref[...] += _dotT(sa16, xb)
    sv_ref[...] += jnp.pad(jnp.sum(sa16, axis=0, keepdims=True),
                           ((0, 7), (0, 0)))


def _stats(x, sa0, sa1):
    return pl.pallas_call(
        _stats_body,
        grid=(_N // _BN,),
        in_specs=[
            pl.BlockSpec((_BN, _D), lambda i: (i, 0)),
            pl.BlockSpec((_BN, _D), lambda i: (i, 0)),
            pl.BlockSpec((_BN, _D), lambda i: (i, 0)),
        ],
        out_specs=[
            pl.BlockSpec((_D, _D), lambda i: (0, 0)),
            pl.BlockSpec((16, _D), lambda i: (0, 0)),
            pl.BlockSpec((8, 16), lambda i: (0, 0)),
        ],
        out_shape=[
            jax.ShapeDtypeStruct((_D, _D), jnp.float32),
            jax.ShapeDtypeStruct((16, _D), jnp.float32),
            jax.ShapeDtypeStruct((8, 16), jnp.float32),
        ],
    )(x, sa0, sa1)


def _fold_body(mx_ref, mct_ref, sv_ref, ee_ref, w1_ref, b1_ref, g_ref, be_ref,
               fx_ref, fe_ref):
    w1 = w1_ref[...]
    w1x = w1[:_D, :]
    w1e = w1[_D:, :]
    mx = mx_ref[...]
    mct = mct_ref[...]
    crossT = mct[:4, :]
    sx = mct[4:5, :]
    se = sv_ref[0:1, :4]
    ee = ee_ref[:4, :4]
    mu = jnp.concatenate([sx, se], axis=1) * (1.0 / _E)

    t1 = jnp.sum(w1x * _dot(mx, w1x), axis=0, keepdims=True)
    t2 = 2.0 * jnp.sum(w1e * _dot(crossT, w1x), axis=0, keepdims=True)
    t3 = jnp.sum(w1e * _dot(ee, w1e), axis=0, keepdims=True)
    mean0 = _dot(mu, w1)
    var = (t1 + t2 + t3) * (1.0 / _E) - mean0 * mean0
    mean = mean0 + b1_ref[...]
    scale = g_ref[...] * lax.rsqrt(var + 1e-5)
    w1f = w1 * scale
    b1f = (b1_ref[...] - mean) * scale + be_ref[...]

    fx_ref[...] = jnp.concatenate(
        [w1f[:_D, :_D], w1f[:_D, _DE:]], axis=0).reshape(2, _D, _D)
    felo = jnp.concatenate(
        [w1f[_D:, :_D], b1f[:, :_D], jnp.zeros((3, _D), jnp.float32)], axis=0)
    fehi = jnp.concatenate(
        [w1f[_D:, _DE:], b1f[:, _DE:], jnp.zeros((3, _D), jnp.float32)],
        axis=0)
    fe_ref[...] = jnp.concatenate([felo, fehi], axis=0).reshape(2, 8, _D)


def _fold(mx, mct, sv, ee, w1, b1r, gr, ber):
    return pl.pallas_call(
        _fold_body,
        out_shape=[
            jax.ShapeDtypeStruct((2, _D, _D), jnp.float32),
            jax.ShapeDtypeStruct((2, 8, _D), jnp.float32),
        ],
    )(mx, mct, sv, ee, w1, b1r, gr, ber)


def _xw_body(x_ref, fx_ref, o_ref):
    o_ref[...] = _dot(x_ref[...], fx_ref[0])[None]


def _xw(x, fx):
    return pl.pallas_call(
        _xw_body,
        grid=(2, _N // _BN),
        in_specs=[
            pl.BlockSpec((_BN, _D), lambda w, i: (i, 0)),
            pl.BlockSpec((1, _D, _D), lambda w, i: (w, 0, 0)),
        ],
        out_specs=pl.BlockSpec((1, _BN, _D), lambda w, i: (w, i, 0)),
        out_shape=jax.ShapeDtypeStruct((2, _N, _D), jnp.float32),
    )(x, fx)


def _ew_body(e_ref, fe_ref, o_ref):
    f = fe_ref[0]
    o_ref[...] = (_dot(e_ref[...], f[0:4, :]) + f[4:5, :])[None]


def _ew(e, fe):
    return pl.pallas_call(
        _ew_body,
        grid=(2, _E // _BE),
        in_specs=[
            pl.BlockSpec((_BE, _DE), lambda w, i: (i, 0)),
            pl.BlockSpec((1, 8, _D), lambda w, i: (w, 0, 0)),
        ],
        out_specs=pl.BlockSpec((1, _BE, _D), lambda w, i: (w, i, 0)),
        out_shape=jax.ShapeDtypeStruct((2, _E, _D), jnp.float32),
    )(e, fe)


def _make_src_stats():
    mesh = plsc.VectorSubcoreMesh(core_axis_name="c", subcore_axis_name="s")

    @functools.partial(
        pl.kernel, mesh=mesh,
        out_type=jax.ShapeDtypeStruct((_NC, _N, _D), jnp.float32),
        scratch_types=[
            pltpu.VMEM((2 * _CHA,), jnp.int32),
            pltpu.VMEM((2 * _CHA, _D), jnp.float32),
            pltpu.VMEM((2 * _CHA,), jnp.int32),
            pltpu.VMEM((2 * _CHA, _D), jnp.float32),
            pltpu.VMEM((8, _D), jnp.float32),
            pltpu.VMEM_SHARED((_N, _D), jnp.float32),
            pltpu.SemaphoreType.DMA,
            pltpu.SemaphoreType.DMA,
            pltpu.SemaphoreType.DMA,
            pltpu.SemaphoreType.DMA,
        ],
    )
    def k(src_hbm, dst_hbm, e128_hbm, zeros_hbm, consts_hbm, out_hbm, idxva,
          staga, idxvb, stagb, cvbuf, acc, isema, esema, isemb, esemb):
        c = lax.axis_index("c")
        s = lax.axis_index("s")
        wid = c * _NS + s

        pltpu.sync_copy(consts_hbm, cvbuf)

        def irow(i, carry):
            for r in range(_D // 16):
                sl = pl.ds(r * 16, 16)
                staga[_CHA + i, sl] = cvbuf[1, sl]
                stagb[_CHA + i, sl] = cvbuf[1, sl]
            return carry

        lax.fori_loop(0, _CHA, irow, 0)
        pltpu.sync_copy(zeros_hbm.at[pl.ds(s * _RPT, _RPT), :],
                        acc.at[pl.ds(s * _RPT, _RPT), :])

        @pl.when(s == _NS - 1)
        def _():
            pltpu.sync_copy(zeros_hbm.at[pl.ds(_NS * _RPT, 16), :],
                            acc.at[pl.ds(_NS * _RPT, 16), :])

        plsc.subcore_barrier()

        base0 = wid * _EPTA
        abufs = ((idxva, staga, isema, esema), (idxvb, stagb, isemb, esemb))

        def astart(ci, bi):
            idxv, stag, isem, esem = abufs[bi]
            base = base0 + ci * _CHA
            pltpu.async_copy(src_hbm.at[pl.ds(base, _CHA)],
                             idxv.at[pl.ds(0, _CHA)], isem)
            pltpu.async_copy(dst_hbm.at[pl.ds(base, _CHA)],
                             idxv.at[pl.ds(_CHA, _CHA)], isem)
            pltpu.async_copy(e128_hbm.at[pl.ds(base, _CHA), :],
                             stag.at[pl.ds(0, _CHA), :], esem)

        def await_scatter(ci, bi):
            idxv, stag, isem, esem = abufs[bi]
            base = base0 + ci * _CHA
            pltpu.make_async_copy(src_hbm.at[pl.ds(base, _CHA)],
                                  idxv.at[pl.ds(0, _CHA)], isem).wait()
            pltpu.make_async_copy(dst_hbm.at[pl.ds(base, _CHA)],
                                  idxv.at[pl.ds(_CHA, _CHA)], isem).wait()
            pltpu.make_async_copy(e128_hbm.at[pl.ds(base, _CHA), :],
                                  stag.at[pl.ds(0, _CHA), :], esem).wait()
            pltpu.sync_copy(stag, acc.at[idxv], add=True)

        astart(0, 0)
        npaira = _NCHA // 2

        def apair(jj, carry):
            c0 = 2 * jj
            astart(c0 + 1, 1)
            await_scatter(c0, 0)

            @pl.when(jj + 1 < npaira)
            def _():
                astart(c0 + 2, 0)

            await_scatter(c0 + 1, 1)
            return carry

        lax.fori_loop(0, npaira, apair, 0)
        plsc.subcore_barrier()
        pltpu.sync_copy(acc.at[pl.ds(s * _RPT, _RPT), :],
                        out_hbm.at[c, pl.ds(s * _RPT, _RPT), :])

        @pl.when(s == _NS - 1)
        def _():
            pltpu.sync_copy(acc.at[pl.ds(_NS * _RPT, 16), :],
                            out_hbm.at[c, pl.ds(_NS * _RPT, 16), :])

    return k


def _make_edge_pass():
    mesh = plsc.VectorSubcoreMesh(core_axis_name="c", subcore_axis_name="s")

    @functools.partial(
        pl.kernel, mesh=mesh,
        out_type=jax.ShapeDtypeStruct((_NC, _N, _D), jnp.float32),
        scratch_types=[
            pltpu.VMEM((_CHB,), jnp.int32),
            pltpu.VMEM((_CHB,), jnp.int32),
            pltpu.VMEM((_CHB, _D), jnp.float32),
            pltpu.VMEM((_CHB, _D), jnp.float32),
            pltpu.VMEM((_CHB,), jnp.int32),
            pltpu.VMEM((_CHB,), jnp.int32),
            pltpu.VMEM((_CHB, _D), jnp.float32),
            pltpu.VMEM((_CHB, _D), jnp.float32),
            pltpu.VMEM_SHARED((_N, _D), jnp.float32),
            pltpu.SemaphoreType.DMA,
            pltpu.SemaphoreType.DMA,
            pltpu.SemaphoreType.DMA,
            pltpu.SemaphoreType.DMA,
            pltpu.SemaphoreType.DMA,
            pltpu.SemaphoreType.DMA,
        ],
    )
    def k(src_hbm, dst_hbm, xw2_hbm, ew2_hbm, zeros_hbm, out_hbm,
          srcva, dstva, gbufa, wbufa, srcvb, dstvb, gbufb, wbufb, acc,
          isema, esema, gsema, isemb, esemb, gsemb):
        c = lax.axis_index("c")
        s = lax.axis_index("s")

        pltpu.sync_copy(zeros_hbm.at[pl.ds(s * _RPT, _RPT), :],
                        acc.at[pl.ds(s * _RPT, _RPT), :])

        @pl.when(s == _NS - 1)
        def _():
            pltpu.sync_copy(zeros_hbm.at[pl.ds(_NS * _RPT, 16), :],
                            acc.at[pl.ds(_NS * _RPT, 16), :])

        plsc.subcore_barrier()

        base0 = s * _EPTB
        coffv = jnp.full((16,), c * _N, jnp.int32)
        zf16 = jnp.zeros((16,), jnp.float32)
        bufs = ((srcva, dstva, gbufa, wbufa, isema, esema, gsema),
                (srcvb, dstvb, gbufb, wbufb, isemb, esemb, gsemb))

        def start_ie(ci, bi):
            srcv, dstv, _, wbuf, isem, esem, _ = bufs[bi]
            base = base0 + ci * _CHB
            pltpu.async_copy(src_hbm.at[pl.ds(base, _CHB)], srcv, isem)
            pltpu.async_copy(dst_hbm.at[pl.ds(base, _CHB)], dstv, isem)
            pltpu.async_copy(ew2_hbm.at[c, pl.ds(base, _CHB), :], wbuf, esem)

        def wait_idx(ci, bi):
            srcv, dstv, _, _, isem, _, _ = bufs[bi]
            base = base0 + ci * _CHB
            pltpu.make_async_copy(src_hbm.at[pl.ds(base, _CHB)], srcv,
                                  isem).wait()
            pltpu.make_async_copy(dst_hbm.at[pl.ds(base, _CHB)], dstv,
                                  isem).wait()

        def start_gather(bi):
            srcv, _, gbuf, _, _, _, gsem = bufs[bi]
            for b in range(_CHB // 16):
                sl = pl.ds(b * 16, 16)
                srcv[sl] = srcv[sl] + coffv
            pltpu.async_copy(xw2_hbm.at[srcv], gbuf, gsem)

        def compute_scatter(ci, bi):
            srcv, dstv, gbuf, wbuf, _, esem, gsem = bufs[bi]
            base = base0 + ci * _CHB
            pltpu.make_async_copy(xw2_hbm.at[srcv], gbuf, gsem).wait()
            pltpu.make_async_copy(ew2_hbm.at[c, pl.ds(base, _CHB), :], wbuf,
                                  esem).wait()

            def erow(j, carry2):
                for jj in range(2):
                    for r in range(_D // 16):
                        sl = pl.ds(r * 16, 16)
                        a = gbuf[2 * j + jj, sl] + wbuf[2 * j + jj, sl]
                        wbuf[2 * j + jj, sl] = jnp.maximum(a, zf16)
                return carry2

            lax.fori_loop(0, _CHB // 2, erow, 0)
            pltpu.sync_copy(wbuf, acc.at[dstv], add=True)

        start_ie(0, 0)
        start_ie(1, 1)
        wait_idx(0, 0)
        start_gather(0)

        npair = _NCHB // 2

        def pair(jj, carry):
            c0 = 2 * jj
            c1 = c0 + 1
            wait_idx(c1, 1)
            start_gather(1)
            compute_scatter(c0, 0)

            @pl.when(jj + 1 < npair)
            def _():
                start_ie(c0 + 2, 0)
                wait_idx(c0 + 2, 0)
                start_gather(0)

            compute_scatter(c1, 1)

            @pl.when(jj + 1 < npair)
            def _():
                start_ie(c1 + 2, 1)

            return carry

        lax.fori_loop(0, npair, pair, 0)
        plsc.subcore_barrier()
        pltpu.sync_copy(acc.at[pl.ds(s * _RPT, _RPT), :],
                        out_hbm.at[c, pl.ds(s * _RPT, _RPT), :])

        @pl.when(s == _NS - 1)
        def _():
            pltpu.sync_copy(acc.at[pl.ds(_NS * _RPT, 16), :],
                            out_hbm.at[c, pl.ds(_NS * _RPT, 16), :])

    return k


def _finish_body(lo_ref, hi_ref, sa0_ref, sa1_ref, x_ref, w2_ref, b2_ref,
                 o_ref):
    lo = lo_ref[...]
    hi = hi_ref[...]
    agg = jnp.concatenate(
        [lo[:, :_DE], hi, jnp.zeros((lo.shape[0], 4), jnp.float32)], axis=1)
    cnt = (sa0_ref[...] + sa1_ref[...])[:, 5:6]
    h = _dot(agg, w2_ref[...]) + cnt * b2_ref[...]
    o_ref[...] = jnp.where(cnt > 0.5, h, x_ref[...])


def _finish(lo, hi, sa0, sa1, x, w2p, b2r):
    return pl.pallas_call(
        _finish_body,
        grid=(_N // _BN,),
        in_specs=[
            pl.BlockSpec((_BN, _D), lambda i: (i, 0)),
            pl.BlockSpec((_BN, _D), lambda i: (i, 0)),
            pl.BlockSpec((_BN, _D), lambda i: (i, 0)),
            pl.BlockSpec((_BN, _D), lambda i: (i, 0)),
            pl.BlockSpec((_BN, _D), lambda i: (i, 0)),
            pl.BlockSpec((136, _D), lambda i: (0, 0)),
            pl.BlockSpec((1, _D), lambda i: (0, 0)),
        ],
        out_specs=pl.BlockSpec((_BN, _D), lambda i: (i, 0)),
        out_shape=jax.ShapeDtypeStruct((_N, _D), jnp.float32),
    )(lo, hi, sa0, sa1, x, w2p, b2r)


def kernel(x, edge_index, e, W1, b1, gamma, beta, W2, b2):
    src = edge_index[0]
    dst = edge_index[1]
    zeros128 = jnp.zeros((_N, _D), jnp.float32)
    consts = jnp.zeros((8, _D), jnp.float32).at[1, 5].set(1.0)
    e128 = jnp.concatenate(
        [e, jnp.ones((_E, 1), jnp.float32),
         jnp.zeros((_E, _D - _DE - 1), jnp.float32)], axis=1)
    ee = _ee_gram(e)
    srcagg = _make_src_stats()(src, dst, e128, zeros128, consts)
    mx, mct, sv = _stats(x, srcagg[0], srcagg[1])
    fx, fe = _fold(mx, mct, sv, ee, W1, b1.reshape(1, -1),
                   gamma.reshape(1, -1), beta.reshape(1, -1))
    xw2 = _xw(x, fx).reshape(2 * _N, _D)
    ew2 = _ew(e, fe)
    aggw = _make_edge_pass()(src, dst, xw2, ew2, zeros128)
    w2p = jnp.pad(W2, ((0, 4), (0, 0)))
    return _finish(aggw[0], aggw[1], srcagg[0], srcagg[1], x, w2p,
                   b2.reshape(1, -1))

# --- scband reference (transcript-rebuilt; emitter-appended) ---
"""Pipeline reference for scband-gnn-24361054502958 (READ-ONLY COPY).

The authoritative reference and input builder live on the scoring server;
editing this copy changes nothing except your own understanding.
"""

import jax, jax.numpy as jnp
import numpy as np

N_NODES = 10000
N_EDGES = 320000
D_NODE = 128
D_EDGE = 4
EMB = D_NODE + D_EDGE


def setup_inputs(seed: int = 0) -> dict:
    key = jax.random.key(seed)
    ks = jax.random.split(key, 8)
    x = jax.random.normal(ks[0], (N_NODES, D_NODE), dtype=jnp.float32)
    edge_index = jax.random.randint(ks[1], (2, N_EDGES), 0, N_NODES, dtype=jnp.int32)
    e = jax.random.normal(ks[2], (N_EDGES, D_EDGE), dtype=jnp.float32)
    s = 1.0 / np.sqrt(EMB)
    W1 = jax.random.uniform(ks[3], (EMB, EMB), jnp.float32, -s, s)
    b1 = jax.random.uniform(ks[4], (EMB,), jnp.float32, -s, s)
    gamma = jnp.ones((EMB,), jnp.float32)
    beta = jnp.zeros((EMB,), jnp.float32)
    W2 = jax.random.uniform(ks[5], (EMB, D_NODE), jnp.float32, -s, s)
    b2 = jax.random.uniform(ks[6], (D_NODE,), jnp.float32, -s, s)
    return {"x": x, "edge_index": edge_index, "e": e, "W1": W1, "b1": b1, "gamma": gamma, "beta": beta, "W2": W2, "b2": b2}


def reference(x, edge_index, e, W1, b1, gamma, beta, W2, b2):
    # GINConvLayer (single layer, output_layer=True, dropout p=0.0 -> identity)
    src = edge_index[0]
    dst = edge_index[1]
    # message_func: mlp(cat([h_src, e_edge]))
    m = jnp.concatenate([jnp.take(x, src, axis=0), e], axis=1)  # [E, EMB]
    z = m @ W1 + b1
    # BatchNorm1d in training mode: batch statistics over all edges (biased var), eps=1e-5
    mean = jnp.mean(z, axis=0)
    var = jnp.var(z, axis=0)
    z = (z - mean) / jnp.sqrt(var + 1e-5) * gamma + beta
    z = jax.nn.relu(z)
    h_e = z @ W2 + b2  # [E, D_NODE]
    # reduce_func: sum of incoming messages per dst node (DGL update_all semantics:
    # nodes with no incoming messages keep their old feature)
    n = x.shape[0]
    summed = jax.ops.segment_sum(h_e, dst, num_segments=n)
    deg = jnp.bincount(dst, length=n)
    h = jnp.where((deg > 0)[:, None], summed, x)
    # output_layer=True: no ReLU; dropout p=0 -> identity
    return h

if __name__ == "__main__":
    import jax
    _d = setup_inputs()
    print(jax.jit(kernel)(*tuple(_d.values())))

</pallas_src>

<mosaic_0001>
#map = affine_map<(d0, d1) -> (0)>
#map1 = affine_map<(d0, d1) -> (0, 0)>
#map2 = affine_map<(d0, d1) -> (0, 0, 0)>
module attributes {stable_mosaic.version = 14 : i64} {
  func.func @k(%arg0: i32, %arg1: i32, %arg2: memref<320000xi32, #tpu.memory_space<hbm>>, %arg3: memref<320000xi32, #tpu.memory_space<hbm>>, %arg4: memref<320000x128xf32, #tpu.memory_space<hbm>>, %arg5: memref<10000x128xf32, #tpu.memory_space<hbm>>, %arg6: memref<8x128xf32, #tpu.memory_space<hbm>>, %arg7: memref<2x10000x128xf32, #tpu.memory_space<hbm>>, %arg8: memref<80xi32, #tpu.memory_space<vmem>>, %arg9: memref<80x128xf32, #tpu.memory_space<vmem>>, %arg10: memref<80xi32, #tpu.memory_space<vmem>>, %arg11: memref<80x128xf32, #tpu.memory_space<vmem>>, %arg12: memref<8x128xf32, #tpu.memory_space<vmem>>, %arg13: memref<10000x128xf32, #tpu.memory_space<vmem_shared>>, %arg14: memref<!tpu.dma_semaphore, #tpu.memory_space<semaphore_mem>>, %arg15: memref<!tpu.dma_semaphore, #tpu.memory_space<semaphore_mem>>, %arg16: memref<!tpu.dma_semaphore, #tpu.memory_space<semaphore_mem>>, %arg17: memref<!tpu.dma_semaphore, #tpu.memory_space<semaphore_mem>>) attributes {dimension_semantics = [#tpu.dimension_semantics<core_parallel>, #tpu.dimension_semantics<subcore_parallel>], iteration_bounds = array<i64: 2, 16>, scalar_prefetch = 0 : i64, scratch_operands = 10 : i64, tpu.core_type = #tpu.core_type<sc_vector_subcore>, window_params = [{transform_indices = #map}, {transform_indices = #map}, {transform_indices = #map1}, {transform_indices = #map1}, {transform_indices = #map1}, {transform_indices = #map2}]} {
    %mul3A = arith.constant 16 : i32
    %mul3A_0 = arith.muli %arg0, %mul3A : i32
    %add3A = arith.addi %mul3A_0, %arg1 : i32
    "tpu.region"() ({
      %run_scoped3A = tpu.sem_alloc : memref<!tpu.dma_semaphore, #tpu.memory_space<semaphore_mem>>
      tpu.enqueue_dma source(%arg6 : memref<8x128xf32, #tpu.memory_space<hbm>>) target(%arg12 : memref<8x128xf32, #tpu.memory_space<vmem>>) target_semaphore(%run_scoped3A : memref<!tpu.dma_semaphore, #tpu.memory_space<semaphore_mem>>)
      tpu.wait_dma2 semaphore(%run_scoped3A : memref<!tpu.dma_semaphore, #tpu.memory_space<semaphore_mem>>) src(%arg6 : memref<8x128xf32, #tpu.memory_space<hbm>>) dst(%arg12 : memref<8x128xf32, #tpu.memory_space<vmem>>)
      tpu.yield
    }) : () -> ()
    %scan3A = arith.constant 0 : i32
    %scan3A_1 = arith.constant 0 : i32
    %scan3A_2 = arith.constant 40 : i32
    %scan3A_3 = arith.addi %scan3A_1, %scan3A_2 : i32
    %scan3A_4 = arith.constant 1 : i32
    scf.for %scan3A_53 = %scan3A_1 to %scan3A_3 step %scan3A_4  : i32 {
      %get3A = arith.constant 1 : i32
      %get3A_54 = arith.index_cast %get3A : i32 to index
      %get3A_55 = arith.constant 0 : index
      %get3A_56 = tpu.vector_load %arg12[%get3A_54, %get3A_55] {strides = array<i32>} : memref<8x128xf32, #tpu.memory_space<vmem>>, vector<1x16xf32>,
      %get3A_57 = vector.shape_cast %get3A_56 : vector<1x16xf32> to vector<16xf32>
      %add3A_58 = arith.constant 40 : i32
      %add3A_59 = arith.addi %add3A_58, %scan3A_53 : i32
      %swap3A = arith.index_cast %add3A_59 : i32 to index
      %swap3A_60 = arith.constant 0 : index
      %swap3A_61 = tpu.vector_load %arg9[%swap3A, %swap3A_60] {strides = array<i32>} : memref<80x128xf32, #tpu.memory_space<vmem>>, vector<1x16xf32>,
      %swap3A_62 = vector.shape_cast %swap3A_61 : vector<1x16xf32> to vector<16xf32>
      %swap3A_63 = vector.shape_cast %get3A_57 : vector<16xf32> to vector<1x16xf32>
      tpu.vector_store %arg9[%swap3A, %swap3A_60], %swap3A_63 {strides = array<i32>} : memref<80x128xf32, #tpu.memory_space<vmem>>, vector<1x16xf32>,
      %get3A_64 = arith.constant 1 : i32
      %get3A_65 = arith.index_cast %get3A_64 : i32 to index
      %get3A_66 = arith.constant 0 : index
      %get3A_67 = tpu.vector_load %arg12[%get3A_65, %get3A_66] {strides = array<i32>} : memref<8x128xf32, #tpu.memory_space<vmem>>, vector<1x16xf32>,
      %get3A_68 = vector.shape_cast %get3A_67 : vector<1x16xf32> to vector<16xf32>
      %add3A_69 = arith.constant 40 : i32
      %add3A_70 = arith.addi %add3A_69, %scan3A_53 : i32
      %swap3A_71 = arith.index_cast %add3A_70 : i32 to index
      %swap3A_72 = arith.constant 0 : index
      %swap3A_73 = tpu.vector_load %arg11[%swap3A_71, %swap3A_72] {strides = array<i32>} : memref<80x128xf32, #tpu.memory_space<vmem>>, vector<1x16xf32>,
      %swap3A_74 = vector.shape_cast %swap3A_73 : vector<1x16xf32> to vector<16xf32>
      %swap3A_75 = vector.shape_cast %get3A_68 : vector<16xf32> to vector<1x16xf32>
      tpu.vector_store %arg11[%swap3A_71, %swap3A_72], %swap3A_75 {strides = array<i32>} : memref<80x128xf32, #tpu.memory_space<vmem>>, vector<1x16xf32>,
      %get3A_76 = arith.constant 1 : i32
      %get3A_77 = arith.index_cast %get3A_76 : i32 to index
      %get3A_78 = arith.constant 16 : index
      %get3A_79 = tpu.vector_load %arg12[%get3A_77, %get3A_78] {strides = array<i32>} : memref<8x128xf32, #tpu.memory_space<vmem>>, vector<1x16xf32>,
      %get3A_80 = vector.shape_cast %get3A_79 : vector<1x16xf32> to vector<16xf32>
      %add3A_81 = arith.constant 40 : i32
      %add3A_82 = arith.addi %add3A_81, %scan3A_53 : i32
      %swap3A_83 = arith.index_cast %add3A_82 : i32 to index
      %swap3A_84 = arith.constant 16 : index
      %swap3A_85 = tpu.vector_load %arg9[%swap3A_83, %swap3A_84] {strides = array<i32>} : memref<80x128xf32, #tpu.memory_space<vmem>>, vector<1x16xf32>,
      %swap3A_86 = vector.shape_cast %swap3A_85 : vector<1x16xf32> to vector<16xf32>
      %swap3A_87 = vector.shape_cast %get3A_80 : vector<16xf32> to vector<1x16xf32>
      tpu.vector_store %arg9[%swap3A_83, %swap3A_84], %swap3A_87 {strides = array<i32>} : memref<80x128xf32, #tpu.memory_space<vmem>>, vector<1x16xf32>,
      %get3A_88 = arith.constant 1 : i32
      %get3A_89 = arith.index_cast %get3A_88 : i32 to index
      %get3A_90 = arith.constant 16 : index
      %get3A_91 = tpu.vector_load %arg12[%get3A_89, %get3A_90] {strides = array<i32>} : memref<8x128xf32, #tpu.memory_space<vmem>>, vector<1x16xf32>,
      %get3A_92 = vector.shape_cast %get3A_91 : vector<1x16xf32> to vector<16xf32>
      %add3A_93 = arith.constant 40 : i32
      %add3A_94 = arith.addi %add3A_93, %scan3A_53 : i32
      %swap3A_95 = arith.index_cast %add3A_94 : i32 to index
      %swap3A_96 = arith.constant 16 : index
      %swap3A_97 = tpu.vector_load %arg11[%swap3A_95, %swap3A_96] {strides = array<i32>} : memref<80x128xf32, #tpu.memory_space<vmem>>, vector<1x16xf32>,
      %swap3A_98 = vector.shape_cast %swap3A_97 : vector<1x16xf32> to vector<16xf32>
      %swap3A_99 = vector.shape_cast %get3A_92 : vector<16xf32> to vector<1x16xf32>
      tpu.vector_store %arg11[%swap3A_95, %swap3A_96], %swap3A_99 {strides = array<i32>} : memref<80x128xf32, #tpu.memory_space<vmem>>, vector<1x16xf32>,
      %get3A_100 = arith.constant 1 : i32
      %get3A_101 = arith.index_cast %get3A_100 : i32 to index
      %get3A_102 = arith.constant 32 : index
      %get3A_103 = tpu.vector_load %arg12[%get3A_101, %get3A_102] {strides = array<i32>} : memref<8x128xf32, #tpu.memory_space<vmem>>, vector<1x16xf32>,
      %get3A_104 = vector.shape_cast %get3A_103 : vector<1x16xf32> to vector<16xf32>
      %add3A_105 = arith.constant 40 : i32
      %add3A_106 = arith.addi %add3A_105, %scan3A_53 : i32
      %swap3A_107 = arith.index_cast %add3A_106 : i32 to index
      %swap3A_108 = arith.constant 32 : index
      %swap3A_109 = tpu.vector_load %arg9[%swap3A_107, %swap3A_108] {strides = array<i32>} : memref<80x128xf32, #tpu.memory_space<vmem>>, vector<1x16xf32>,
      %swap3A_110 = vector.shape_cast %swap3A_109 : vector<1x16xf32> to vector<16xf32>
      %swap3A_111 = vector.shape_cast %get3A_104 : vector<16xf32> to vector<1x16xf32>
      tpu.vector_store %arg9[%swap3A_107, %swap3A_108], %swap3A_111 {strides = array<i32>} : memref<80x128xf32, #tpu.memory_space<vmem>>, vector<1x16xf32>,
      %get3A_112 = arith.constant 1 : i32
      %get3A_113 = arith.index_cast %get3A_112 : i32 to index
      %get3A_114 = arith.constant 32 : index
      %get3A_115 = tpu.vector_load %arg12[%get3A_113, %get3A_114] {strides = array<i32>} : memref<8x128xf32, #tpu.memory_space<vmem>>, vector<1x16xf32>,
      %get3A_116 = vector.shape_cast %get3A_115 : vector<1x16xf32> to vector<16xf32>
      %add3A_117 = arith.constant 40 : i32
      %add3A_118 = arith.addi %add3A_117, %scan3A_53 : i32
      %swap3A_119 = arith.index_cast %add3A_118 : i32 to index
      %swap3A_120 = arith.constant 32 : index
      %swap3A_121 = tpu.vector_load %arg11[%swap3A_119, %swap3A_120] {strides = array<i32>} : memref<80x128xf32, #tpu.memory_space<vmem>>, vector<1x16xf32>,
      %swap3A_122 = vector.shape_cast %swap3A_121 : vector<1x16xf32> to vector<16xf32>
      %swap3A_123 = vector.shape_cast %get3A_116 : vector<16xf32> to vector<1x16xf32>
      tpu.vector_store %arg11[%swap3A_119, %swap3A_120], %swap3A_123 {strides = array<i32>} : memref<80x128xf32, #tpu.memory_space<vmem>>, vector<1x16xf32>,
      %get3A_124 = arith.constant 1 : i32
      %get3A_125 = arith.index_cast %get3A_124 : i32 to index
      %get3A_126 = arith.constant 48 : index
      %get3A_127 = tpu.vector_load %arg12[%get3A_125, %get3A_126] {strides = array<i32>} : memref<8x128xf32, #tpu.memory_space<vmem>>, vector<1x16xf32>,
      %get3A_128 = vector.shape_cast %get3A_127 : vector<1x16xf32> to vector<16xf32>
      %add3A_129 = arith.constant 40 : i32
      %add3A_130 = arith.addi %add3A_129, %scan3A_53 : i32
      %swap3A_131 = arith.index_cast %add3A_130 : i32 to index
      %swap3A_132 = arith.constant 48 : index
      %swap3A_133 = tpu.vector_load %arg9[%swap3A_131, %swap3A_132] {strides = array<i32>} : memref<80x128xf32, #tpu.memory_space<vmem>>, vector<1x16xf32>,
      %swap3A_134 = vector.shape_cast %swap3A_133 : vector<1x16xf32> to vector<16xf32>
      %swap3A_135 = vector.shape_cast %get3A_128 : vector<16xf32> to vector<1x16xf32>
      tpu.vector_store %arg9[%swap3A_131, %swap3A_132], %swap3A_135 {strides = array<i32>} : memref<80x128xf32, #tpu.memory_space<vmem>>, vector<1x16xf32>,
      %get3A_136 = arith.constant 1 : i32
      %get3A_137 = arith.index_cast %get3A_136 : i32 to index
      %get3A_138 = arith.constant 48 : index
      %get3A_139 = tpu.vector_load %arg12[%get3A_137, %get3A_138] {strides = array<i32>} : memref<8x128xf32, #tpu.memory_space<vmem>>, vector<1x16xf32>,
      %get3A_140 = vector.shape_cast %get3A_139 : vector<1x16xf32> to vector<16xf32>
      %add3A_141 = arith.constant 40 : i32
      %add3A_142 = arith.addi %add3A_141, %scan3A_53 : i32
      %swap3A_143 = arith.index_cast %add3A_142 : i32 to index
      %swap3A_144 = arith.constant 48 : index
      %swap3A_145 = tpu.vector_load %arg11[%swap3A_143, %swap3A_144] {strides = array<i32>} : memref<80x128xf32, #tpu.memory_space<vmem>>, vector<1x16xf32>,
      %swap3A_146 = vector.shape_cast %swap3A_145 : vector<1x16xf32> to vector<16xf32>
      %swap3A_147 = vector.shape_cast %get3A_140 : vector<16xf32> to vector<1x16xf32>
      tpu.vector_store %arg11[%swap3A_143, %swap3A_144], %swap3A_147 {strides = array<i32>} : memref<80x128xf32, #tpu.memory_space<vmem>>, vector<1x16xf32>,
      %get3A_148 = arith.constant 1 : i32
      %get3A_149 = arith.index_cast %get3A_148 : i32 to index
      %get3A_150 = arith.constant 64 : index
      %get3A_151 = tpu.vector_load %arg12[%get3A_149, %get3A_150] {strides = array<i32>} : memref<8x128xf32, #tpu.memory_space<vmem>>, vector<1x16xf32>,
      %get3A_152 = vector.shape_cast %get3A_151 : vector<1x16xf32> to vector<16xf32>
      %add3A_153 = arith.constant 40 : i32
      %add3A_154 = arith.addi %add3A_153, %scan3A_53 : i32
      %swap3A_155 = arith.index_cast %add3A_154 : i32 to index
      %swap3A_156 = arith.constant 64 : index
      %swap3A_157 = tpu.vector_load %arg9[%swap3A_155, %swap3A_156] {strides = array<i32>} : memref<80x128xf32, #tpu.memory_space<vmem>>, vector<1x16xf32>,
      %swap3A_158 = vector.shape_cast %swap3A_157 : vector<1x16xf32> to vector<16xf32>
      %swap3A_159 = vector.shape_cast %get3A_152 : vector<16xf32> to vector<1x16xf32>
      tpu.vector_store %arg9[%swap3A_155, %swap3A_156], %swap3A_159 {strides = array<i32>} : memref<80x128xf32, #tpu.memory_space<vmem>>, vector<1x16xf32>,
      %get3A_160 = arith.constant 1 : i32
      %get3A_161 = arith.index_cast %get3A_160 : i32 to index
      %get3A_162 = arith.constant 64 : index
      %get3A_163 = tpu.vector_load %arg12[%get3A_161, %get3A_162] {strides = array<i32>} : memref<8x128xf32, #tpu.memory_space<vmem>>, vector<1x16xf32>,
      %get3A_164 = vector.shape_cast %get3A_163 : vector<1x16xf32> to vector<16xf32>
      %add3A_165 = arith.constant 40 : i32
      %add3A_166 = arith.addi %add3A_165, %scan3A_53 : i32
      %swap3A_167 = arith.index_cast %add3A_166 : i32 to index
      %swap3A_168 = arith.constant 64 : index
      %swap3A_169 = tpu.vector_load %arg11[%swap3A_167, %swap3A_168] {strides = array<i32>} : memref<80x128xf32, #tpu.memory_space<vmem>>, vector<1x16xf32>,
      %swap3A_170 = vector.shape_cast %swap3A_169 : vector<1x16xf32> to vector<16xf32>
      %swap3A_171 = vector.shape_cast %get3A_164 : vector<16xf32> to vector<1x16xf32>
      tpu.vector_store %arg11[%swap3A_167, %swap3A_168], %swap3A_171 {strides = array<i32>} : memref<80x128xf32, #tpu.memory_space<vmem>>, vector<1x16xf32>,
      %get3A_172 = arith.constant 1 : i32
      %get3A_173 = arith.index_cast %get3A_172 : i32 to index
      %get3A_174 = arith.constant 80 : index
      %get3A_175 = tpu.vector_load %arg12[%get3A_173, %get3A_174] {strides = array<i32>} : memref<8x128xf32, #tpu.memory_space<vmem>>, vector<1x16xf32>,
      %get3A_176 = vector.shape_cast %get3A_175 : vector<1x16xf32> to vector<16xf32>
      %add3A_177 = arith.constant 40 : i32
      %add3A_178 = arith.addi %add3A_177, %scan3A_53 : i32
      %swap3A_179 = arith.index_cast %add3A_178 : i32 to index
      %swap3A_180 = arith.constant 80 : index
      %swap3A_181 = tpu.vector_load %arg9[%swap3A_179, %swap3A_180] {strides = array<i32>} : memref<80x128xf32, #tpu.memory_space<vmem>>, vector<1x16xf32>,
      %swap3A_182 = vector.shape_cast %swap3A_181 : vector<1x16xf32> to vector<16xf32>
      %swap3A_183 = vector.shape_cast %get3A_176 : vector<16xf32> to vector<1x16xf32>
      tpu.vector_store %arg9[%swap3A_179, %swap3A_180], %swap3A_183 {strides = array<i32>} : memref<80x128xf32, #tpu.memory_space<vmem>>, vector<1x16xf32>,
      %get3A_184 = arith.constant 1 : i32
      %get3A_185 = arith.index_cast %get3A_184 : i32 to index
      %get3A_186 = arith.constant 80 : index
      %get3A_187 = tpu.vector_load %arg12[%get3A_185, %get3A_186] {strides = array<i32>} : memref<8x128xf32, #tpu.memory_space<vmem>>, vector<1x16xf32>,
      %get3A_188 = vector.shape_cast %get3A_187 : vector<1x16xf32> to vector<16xf32>
      %add3A_189 = arith.constant 40 : i32
      %add3A_190 = arith.addi %add3A_189, %scan3A_53 : i32
      %swap3A_191 = arith.index_cast %add3A_190 : i32 to index
      %swap3A_192 = arith.constant 80 : index
      %swap3A_193 = tpu.vector_load %arg11[%swap3A_191, %swap3A_192] {strides = array<i32>} : memref<80x128xf32, #tpu.memory_space<vmem>>, vector<1x16xf32>,
      %swap3A_194 = vector.shape_cast %swap3A_193 : vector<1x16xf32> to vector<16xf32>
      %swap3A_195 = vector.shape_cast %get3A_188 : vector<16xf32> to vector<1x16xf32>
      tpu.vector_store %arg11[%swap3A_191, %swap3A_192], %swap3A_195 {strides = array<i32>} : memref<80x128xf32, #tpu.memory_space<vmem>>, vector<1x16xf32>,
      %get3A_196 = arith.constant 1 : i32
      %get3A_197 = arith.index_cast %get3A_196 : i32 to index
      %get3A_198 = arith.constant 96 : index
      %get3A_199 = tpu.vector_load %arg12[%get3A_197, %get3A_198] {strides = array<i32>} : memref<8x128xf32, #tpu.memory_space<vmem>>, vector<1x16xf32>,
      %get3A_200 = vector.shape_cast %get3A_199 : vector<1x16xf32> to vector<16xf32>
      %add3A_201 = arith.constant 40 : i32
      %add3A_202 = arith.addi %add3A_201, %scan3A_53 : i32
      %swap3A_203 = arith.index_cast %add3A_202 : i32 to index
      %swap3A_204 = arith.constant 96 : index
      %swap3A_205 = tpu.vector_load %arg9[%swap3A_203, %swap3A_204] {strides = array<i32>} : memref<80x128xf32, #tpu.memory_space<vmem>>, vector<1x16xf32>,
      %swap3A_206 = vector.shape_cast %swap3A_205 : vector<1x16xf32> to vector<16xf32>
      %swap3A_207 = vector.shape_cast %get3A_200 : vector<16xf32> to vector<1x16xf32>
      tpu.vector_store %arg9[%swap3A_203, %swap3A_204], %swap3A_207 {strides = array<i32>} : memref<80x128xf32, #tpu.memory_space<vmem>>, vector<1x16xf32>,
      %get3A_208 = arith.constant 1 : i32
      %get3A_209 = arith.index_cast %get3A_208 : i32 to index
      %get3A_210 = arith.constant 96 : index
      %get3A_211 = tpu.vector_load %arg12[%get3A_209, %get3A_210] {strides = array<i32>} : memref<8x128xf32, #tpu.memory_space<vmem>>, vector<1x16xf32>,
      %get3A_212 = vector.shape_cast %get3A_211 : vector<1x16xf32> to vector<16xf32>
      %add3A_213 = arith.constant 40 : i32
      %add3A_214 = arith.addi %add3A_213, %scan3A_53 : i32
      %swap3A_215 = arith.index_cast %add3A_214 : i32 to index
      %swap3A_216 = arith.constant 96 : index
      %swap3A_217 = tpu.vector_load %arg11[%swap3A_215, %swap3A_216] {strides = array<i32>} : memref<80x128xf32, #tpu.memory_space<vmem>>, vector<1x16xf32>,
      %swap3A_218 = vector.shape_cast %swap3A_217 : vector<1x16xf32> to vector<16xf32>
      %swap3A_219 = vector.shape_cast %get3A_212 : vector<16xf32> to vector<1x16xf32>
      tpu.vector_store %arg11[%swap3A_215, %swap3A_216], %swap3A_219 {strides = array<i32>} : memref<80x128xf32, #tpu.memory_space<vmem>>, vector<1x16xf32>,
      %get3A_220 = arith.constant 1 : i32
      %get3A_221 = arith.index_cast %get3A_220 : i32 to index
      %get3A_222 = arith.constant 112 : index
      %get3A_223 = tpu.vector_load %arg12[%get3A_221, %get3A_222] {strides = array<i32>} : memref<8x128xf32, #tpu.memory_space<vmem>>, vector<1x16xf32>,
      %get3A_224 = vector.shape_cast %get3A_223 : vector<1x16xf32> to vector<16xf32>
      %add3A_225 = arith.constant 40 : i32
      %add3A_226 = arith.addi %add3A_225, %scan3A_53 : i32
      %swap3A_227 = arith.index_cast %add3A_226 : i32 to index
      %swap3A_228 = arith.constant 112 : index
      %swap3A_229 = tpu.vector_load %arg9[%swap3A_227, %swap3A_228] {strides = array<i32>} : memref<80x128xf32, #tpu.memory_space<vmem>>, vector<1x16xf32>,
      %swap3A_230 = vector.shape_cast %swap3A_229 : vector<1x16xf32> to vector<16xf32>
      %swap3A_231 = vector.shape_cast %get3A_224 : vector<16xf32> to vector<1x16xf32>
      tpu.vector_store %arg9[%swap3A_227, %swap3A_228], %swap3A_231 {strides = array<i32>} : memref<80x128xf32, #tpu.memory_space<vmem>>, vector<1x16xf32>,
      %get3A_232 = arith.constant 1 : i32
      %get3A_233 = arith.index_cast %get3A_232 : i32 to index
      %get3A_234 = arith.constant 112 : index
      %get3A_235 = tpu.vector_load %arg12[%get3A_233, %get3A_234] {strides = array<i32>} : memref<8x128xf32, #tpu.memory_space<vmem>>, vector<1x16xf32>,
      %get3A_236 = vector.shape_cast %get3A_235 : vector<1x16xf32> to vector<16xf32>
      %add3A_237 = arith.constant 40 : i32
      %add3A_238 = arith.addi %add3A_237, %scan3A_53 : i32
      %swap3A_239 = arith.index_cast %add3A_238 : i32 to index
      %swap3A_240 = arith.constant 112 : index
      %swap3A_241 = tpu.vector_load %arg11[%swap3A_239, %swap3A_240] {strides = array<i32>} : memref<80x128xf32, #tpu.memory_space<vmem>>, vector<1x16xf32>,
      %swap3A_242 = vector.shape_cast %swap3A_241 : vector<1x16xf32> to vector<16xf32>
      %swap3A_243 = vector.shape_cast %get3A_236 : vector<16xf32> to vector<1x16xf32>
      tpu.vector_store %arg11[%swap3A_239, %swap3A_240], %swap3A_243 {strides = array<i32>} : memref<80x128xf32, #tpu.memory_space<vmem>>, vector<1x16xf32>,
    }
    %scan3A_5 = arith.constant 40 : i32
    %mul3A_6 = arith.constant 624 : i32
    %mul3A_7 = arith.muli %arg1, %mul3A_6 : i32
    %mul3A_8 = arith.constant 624 : i32
    %mul3A_9 = arith.muli %arg1, %mul3A_8 : i32
    "tpu.region"() ({
      %run_scoped3A = tpu.sem_alloc : memref<!tpu.dma_semaphore, #tpu.memory_space<semaphore_mem>>
      %dma_start3A_53 = arith.constant 0 : i32
      %dma_start3A_54 = tpu.memref_slice %arg13[%mul3A_9, %dma_start3A_53] : memref<10000x128xf32, #tpu.memory_space<vmem_shared>> -> memref<624x128xf32, #tpu.memory_space<vmem_shared>>
      %dma_start3A_55 = arith.constant 0 : i32
      %dma_start3A_56 = tpu.memref_slice %arg5[%mul3A_7, %dma_start3A_55] : memref<10000x128xf32, #tpu.memory_space<hbm>> -> memref<624x128xf32, #tpu.memory_space<hbm>>
      tpu.enqueue_dma source(%dma_start3A_56 : memref<624x128xf32, #tpu.memory_space<hbm>>) target(%dma_start3A_54 : memref<624x128xf32, #tpu.memory_space<vmem_shared>>) target_semaphore(%run_scoped3A : memref<!tpu.dma_semaphore, #tpu.memory_space<semaphore_mem>>)
      %dma_wait3A = arith.constant 0 : i32
      %dma_wait3A_57 = tpu.memref_slice %arg13[%mul3A_9, %dma_wait3A] : memref<10000x128xf32, #tpu.memory_space<vmem_shared>> -> memref<624x128xf32, #tpu.memory_space<vmem_shared>>
      %dma_wait3A_58 = arith.constant 0 : i32
      %dma_wait3A_59 = tpu.memref_slice %arg5[%mul3A_7, %dma_wait3A_58] : memref<10000x128xf32, #tpu.memory_space<hbm>> -> memref<624x128xf32, #tpu.memory_space<hbm>>
      tpu.wait_dma2 semaphore(%run_scoped3A : memref<!tpu.dma_semaphore, #tpu.memory_space<semaphore_mem>>) src(%dma_wait3A_59 : memref<624x128xf32, #tpu.memory_space<hbm>>) dst(%dma_wait3A_57 : memref<624x128xf32, #tpu.memory_space<vmem_shared>>)
      tpu.yield
    }) : () -> ()
    %eq3A = arith.constant 15 : i32
    %eq3A_10 = arith.cmpi eq, %arg1, %eq3A : i32
    %convert_element_type3A = arith.extui %eq3A_10 : i1 to i32
    %cond3A = arith.constant 0 : i32
    %cond3A_11 = arith.cmpi ne, %convert_element_type3A, %cond3A : i32
    scf.if %cond3A_11 {
      "tpu.region"() ({
        %run_scoped3A = tpu.sem_alloc : memref<!tpu.dma_semaphore, #tpu.memory_space<semaphore_mem>>
        %dma_start3A_53 = arith.constant 9984 : i32
        %dma_start3A_54 = arith.constant 0 : i32
        %dma_start3A_55 = tpu.memref_slice %arg13[%dma_start3A_53, %dma_start3A_54] : memref<10000x128xf32, #tpu.memory_space<vmem_shared>> -> memref<16x128xf32, #tpu.memory_space<vmem_shared>>
        %dma_start3A_56 = arith.constant 9984 : i32
        %dma_start3A_57 = arith.constant 0 : i32
        %dma_start3A_58 = tpu.memref_slice %arg5[%dma_start3A_56, %dma_start3A_57] : memref<10000x128xf32, #tpu.memory_space<hbm>> -> memref<16x128xf32, #tpu.memory_space<hbm>>
        tpu.enqueue_dma source(%dma_start3A_58 : memref<16x128xf32, #tpu.memory_space<hbm>>) target(%dma_start3A_55 : memref<16x128xf32, #tpu.memory_space<vmem_shared>>) target_semaphore(%run_scoped3A : memref<!tpu.dma_semaphore, #tpu.memory_space<semaphore_mem>>)
        %dma_wait3A = arith.constant 9984 : i32
        %dma_wait3A_59 = arith.constant 0 : i32
        %dma_wait3A_60 = tpu.memref_slice %arg13[%dma_wait3A, %dma_wait3A_59] : memref<10000x128xf32, #tpu.memory_space<vmem_shared>> -> memref<16x128xf32, #tpu.memory_space<vmem_shared>>
        %dma_wait3A_61 = arith.constant 9984 : i32
        %dma_wait3A_62 = arith.constant 0 : i32
        %dma_wait3A_63 = tpu.memref_slice %arg5[%dma_wait3A_61, %dma_wait3A_62] : memref<10000x128xf32, #tpu.memory_space<hbm>> -> memref<16x128xf32, #tpu.memory_space<hbm>>
        tpu.wait_dma2 semaphore(%run_scoped3A : memref<!tpu.dma_semaphore, #tpu.memory_space<semaphore_mem>>) src(%dma_wait3A_63 : memref<16x128xf32, #tpu.memory_space<hbm>>) dst(%dma_wait3A_60 : memref<16x128xf32, #tpu.memory_space<vmem_shared>>)
        tpu.yield
      }) : () -> ()
    } else {
    }
    %barrier3A = arith.constant 0 : index
    tpu.barrier barrier_id(%barrier3A)
    %mul3A_12 = arith.constant 10000 : i32
    %mul3A_13 = arith.muli %add3A, %mul3A_12 : i32
    %add3A_14 = arith.constant 0 : i32
    %add3A_15 = arith.addi %mul3A_13, %add3A_14 : i32
    %dma_start3A = arith.constant 0 : i32
    %dma_start3A_16 = tpu.memref_slice %arg8[%dma_start3A] : memref<80xi32, #tpu.memory_space<vmem>> -> memref<40xi32, #tpu.memory_space<vmem>>
    %dma_start3A_17 = tpu.memref_slice %arg2[%add3A_15] : memref<320000xi32, #tpu.memory_space<hbm>> -> memref<40xi32, #tpu.memory_space<hbm>>
    %dma_start3A_18 = arith.constant 0 : i32
    %dma_start3A_19 = tpu.memref_slice %arg8[%dma_start3A_18] : memref<80xi32, #tpu.memory_space<vmem>> -> memref<40xi32, #tpu.memory_space<vmem>>
    %dma_start3A_20 = tpu.memref_slice %arg2[%add3A_15] : memref<320000xi32, #tpu.memory_space<hbm>> -> memref<40xi32, #tpu.memory_space<hbm>>
    tpu.enqueue_dma source(%dma_start3A_20 : memref<40xi32, #tpu.memory_space<hbm>>) target(%dma_start3A_19 : memref<40xi32, #tpu.memory_space<vmem>>) target_semaphore(%arg14 : memref<!tpu.dma_semaphore, #tpu.memory_space<semaphore_mem>>)
    %dma_start3A_21 = arith.constant 40 : i32
    %dma_start3A_22 = tpu.memref_slice %arg8[%dma_start3A_21] : memref<80xi32, #tpu.memory_space<vmem>> -> memref<40xi32, #tpu.memory_space<vmem>>
    %dma_start3A_23 = tpu.memref_slice %arg3[%add3A_15] : memref<320000xi32, #tpu.memory_space<hbm>> -> memref<40xi32, #tpu.memory_space<hbm>>
    %dma_start3A_24 = arith.constant 40 : i32
    %dma_start3A_25 = tpu.memref_slice %arg8[%dma_start3A_24] : memref<80xi32, #tpu.memory_space<vmem>> -> memref<40xi32, #tpu.memory_space<vmem>>
    %dma_start3A_26 = tpu.memref_slice %arg3[%add3A_15] : memref<320000xi32, #tpu.memory_space<hbm>> -> memref<40xi32, #tpu.memory_space<hbm>>
    tpu.enqueue_dma source(%dma_start3A_26 : memref<40xi32, #tpu.memory_space<hbm>>) target(%dma_start3A_25 : memref<40xi32, #tpu.memory_space<vmem>>) target_semaphore(%arg14 : memref<!tpu.dma_semaphore, #tpu.memory_space<semaphore_mem>>)
    %dma_start3A_27 = arith.constant 0 : i32
    %dma_start3A_28 = arith.constant 0 : i32
    %dma_start3A_29 = tpu.memref_slice %arg9[%dma_start3A_27, %dma_start3A_28] : memref<80x128xf32, #tpu.memory_space<vmem>> -> memref<40x128xf32, #tpu.memory_space<vmem>>
    %dma_start3A_30 = arith.constant 0 : i32
    %dma_start3A_31 = tpu.memref_slice %arg4[%add3A_15, %dma_start3A_30] : memref<320000x128xf32, #tpu.memory_space<hbm>> -> memref<40x128xf32, #tpu.memory_space<hbm>>
    %dma_start3A_32 = arith.constant 0 : i32
    %dma_start3A_33 = arith.constant 0 : i32
    %dma_start3A_34 = tpu.memref_slice %arg9[%dma_start3A_32, %dma_start3A_33] : memref<80x128xf32, #tpu.memory_space<vmem>> -> memref<40x128xf32, #tpu.memory_space<vmem>>
    %dma_start3A_35 = arith.constant 0 : i32
    %dma_start3A_36 = tpu.memref_slice %arg4[%add3A_15, %dma_start3A_35] : memref<320000x128xf32, #tpu.memory_space<hbm>> -> memref<40x128xf32, #tpu.memory_space<hbm>>
    tpu.enqueue_dma source(%dma_start3A_36 : memref<40x128xf32, #tpu.memory_space<hbm>>) target(%dma_start3A_34 : memref<40x128xf32, #tpu.memory_space<vmem>>) target_semaphore(%arg15 : memref<!tpu.dma_semaphore, #tpu.memory_space<semaphore_mem>>)
    %scan3A_37 = arith.constant 0 : i32
    %scan3A_38 = arith.constant 0 : i32
    %scan3A_39 = arith.constant 125 : i32
    %scan3A_40 = arith.addi %scan3A_38, %scan3A_39 : i32
    %scan3A_41 = arith.constant 1 : i32
    scf.for %scan3A_53 = %scan3A_38 to %scan3A_40 step %scan3A_41  : i32 {
      %mul3A_54 = arith.constant 2 : i32
      %mul3A_55 = arith.muli %mul3A_54, %scan3A_53 : i32
      %add3A_56 = arith.constant 1 : i32
      %add3A_57 = arith.addi %mul3A_55, %add3A_56 : i32
      %mul3A_58 = arith.constant 40 : i32
      %mul3A_59 = arith.muli %add3A_57, %mul3A_58 : i32
      %add3A_60 = arith.addi %mul3A_13, %mul3A_59 : i32
      %dma_start3A_61 = arith.constant 0 : i32
      %dma_start3A_62 = tpu.memref_slice %arg10[%dma_start3A_61] : memref<80xi32, #tpu.memory_space<vmem>> -> memref<40xi32, #tpu.memory_space<vmem>>
      %dma_start3A_63 = tpu.memref_slice %arg2[%add3A_60] : memref<320000xi32, #tpu.memory_space<hbm>> -> memref<40xi32, #tpu.memory_space<hbm>>
      %dma_start3A_64 = arith.constant 0 : i32
      %dma_start3A_65 = tpu.memref_slice %arg10[%dma_start3A_64] : memref<80xi32, #tpu.memory_space<vmem>> -> memref<40xi32, #tpu.memory_space<vmem>>
      %dma_start3A_66 = tpu.memref_slice %arg2[%add3A_60] : memref<320000xi32, #tpu.memory_space<hbm>> -> memref<40xi32, #tpu.memory_space<hbm>>
      tpu.enqueue_dma source(%dma_start3A_66 : memref<40xi32, #tpu.memory_space<hbm>>) target(%dma_start3A_65 : memref<40xi32, #tpu.memory_space<vmem>>) target_semaphore(%arg16 : memref<!tpu.dma_semaphore, #tpu.memory_space<semaphore_mem>>)
      %dma_start3A_67 = arith.constant 40 : i32
      %dma_start3A_68 = tpu.memref_slice %arg10[%dma_start3A_67] : memref<80xi32, #tpu.memory_space<vmem>> -> memref<40xi32, #tpu.memory_space<vmem>>
      %dma_start3A_69 = tpu.memref_slice %arg3[%add3A_60] : memref<320000xi32, #tpu.memory_space<hbm>> -> memref<40xi32, #tpu.memory_space<hbm>>
      %dma_start3A_70 = arith.constant 40 : i32
      %dma_start3A_71 = tpu.memref_slice %arg10[%dma_start3A_70] : memref<80xi32, #tpu.memory_space<vmem>> -> memref<40xi32, #tpu.memory_space<vmem>>
      %dma_start3A_72 = tpu.memref_slice %arg3[%add3A_60] : memref<320000xi32, #tpu.memory_space<hbm>> -> memref<40xi32, #tpu.memory_space<hbm>>
      tpu.enqueue_dma source(%dma_start3A_72 : memref<40xi32, #tpu.memory_space<hbm>>) target(%dma_start3A_71 : memref<40xi32, #tpu.memory_space<vmem>>) target_semaphore(%arg16 : memref<!tpu.dma_semaphore, #tpu.memory_space<semaphore_mem>>)
      %dma_start3A_73 = arith.constant 0 : i32
      %dma_start3A_74 = arith.constant 0 : i32
      %dma_start3A_75 = tpu.memref_slice %arg11[%dma_start3A_73, %dma_start3A_74] : memref<80x128xf32, #tpu.memory_space<vmem>> -> memref<40x128xf32, #tpu.memory_space<vmem>>
      %dma_start3A_76 = arith.constant 0 : i32
      %dma_start3A_77 = tpu.memref_slice %arg4[%add3A_60, %dma_start3A_76] : memref<320000x128xf32, #tpu.memory_space<hbm>> -> memref<40x128xf32, #tpu.memory_space<hbm>>
      %dma_start3A_78 = arith.constant 0 : i32
      %dma_start3A_79 = arith.constant 0 : i32
      %dma_start3A_80 = tpu.memref_slice %arg11[%dma_start3A_78, %dma_start3A_79] : memref<80x128xf32, #tpu.memory_space<vmem>> -> memref<40x128xf32, #tpu.memory_space<vmem>>
      %dma_start3A_81 = arith.constant 0 : i32
      %dma_start3A_82 = tpu.memref_slice %arg4[%add3A_60, %dma_start3A_81] : memref<320000x128xf32, #tpu.memory_space<hbm>> -> memref<40x128xf32, #tpu.memory_space<hbm>>
      tpu.enqueue_dma source(%dma_start3A_82 : memref<40x128xf32, #tpu.memory_space<hbm>>) target(%dma_start3A_80 : memref<40x128xf32, #tpu.memory_space<vmem>>) target_semaphore(%arg17 : memref<!tpu.dma_semaphore, #tpu.memory_space<semaphore_mem>>)
      %mul3A_83 = arith.constant 40 : i32
      %mul3A_84 = arith.muli %mul3A_55, %mul3A_83 : i32
      %add3A_85 = arith.addi %mul3A_13, %mul3A_84 : i32
      %dma_wait3A = arith.constant 0 : i32
      %dma_wait3A_86 = tpu.memref_slice %arg8[%dma_wait3A] : memref<80xi32, #tpu.memory_space<vmem>> -> memref<40xi32, #tpu.memory_space<vmem>>
      %dma_wait3A_87 = tpu.memref_slice %arg2[%add3A_85] : memref<320000xi32, #tpu.memory_space<hbm>> -> memref<40xi32, #tpu.memory_space<hbm>>
      %dma_wait3A_88 = arith.constant 0 : i32
      %dma_wait3A_89 = tpu.memref_slice %arg8[%dma_wait3A_88] : memref<80xi32, #tpu.memory_space<vmem>> -> memref<40xi32, #tpu.memory_space<vmem>>
      %dma_wait3A_90 = tpu.memref_slice %arg2[%add3A_85] : memref<320000xi32, #tpu.memory_space<hbm>> -> memref<40xi32, #tpu.memory_space<hbm>>
      tpu.wait_dma2 semaphore(%arg14 : memref<!tpu.dma_semaphore, #tpu.memory_space<semaphore_mem>>) src(%dma_wait3A_90 : memref<40xi32, #tpu.memory_space<hbm>>) dst(%dma_wait3A_89 : memref<40xi32, #tpu.memory_space<vmem>>)
      %dma_wait3A_91 = arith.constant 40 : i32
      %dma_wait3A_92 = tpu.memref_slice %arg8[%dma_wait3A_91] : memref<80xi32, #tpu.memory_space<vmem>> -> memref<40xi32, #tpu.memory_space<vmem>>
      %dma_wait3A_93 = tpu.memref_slice %arg3[%add3A_85] : memref<320000xi32, #tpu.memory_space<hbm>> -> memref<40xi32, #tpu.memory_space<hbm>>
      %dma_wait3A_94 = arith.constant 40 : i32
      %dma_wait3A_95 = tpu.memref_slice %arg8[%dma_wait3A_94] : memref<80xi32, #tpu.memory_space<vmem>> -> memref<40xi32, #tpu.memory_space<vmem>>
      %dma_wait3A_96 = tpu.memref_slice %arg3[%add3A_85] : memref<320000xi32, #tpu.memory_space<hbm>> -> memref<40xi32, #tpu.memory_space<hbm>>
      tpu.wait_dma2 semaphore(%arg14 : memref<!tpu.dma_semaphore, #tpu.memory_space<semaphore_mem>>) src(%dma_wait3A_96 : memref<40xi32, #tpu.memory_space<hbm>>) dst(%dma_wait3A_95 : memref<40xi32, #tpu.memory_space<vmem>>)
      %dma_wait3A_97 = arith.constant 0 : i32
      %dma_wait3A_98 = arith.constant 0 : i32
      %dma_wait3A_99 = tpu.memref_slice %arg9[%dma_wait3A_97, %dma_wait3A_98] : memref<80x128xf32, #tpu.memory_space<vmem>> -> memref<40x128xf32, #tpu.memory_space<vmem>>
      %dma_wait3A_100 = arith.constant 0 : i32
      %dma_wait3A_101 = tpu.memref_slice %arg4[%add3A_85, %dma_wait3A_100] : memref<320000x128xf32, #tpu.memory_space<hbm>> -> memref<40x128xf32, #tpu.memory_space<hbm>>
      %dma_wait3A_102 = arith.constant 0 : i32
      %dma_wait3A_103 = arith.constant 0 : i32
      %dma_wait3A_104 = tpu.memref_slice %arg9[%dma_wait3A_102, %dma_wait3A_103] : memref<80x128xf32, #tpu.memory_space<vmem>> -> memref<40x128xf32, #tpu.memory_space<vmem>>
      %dma_wait3A_105 = arith.constant 0 : i32
      %dma_wait3A_106 = tpu.memref_slice %arg4[%add3A_85, %dma_wait3A_105] : memref<320000x128xf32, #tpu.memory_space<hbm>> -> memref<40x128xf32, #tpu.memory_space<hbm>>
      tpu.wait_dma2 semaphore(%arg15 : memref<!tpu.dma_semaphore, #tpu.memory_space<semaphore_mem>>) src(%dma_wait3A_106 : memref<40x128xf32, #tpu.memory_space<hbm>>) dst(%dma_wait3A_104 : memref<40x128xf32, #tpu.memory_space<vmem>>)
      "tpu.region"() ({
        %run_scoped3A = tpu.sem_alloc : memref<!tpu.dma_semaphore, #tpu.memory_space<semaphore_mem>>
        %dma_start3A_140 = arith.constant 0 : i32
        %dma_start3A_141 = arith.constant 0 : i32
        %dma_start3A_142 = tpu.memref_slice %arg13[%dma_start3A_140, %dma_start3A_141] : memref<10000x128xf32, #tpu.memory_space<vmem_shared>> -> memref<10000x128xf32, #tpu.memory_space<vmem_shared>>
        tpu.enqueue_indirect_dma source(%arg9 : memref<80x128xf32, #tpu.memory_space<vmem>>) target(%dma_start3A_142 : memref<10000x128xf32, #tpu.memory_space<vmem_shared>>) offsets(%arg8 : memref<80xi32, #tpu.memory_space<vmem>>) semaphore(%run_scoped3A : memref<!tpu.dma_semaphore, #tpu.memory_space<semaphore_mem>>) {add = true}
        %dma_wait3A_143 = arith.constant 0 : i32
        %dma_wait3A_144 = arith.constant 0 : i32
        %dma_wait3A_145 = tpu.memref_slice %arg13[%dma_wait3A_143, %dma_wait3A_144] : memref<10000x128xf32, #tpu.memory_space<vmem_shared>> -> memref<10000x128xf32, #tpu.memory_space<vmem_shared>>
        tpu.wait_indirect_dma semaphore(%run_scoped3A : memref<!tpu.dma_semaphore, #tpu.memory_space<semaphore_mem>>) src(%arg9 : memref<80x128xf32, #tpu.memory_space<vmem>>) dst(%dma_wait3A_145 : memref<10000x128xf32, #tpu.memory_space<vmem_shared>>)
        tpu.yield
      }) : () -> ()
      %add3A_107 = arith.constant 1 : i32
      %add3A_108 = arith.addi %scan3A_53, %add3A_107 : i32
      %lt3A = arith.constant 125 : i32
      %lt3A_109 = arith.cmpi slt, %add3A_108, %lt3A : i32
      %convert_element_type3A_110 = arith.extui %lt3A_109 : i1 to i32
      %cond3A_111 = arith.constant 0 : i32
      %cond3A_112 = arith.cmpi ne, %convert_element_type3A_110, %cond3A_111 : i32
      scf.if %cond3A_112 {
        %add3A_140 = arith.constant 2 : i32
        %add3A_141 = arith.addi %mul3A_55, %add3A_140 : i32
        %mul3A_142 = arith.constant 40 : i32
        %mul3A_143 = arith.muli %add3A_141, %mul3A_142 : i32
        %add3A_144 = arith.addi %mul3A_13, %mul3A_143 : i32
        %dma_start3A_145 = arith.constant 0 : i32
        %dma_start3A_146 = tpu.memref_slice %arg8[%dma_start3A_145] : memref<80xi32, #tpu.memory_space<vmem>> -> memref<40xi32, #tpu.memory_space<vmem>>
        %dma_start3A_147 = tpu.memref_slice %arg2[%add3A_144] : memref<320000xi32, #tpu.memory_space<hbm>> -> memref<40xi32, #tpu.memory_space<hbm>>
        %dma_start3A_148 = arith.constant 0 : i32
        %dma_start3A_149 = tpu.memref_slice %arg8[%dma_start3A_148] : memref<80xi32, #tpu.memory_space<vmem>> -> memref<40xi32, #tpu.memory_space<vmem>>
        %dma_start3A_150 = tpu.memref_slice %arg2[%add3A_144] : memref<320000xi32, #tpu.memory_space<hbm>> -> memref<40xi32, #tpu.memory_space<hbm>>
        tpu.enqueue_dma source(%dma_start3A_150 : memref<40xi32, #tpu.memory_space<hbm>>) target(%dma_start3A_149 : memref<40xi32, #tpu.memory_space<vmem>>) target_semaphore(%arg14 : memref<!tpu.dma_semaphore, #tpu.memory_space<semaphore_mem>>)
        %dma_start3A_151 = arith.constant 40 : i32
        %dma_start3A_152 = tpu.memref_slice %arg8[%dma_start3A_151] : memref<80xi32, #tpu.memory_space<vmem>> -> memref<40xi32, #tpu.memory_space<vmem>>
        %dma_start3A_153 = tpu.memref_slice %arg3[%add3A_144] : memref<320000xi32, #tpu.memory_space<hbm>> -> memref<40xi32, #tpu.memory_space<hbm>>
        %dma_start3A_154 = arith.constant 40 : i32
        %dma_start3A_155 = tpu.memref_slice %arg8[%dma_start3A_154] : memref<80xi32, #tpu.memory_space<vmem>> -> memref<40xi32, #tpu.memory_space<vmem>>
        %dma_start3A_156 = tpu.memref_slice %arg3[%add3A_144] : memref<320000xi32, #tpu.memory_space<hbm>> -> memref<40xi32, #tpu.memory_space<hbm>>
        tpu.enqueue_dma source(%dma_start3A_156 : memref<40xi32, #tpu.memory_space<hbm>>) target(%dma_start3A_155 : memref<40xi32, #tpu.memory_space<vmem>>) target_semaphore(%arg14 : memref<!tpu.dma_semaphore, #tpu.memory_space<semaphore_mem>>)
        %dma_start3A_157 = arith.constant 0 : i32
        %dma_start3A_158 = arith.constant 0 : i32
        %dma_start3A_159 = tpu.memref_slice %arg9[%dma_start3A_157, %dma_start3A_158] : memref<80x128xf32, #tpu.memory_space<vmem>> -> memref<40x128xf32, #tpu.memory_space<vmem>>
        %dma_start3A_160 = arith.constant 0 : i32
        %dma_start3A_161 = tpu.memref_slice %arg4[%add3A_144, %dma_start3A_160] : memref<320000x128xf32, #tpu.memory_space<hbm>> -> memref<40x128xf32, #tpu.memory_space<hbm>>
        %dma_start3A_162 = arith.constant 0 : i32
        %dma_start3A_163 = arith.constant 0 : i32
        %dma_start3A_164 = tpu.memref_slice %arg9[%dma_start3A_162, %dma_start3A_163] : memref<80x128xf32, #tpu.memory_space<vmem>> -> memref<40x128xf32, #tpu.memory_space<vmem>>
        %dma_start3A_165 = arith.constant 0 : i32
        %dma_start3A_166 = tpu.memref_slice %arg4[%add3A_144, %dma_start3A_165] : memref<320000x128xf32, #tpu.memory_space<hbm>> -> memref<40x128xf32, #tpu.memory_space<hbm>>
        tpu.enqueue_dma source(%dma_start3A_166 : memref<40x128xf32, #tpu.memory_space<hbm>>) target(%dma_start3A_164 : memref<40x128xf32, #tpu.memory_space<vmem>>) target_semaphore(%arg15 : memref<!tpu.dma_semaphore, #tpu.memory_space<semaphore_mem>>)
      } else {
      }
      %add3A_113 = arith.constant 1 : i32
      %add3A_114 = arith.addi %mul3A_55, %add3A_113 : i32
      %mul3A_115 = arith.constant 40 : i32
      %mul3A_116 = arith.muli %add3A_114, %mul3A_115 : i32
      %add3A_117 = arith.addi %mul3A_13, %mul3A_116 : i32
      %dma_wait3A_118 = arith.constant 0 : i32
      %dma_wait3A_119 = tpu.memref_slice %arg10[%dma_wait3A_118] : memref<80xi32, #tpu.memory_space<vmem>> -> memref<40xi32, #tpu.memory_space<vmem>>
      %dma_wait3A_120 = tpu.memref_slice %arg2[%add3A_117] : memref<320000xi32, #tpu.memory_space<hbm>> -> memref<40xi32, #tpu.memory_space<hbm>>
      %dma_wait3A_121 = arith.constant 0 : i32
      %dma_wait3A_122 = tpu.memref_slice %arg10[%dma_wait3A_121] : memref<80xi32, #tpu.memory_space<vmem>> -> memref<40xi32, #tpu.memory_space<vmem>>
      %dma_wait3A_123 = tpu.memref_slice %arg2[%add3A_117] : memref<320000xi32, #tpu.memory_space<hbm>> -> memref<40xi32, #tpu.memory_space<hbm>>
      tpu.wait_dma2 semaphore(%arg16 : memref<!tpu.dma_semaphore, #tpu.memory_space<semaphore_mem>>) src(%dma_wait3A_123 : memref<40xi32, #tpu.memory_space<hbm>>) dst(%dma_wait3A_122 : memref<40xi32, #tpu.memory_space<vmem>>)
      %dma_wait3A_124 = arith.constant 40 : i32
      %dma_wait3A_125 = tpu.memref_slice %arg10[%dma_wait3A_124] : memref<80xi32, #tpu.memory_space<vmem>> -> memref<40xi32, #tpu.memory_space<vmem>>
      %dma_wait3A_126 = tpu.memref_slice %arg3[%add3A_117] : memref<320000xi32, #tpu.memory_space<hbm>> -> memref<40xi32, #tpu.memory_space<hbm>>
      %dma_wait3A_127 = arith.constant 40 : i32
      %dma_wait3A_128 = tpu.memref_slice %arg10[%dma_wait3A_127] : memref<80xi32, #tpu.memory_space<vmem>> -> memref<40xi32, #tpu.memory_space<vmem>>
      %dma_wait3A_129 = tpu.memref_slice %arg3[%add3A_117] : memref<320000xi32, #tpu.memory_space<hbm>> -> memref<40xi32, #tpu.memory_space<hbm>>
      tpu.wait_dma2 semaphore(%arg16 : memref<!tpu.dma_semaphore, #tpu.memory_space<semaphore_mem>>) src(%dma_wait3A_129 : memref<40xi32, #tpu.memory_space<hbm>>) dst(%dma_wait3A_128 : memref<40xi32, #tpu.memory_space<vmem>>)
      %dma_wait3A_130 = arith.constant 0 : i32
      %dma_wait3A_131 = arith.constant 0 : i32
      %dma_wait3A_132 = tpu.memref_slice %arg11[%dma_wait3A_130, %dma_wait3A_131] : memref<80x128xf32, #tpu.memory_space<vmem>> -> memref<40x128xf32, #tpu.memory_space<vmem>>
      %dma_wait3A_133 = arith.constant 0 : i32
      %dma_wait3A_134 = tpu.memref_slice %arg4[%add3A_117, %dma_wait3A_133] : memref<320000x128xf32, #tpu.memory_space<hbm>> -> memref<40x128xf32, #tpu.memory_space<hbm>>
      %dma_wait3A_135 = arith.constant 0 : i32
      %dma_wait3A_136 = arith.constant 0 : i32
      %dma_wait3A_137 = tpu.memref_slice %arg11[%dma_wait3A_135, %dma_wait3A_136] : memref<80x128xf32, #tpu.memory_space<vmem>> -> memref<40x128xf32, #tpu.memory_space<vmem>>
      %dma_wait3A_138 = arith.constant 0 : i32
      %dma_wait3A_139 = tpu.memref_slice %arg4[%add3A_117, %dma_wait3A_138] : memref<320000x128xf32, #tpu.memory_space<hbm>> -> memref<40x128xf32, #tpu.memory_space<hbm>>
      tpu.wait_dma2 semaphore(%arg17 : memref<!tpu.dma_semaphore, #tpu.memory_space<semaphore_mem>>) src(%dma_wait3A_139 : memref<40x128xf32, #tpu.memory_space<hbm>>) dst(%dma_wait3A_137 : memref<40x128xf32, #tpu.memory_space<vmem>>)
      "tpu.region"() ({
        %run_scoped3A = tpu.sem_alloc : memref<!tpu.dma_semaphore, #tpu.memory_space<semaphore_mem>>
        %dma_start3A_140 = arith.constant 0 : i32
        %dma_start3A_141 = arith.constant 0 : i32
        %dma_start3A_142 = tpu.memref_slice %arg13[%dma_start3A_140, %dma_start3A_141] : memref<10000x128xf32, #tpu.memory_space<vmem_shared>> -> memref<10000x128xf32, #tpu.memory_space<vmem_shared>>
        tpu.enqueue_indirect_dma source(%arg11 : memref<80x128xf32, #tpu.memory_space<vmem>>) target(%dma_start3A_142 : memref<10000x128xf32, #tpu.memory_space<vmem_shared>>) offsets(%arg10 : memref<80xi32, #tpu.memory_space<vmem>>) semaphore(%run_scoped3A : memref<!tpu.dma_semaphore, #tpu.memory_space<semaphore_mem>>) {add = true}
        %dma_wait3A_143 = arith.constant 0 : i32
        %dma_wait3A_144 = arith.constant 0 : i32
        %dma_wait3A_145 = tpu.memref_slice %arg13[%dma_wait3A_143, %dma_wait3A_144] : memref<10000x128xf32, #tpu.memory_space<vmem_shared>> -> memref<10000x128xf32, #tpu.memory_space<vmem_shared>>
        tpu.wait_indirect_dma semaphore(%run_scoped3A : memref<!tpu.dma_semaphore, #tpu.memory_space<semaphore_mem>>) src(%arg11 : memref<80x128xf32, #tpu.memory_space<vmem>>) dst(%dma_wait3A_145 : memref<10000x128xf32, #tpu.memory_space<vmem_shared>>)
        tpu.yield
      }) : () -> ()
    }
    %scan3A_42 = arith.constant 125 : i32
    %barrier3A_43 = arith.constant 0 : index
    tpu.barrier barrier_id(%barrier3A_43)
    %mul3A_44 = arith.constant 624 : i32
    %mul3A_45 = arith.muli %arg1, %mul3A_44 : i32
    %mul3A_46 = arith.constant 624 : i32
    %mul3A_47 = arith.muli %arg1, %mul3A_46 : i32
    "tpu.region"() ({
      %run_scoped3A = tpu.sem_alloc : memref<!tpu.dma_semaphore, #tpu.memory_space<semaphore_mem>>
      %dma_start3A_53 = arith.constant 0 : i32
      %dma_start3A_54 = tpu.memref_slice %arg7[%arg0, %mul3A_47, %dma_start3A_53] : memref<2x10000x128xf32, #tpu.memory_space<hbm>> -> memref<1x624x128xf32, #tpu.memory_space<hbm>>
      %dma_start3A_55 = tpu.memref_squeeze %dma_start3A_54 : memref<1x624x128xf32, #tpu.memory_space<hbm>> -> memref<624x128xf32, #tpu.memory_space<hbm>>
      %dma_start3A_56 = arith.constant 0 : i32
      %dma_start3A_57 = tpu.memref_slice %arg13[%mul3A_45, %dma_start3A_56] : memref<10000x128xf32, #tpu.memory_space<vmem_shared>> -> memref<624x128xf32, #tpu.memory_space<vmem_shared>>
      tpu.enqueue_dma source(%dma_start3A_57 : memref<624x128xf32, #tpu.memory_space<vmem_shared>>) target(%dma_start3A_55 : memref<624x128xf32, #tpu.memory_space<hbm>>) target_semaphore(%run_scoped3A : memref<!tpu.dma_semaphore, #tpu.memory_space<semaphore_mem>>)
      %dma_wait3A = arith.constant 0 : i32
      %dma_wait3A_58 = tpu.memref_slice %arg7[%arg0, %mul3A_47, %dma_wait3A] : memref<2x10000x128xf32, #tpu.memory_space<hbm>> -> memref<1x624x128xf32, #tpu.memory_space<hbm>>
      %dma_wait3A_59 = tpu.memref_squeeze %dma_wait3A_58 : memref<1x624x128xf32, #tpu.memory_space<hbm>> -> memref<624x128xf32, #tpu.memory_space<hbm>>
      %dma_wait3A_60 = arith.constant 0 : i32
      %dma_wait3A_61 = tpu.memref_slice %arg13[%mul3A_45, %dma_wait3A_60] : memref<10000x128xf32, #tpu.memory_space<vmem_shared>> -> memref<624x128xf32, #tpu.memory_space<vmem_shared>>
      tpu.wait_dma2 semaphore(%run_scoped3A : memref<!tpu.dma_semaphore, #tpu.memory_space<semaphore_mem>>) src(%dma_wait3A_61 : memref<624x128xf32, #tpu.memory_space<vmem_shared>>) dst(%dma_wait3A_59 : memref<624x128xf32, #tpu.memory_space<hbm>>)
      tpu.yield
    }) : () -> ()
    %eq3A_48 = arith.constant 15 : i32
    %eq3A_49 = arith.cmpi eq, %arg1, %eq3A_48 : i32
    %convert_element_type3A_50 = arith.extui %eq3A_49 : i1 to i32
    %cond3A_51 = arith.constant 0 : i32
    %cond3A_52 = arith.cmpi ne, %convert_element_type3A_50, %cond3A_51 : i32
    scf.if %cond3A_52 {
      "tpu.region"() ({
        %run_scoped3A = tpu.sem_alloc : memref<!tpu.dma_semaphore, #tpu.memory_space<semaphore_mem>>
        %dma_start3A_53 = arith.constant 9984 : i32
        %dma_start3A_54 = arith.constant 0 : i32
        %dma_start3A_55 = tpu.memref_slice %arg7[%arg0, %dma_start3A_53, %dma_start3A_54] : memref<2x10000x128xf32, #tpu.memory_space<hbm>> -> memref<1x16x128xf32, #tpu.memory_space<hbm>>
        %dma_start3A_56 = tpu.memref_squeeze %dma_start3A_55 : memref<1x16x128xf32, #tpu.memory_space<hbm>> -> memref<16x128xf32, #tpu.memory_space<hbm>>
        %dma_start3A_57 = arith.constant 9984 : i32
        %dma_start3A_58 = arith.constant 0 : i32
        %dma_start3A_59 = tpu.memref_slice %arg13[%dma_start3A_57, %dma_start3A_58] : memref<10000x128xf32, #tpu.memory_space<vmem_shared>> -> memref<16x128xf32, #tpu.memory_space<vmem_shared>>
        tpu.enqueue_dma source(%dma_start3A_59 : memref<16x128xf32, #tpu.memory_space<vmem_shared>>) target(%dma_start3A_56 : memref<16x128xf32, #tpu.memory_space<hbm>>) target_semaphore(%run_scoped3A : memref<!tpu.dma_semaphore, #tpu.memory_space<semaphore_mem>>)
        %dma_wait3A = arith.constant 9984 : i32
        %dma_wait3A_60 = arith.constant 0 : i32
        %dma_wait3A_61 = tpu.memref_slice %arg7[%arg0, %dma_wait3A, %dma_wait3A_60] : memref<2x10000x128xf32, #tpu.memory_space<hbm>> -> memref<1x16x128xf32, #tpu.memory_space<hbm>>
        %dma_wait3A_62 = tpu.memref_squeeze %dma_wait3A_61 : memref<1x16x128xf32, #tpu.memory_space<hbm>> -> memref<16x128xf32, #tpu.memory_space<hbm>>
        %dma_wait3A_63 = arith.constant 9984 : i32
        %dma_wait3A_64 = arith.constant 0 : i32
        %dma_wait3A_65 = tpu.memref_slice %arg13[%dma_wait3A_63, %dma_wait3A_64] : memref<10000x128xf32, #tpu.memory_space<vmem_shared>> -> memref<16x128xf32, #tpu.memory_space<vmem_shared>>
        tpu.wait_dma2 semaphore(%run_scoped3A : memref<!tpu.dma_semaphore, #tpu.memory_space<semaphore_mem>>) src(%dma_wait3A_65 : memref<16x128xf32, #tpu.memory_space<vmem_shared>>) dst(%dma_wait3A_62 : memref<16x128xf32, #tpu.memory_space<hbm>>)
        tpu.yield
      }) : () -> ()
    } else {
    }
    return
  }
}

#map = affine_map<(d0, d1) -> (0)>
#map1 = affine_map<(d0, d1) -> (0, 0)>
#map2 = affine_map<(d0, d1) -> (0, 0, 0)>
module attributes {stable_mosaic.version = 14 : i64} {
  func.func @k(%arg0: i32, %arg1: i32, %arg2: memref<320000xi32, #tpu.memory_space<hbm>>, %arg3: memref<320000xi32, #tpu.memory_space<hbm>>, %arg4: memref<20000x128xf32, #tpu.memory_space<hbm>>, %arg5: memref<2x320000x128xf32, #tpu.memory_space<hbm>>, %arg6: memref<10000x128xf32, #tpu.memory_space<hbm>>, %arg7: memref<2x10000x128xf32, #tpu.memory_space<hbm>>, %arg8: memref<80xi32, #tpu.memory_space<vmem>>, %arg9: memref<80xi32, #tpu.memory_space<vmem>>, %arg10: memref<80x128xf32, #tpu.memory_space<vmem>>, %arg11: memref<80x128xf32, #tpu.memory_space<vmem>>, %arg12: memref<80xi32, #tpu.memory_space<vmem>>, %arg13: memref<80xi32, #tpu.memory_space<vmem>>, %arg14: memref<80x128xf32, #tpu.memory_space<vmem>>, %arg15: memref<80x128xf32, #tpu.memory_space<vmem>>, %arg16: memref<10000x128xf32, #tpu.memory_space<vmem_shared>>, %arg17: memref<!tpu.dma_semaphore, #tpu.memory_space<semaphore_mem>>, %arg18: memref<!tpu.dma_semaphore, #tpu.memory_space<semaphore_mem>>, %arg19: memref<!tpu.dma_semaphore, #tpu.memory_space<semaphore_mem>>, %arg20: memref<!tpu.dma_semaphore, #tpu.memory_space<semaphore_mem>>, %arg21: memref<!tpu.dma_semaphore, #tpu.memory_space<semaphore_mem>>, %arg22: memref<!tpu.dma_semaphore, #tpu.memory_space<semaphore_mem>>) attributes {dimension_semantics = [#tpu.dimension_semantics<core_parallel>, #tpu.dimension_semantics<subcore_parallel>], iteration_bounds = array<i64: 2, 16>, scalar_prefetch = 0 : i64, scratch_operands = 15 : i64, tpu.core_type = #tpu.core_type<sc_vector_subcore>, window_params = [{transform_indices = #map}, {transform_indices = #map}, {transform_indices = #map1}, {transform_indices = #map2}, {transform_indices = #map1}, {transform_indices = #map2}]} {
    %mul3A = arith.constant 624 : i32
    %mul3A_0 = arith.muli %arg1, %mul3A : i32
    %mul3A_1 = arith.constant 624 : i32
    %mul3A_2 = arith.muli %arg1, %mul3A_1 : i32
    "tpu.region"() ({
      %run_scoped3A = tpu.sem_alloc : memref<!tpu.dma_semaphore, #tpu.memory_space<semaphore_mem>>
      %dma_start3A_94 = arith.constant 0 : i32
      %dma_start3A_95 = tpu.memref_slice %arg16[%mul3A_2, %dma_start3A_94] : memref<10000x128xf32, #tpu.memory_space<vmem_shared>> -> memref<624x128xf32, #tpu.memory_space<vmem_shared>>
      %dma_start3A_96 = arith.constant 0 : i32
      %dma_start3A_97 = tpu.memref_slice %arg6[%mul3A_0, %dma_start3A_96] : memref<10000x128xf32, #tpu.memory_space<hbm>> -> memref<624x128xf32, #tpu.memory_space<hbm>>
      tpu.enqueue_dma source(%dma_start3A_97 : memref<624x128xf32, #tpu.memory_space<hbm>>) target(%dma_start3A_95 : memref<624x128xf32, #tpu.memory_space<vmem_shared>>) target_semaphore(%run_scoped3A : memref<!tpu.dma_semaphore, #tpu.memory_space<semaphore_mem>>)
      %dma_wait3A_98 = arith.constant 0 : i32
      %dma_wait3A_99 = tpu.memref_slice %arg16[%mul3A_2, %dma_wait3A_98] : memref<10000x128xf32, #tpu.memory_space<vmem_shared>> -> memref<624x128xf32, #tpu.memory_space<vmem_shared>>
      %dma_wait3A_100 = arith.constant 0 : i32
      %dma_wait3A_101 = tpu.memref_slice %arg6[%mul3A_0, %dma_wait3A_100] : memref<10000x128xf32, #tpu.memory_space<hbm>> -> memref<624x128xf32, #tpu.memory_space<hbm>>
      tpu.wait_dma2 semaphore(%run_scoped3A : memref<!tpu.dma_semaphore, #tpu.memory_space<semaphore_mem>>) src(%dma_wait3A_101 : memref<624x128xf32, #tpu.memory_space<hbm>>) dst(%dma_wait3A_99 : memref<624x128xf32, #tpu.memory_space<vmem_shared>>)
      tpu.yield
    }) : () -> ()
    %eq3A = arith.constant 15 : i32
    %eq3A_3 = arith.cmpi eq, %arg1, %eq3A : i32
    %convert_element_type3A = arith.extui %eq3A_3 : i1 to i32
    %cond3A = arith.constant 0 : i32
    %cond3A_4 = arith.cmpi ne, %convert_element_type3A, %cond3A : i32
    scf.if %cond3A_4 {
      "tpu.region"() ({
        %run_scoped3A = tpu.sem_alloc : memref<!tpu.dma_semaphore, #tpu.memory_space<semaphore_mem>>
        %dma_start3A_94 = arith.constant 9984 : i32
        %dma_start3A_95 = arith.constant 0 : i32
        %dma_start3A_96 = tpu.memref_slice %arg16[%dma_start3A_94, %dma_start3A_95] : memref<10000x128xf32, #tpu.memory_space<vmem_shared>> -> memref<16x128xf32, #tpu.memory_space<vmem_shared>>
        %dma_start3A_97 = arith.constant 9984 : i32
        %dma_start3A_98 = arith.constant 0 : i32
        %dma_start3A_99 = tpu.memref_slice %arg6[%dma_start3A_97, %dma_start3A_98] : memref<10000x128xf32, #tpu.memory_space<hbm>> -> memref<16x128xf32, #tpu.memory_space<hbm>>
        tpu.enqueue_dma source(%dma_start3A_99 : memref<16x128xf32, #tpu.memory_space<hbm>>) target(%dma_start3A_96 : memref<16x128xf32, #tpu.memory_space<vmem_shared>>) target_semaphore(%run_scoped3A : memref<!tpu.dma_semaphore, #tpu.memory_space<semaphore_mem>>)
        %dma_wait3A_100 = arith.constant 9984 : i32
        %dma_wait3A_101 = arith.constant 0 : i32
        %dma_wait3A_102 = tpu.memref_slice %arg16[%dma_wait3A_100, %dma_wait3A_101] : memref<10000x128xf32, #tpu.memory_space<vmem_shared>> -> memref<16x128xf32, #tpu.memory_space<vmem_shared>>
        %dma_wait3A_103 = arith.constant 9984 : i32
        %dma_wait3A_104 = arith.constant 0 : i32
        %dma_wait3A_105 = tpu.memref_slice %arg6[%dma_wait3A_103, %dma_wait3A_104] : memref<10000x128xf32, #tpu.memory_space<hbm>> -> memref<16x128xf32, #tpu.memory_space<hbm>>
        tpu.wait_dma2 semaphore(%run_scoped3A : memref<!tpu.dma_semaphore, #tpu.memory_space<semaphore_mem>>) src(%dma_wait3A_105 : memref<16x128xf32, #tpu.memory_space<hbm>>) dst(%dma_wait3A_102 : memref<16x128xf32, #tpu.memory_space<vmem_shared>>)
        tpu.yield
      }) : () -> ()
    } else {
    }
    %barrier3A = arith.constant 0 : index
    tpu.barrier barrier_id(%barrier3A)
    %mul3A_5 = arith.constant 20000 : i32
    %mul3A_6 = arith.muli %arg1, %mul3A_5 : i32
    %mul3A_7 = arith.constant 10000 : i32
    %mul3A_8 = arith.muli %arg0, %mul3A_7 : i32
    %broadcast_in_dim3A = vector.broadcast %mul3A_8 : i32 to vector<16xi32>
    %broadcast_in_dim3A_9 = arith.constant 0.000000e+00 : f32
    %broadcast_in_dim3A_10 = vector.broadcast %broadcast_in_dim3A_9 : f32 to vector<16xf32>
    %add3A = arith.constant 0 : i32
    %add3A_11 = arith.addi %mul3A_6, %add3A : i32
    %dma_start3A = tpu.memref_slice %arg2[%add3A_11] : memref<320000xi32, #tpu.memory_space<hbm>> -> memref<80xi32, #tpu.memory_space<hbm>>
    %dma_start3A_12 = tpu.memref_slice %arg2[%add3A_11] : memref<320000xi32, #tpu.memory_space<hbm>> -> memref<80xi32, #tpu.memory_space<hbm>>
    tpu.enqueue_dma source(%dma_start3A_12 : memref<80xi32, #tpu.memory_space<hbm>>) target(%arg8 : memref<80xi32, #tpu.memory_space<vmem>>) target_semaphore(%arg17 : memref<!tpu.dma_semaphore, #tpu.memory_space<semaphore_mem>>)
    %dma_start3A_13 = tpu.memref_slice %arg3[%add3A_11] : memref<320000xi32, #tpu.memory_space<hbm>> -> memref<80xi32, #tpu.memory_space<hbm>>
    %dma_start3A_14 = tpu.memref_slice %arg3[%add3A_11] : memref<320000xi32, #tpu.memory_space<hbm>> -> memref<80xi32, #tpu.memory_space<hbm>>
    tpu.enqueue_dma source(%dma_start3A_14 : memref<80xi32, #tpu.memory_space<hbm>>) target(%arg9 : memref<80xi32, #tpu.memory_space<vmem>>) target_semaphore(%arg17 : memref<!tpu.dma_semaphore, #tpu.memory_space<semaphore_mem>>)
    %dma_start3A_15 = arith.constant 0 : i32
    %dma_start3A_16 = tpu.memref_slice %arg5[%arg0, %add3A_11, %dma_start3A_15] : memref<2x320000x128xf32, #tpu.memory_space<hbm>> -> memref<1x80x128xf32, #tpu.memory_space<hbm>>
    %dma_start3A_17 = tpu.memref_squeeze %dma_start3A_16 : memref<1x80x128xf32, #tpu.memory_space<hbm>> -> memref<80x128xf32, #tpu.memory_space<hbm>>
    %dma_start3A_18 = arith.constant 0 : i32
    %dma_start3A_19 = tpu.memref_slice %arg5[%arg0, %add3A_11, %dma_start3A_18] : memref<2x320000x128xf32, #tpu.memory_space<hbm>> -> memref<1x80x128xf32, #tpu.memory_space<hbm>>
    %dma_start3A_20 = tpu.memref_squeeze %dma_start3A_19 : memref<1x80x128xf32, #tpu.memory_space<hbm>> -> memref<80x128xf32, #tpu.memory_space<hbm>>
    tpu.enqueue_dma source(%dma_start3A_20 : memref<80x128xf32, #tpu.memory_space<hbm>>) target(%arg11 : memref<80x128xf32, #tpu.memory_space<vmem>>) target_semaphore(%arg18 : memref<!tpu.dma_semaphore, #tpu.memory_space<semaphore_mem>>)
    %add3A_21 = arith.constant 80 : i32
    %add3A_22 = arith.addi %mul3A_6, %add3A_21 : i32
    %dma_start3A_23 = tpu.memref_slice %arg2[%add3A_22] : memref<320000xi32, #tpu.memory_space<hbm>> -> memref<80xi32, #tpu.memory_space<hbm>>
    %dma_start3A_24 = tpu.memref_slice %arg2[%add3A_22] : memref<320000xi32, #tpu.memory_space<hbm>> -> memref<80xi32, #tpu.memory_space<hbm>>
    tpu.enqueue_dma source(%dma_start3A_24 : memref<80xi32, #tpu.memory_space<hbm>>) target(%arg12 : memref<80xi32, #tpu.memory_space<vmem>>) target_semaphore(%arg20 : memref<!tpu.dma_semaphore, #tpu.memory_space<semaphore_mem>>)
    %dma_start3A_25 = tpu.memref_slice %arg3[%add3A_22] : memref<320000xi32, #tpu.memory_space<hbm>> -> memref<80xi32, #tpu.memory_space<hbm>>
    %dma_start3A_26 = tpu.memref_slice %arg3[%add3A_22] : memref<320000xi32, #tpu.memory_space<hbm>> -> memref<80xi32, #tpu.memory_space<hbm>>
    tpu.enqueue_dma source(%dma_start3A_26 : memref<80xi32, #tpu.memory_space<hbm>>) target(%arg13 : memref<80xi32, #tpu.memory_space<vmem>>) target_semaphore(%arg20 : memref<!tpu.dma_semaphore, #tpu.memory_space<semaphore_mem>>)
    %dma_start3A_27 = arith.constant 0 : i32
    %dma_start3A_28 = tpu.memref_slice %arg5[%arg0, %add3A_22, %dma_start3A_27] : memref<2x320000x128xf32, #tpu.memory_space<hbm>> -> memref<1x80x128xf32, #tpu.memory_space<hbm>>
    %dma_start3A_29 = tpu.memref_squeeze %dma_start3A_28 : memref<1x80x128xf32, #tpu.memory_space<hbm>> -> memref<80x128xf32, #tpu.memory_space<hbm>>
    %dma_start3A_30 = arith.constant 0 : i32
    %dma_start3A_31 = tpu.memref_slice %arg5[%arg0, %add3A_22, %dma_start3A_30] : memref<2x320000x128xf32, #tpu.memory_space<hbm>> -> memref<1x80x128xf32, #tpu.memory_space<hbm>>
    %dma_start3A_32 = tpu.memref_squeeze %dma_start3A_31 : memref<1x80x128xf32, #tpu.memory_space<hbm>> -> memref<80x128xf32, #tpu.memory_space<hbm>>
    tpu.enqueue_dma source(%dma_start3A_32 : memref<80x128xf32, #tpu.memory_space<hbm>>) target(%arg15 : memref<80x128xf32, #tpu.memory_space<vmem>>) target_semaphore(%arg21 : memref<!tpu.dma_semaphore, #tpu.memory_space<semaphore_mem>>)
    %add3A_33 = arith.constant 0 : i32
    %add3A_34 = arith.addi %mul3A_6, %add3A_33 : i32
    %dma_wait3A = tpu.memref_slice %arg2[%add3A_34] : memref<320000xi32, #tpu.memory_space<hbm>> -> memref<80xi32, #tpu.memory_space<hbm>>
    %dma_wait3A_35 = tpu.memref_slice %arg2[%add3A_34] : memref<320000xi32, #tpu.memory_space<hbm>> -> memref<80xi32, #tpu.memory_space<hbm>>
    tpu.wait_dma2 semaphore(%arg17 : memref<!tpu.dma_semaphore, #tpu.memory_space<semaphore_mem>>) src(%dma_wait3A_35 : memref<80xi32, #tpu.memory_space<hbm>>) dst(%arg8 : memref<80xi32, #tpu.memory_space<vmem>>)
    %dma_wait3A_36 = tpu.memref_slice %arg3[%add3A_34] : memref<320000xi32, #tpu.memory_space<hbm>> -> memref<80xi32, #tpu.memory_space<hbm>>
    %dma_wait3A_37 = tpu.memref_slice %arg3[%add3A_34] : memref<320000xi32, #tpu.memory_space<hbm>> -> memref<80xi32, #tpu.memory_space<hbm>>
    tpu.wait_dma2 semaphore(%arg17 : memref<!tpu.dma_semaphore, #tpu.memory_space<semaphore_mem>>) src(%dma_wait3A_37 : memref<80xi32, #tpu.memory_space<hbm>>) dst(%arg9 : memref<80xi32, #tpu.memory_space<vmem>>)
    %get3A = arith.constant 0 : index
    %get3A_38 = tpu.vector_load %arg8[%get3A] {strides = array<i32>} : memref<80xi32, #tpu.memory_space<vmem>>, vector<16xi32>,
    %get3A_39 = vector.shape_cast %get3A_38 : vector<16xi32> to vector<16xi32>
    %add3A_40 = arith.addi %get3A_39, %broadcast_in_dim3A : vector<16xi32>
    %swap3A = arith.constant 0 : index
    %swap3A_41 = tpu.vector_load %arg8[%swap3A] {strides = array<i32>} : memref<80xi32, #tpu.memory_space<vmem>>, vector<16xi32>,
    %swap3A_42 = vector.shape_cast %swap3A_41 : vector<16xi32> to vector<16xi32>
    %swap3A_43 = vector.shape_cast %add3A_40 : vector<16xi32> to vector<16xi32>
    tpu.vector_store %arg8[%swap3A], %swap3A_43 {strides = array<i32>} : memref<80xi32, #tpu.memory_space<vmem>>, vector<16xi32>,
    %get3A_44 = arith.constant 16 : index
    %get3A_45 = tpu.vector_load %arg8[%get3A_44] {strides = array<i32>} : memref<80xi32, #tpu.memory_space<vmem>>, vector<16xi32>,
    %get3A_46 = vector.shape_cast %get3A_45 : vector<16xi32> to vector<16xi32>
    %add3A_47 = arith.addi %get3A_46, %broadcast_in_dim3A : vector<16xi32>
    %swap3A_48 = arith.constant 16 : index
    %swap3A_49 = tpu.vector_load %arg8[%swap3A_48] {strides = array<i32>} : memref<80xi32, #tpu.memory_space<vmem>>, vector<16xi32>,
    %swap3A_50 = vector.shape_cast %swap3A_49 : vector<16xi32> to vector<16xi32>
    %swap3A_51 = vector.shape_cast %add3A_47 : vector<16xi32> to vector<16xi32>
    tpu.vector_store %arg8[%swap3A_48], %swap3A_51 {strides = array<i32>} : memref<80xi32, #tpu.memory_space<vmem>>, vector<16xi32>,
    %get3A_52 = arith.constant 32 : index
    %get3A_53 = tpu.vector_load %arg8[%get3A_52] {strides = array<i32>} : memref<80xi32, #tpu.memory_space<vmem>>, vector<16xi32>,
    %get3A_54 = vector.shape_cast %get3A_53 : vector<16xi32> to vector<16xi32>
    %add3A_55 = arith.addi %get3A_54, %broadcast_in_dim3A : vector<16xi32>
    %swap3A_56 = arith.constant 32 : index
    %swap3A_57 = tpu.vector_load %arg8[%swap3A_56] {strides = array<i32>} : memref<80xi32, #tpu.memory_space<vmem>>, vector<16xi32>,
    %swap3A_58 = vector.shape_cast %swap3A_57 : vector<16xi32> to vector<16xi32>
    %swap3A_59 = vector.shape_cast %add3A_55 : vector<16xi32> to vector<16xi32>
    tpu.vector_store %arg8[%swap3A_56], %swap3A_59 {strides = array<i32>} : memref<80xi32, #tpu.memory_space<vmem>>, vector<16xi32>,
    %get3A_60 = arith.constant 48 : index
    %get3A_61 = tpu.vector_load %arg8[%get3A_60] {strides = array<i32>} : memref<80xi32, #tpu.memory_space<vmem>>, vector<16xi32>,
    %get3A_62 = vector.shape_cast %get3A_61 : vector<16xi32> to vector<16xi32>
    %add3A_63 = arith.addi %get3A_62, %broadcast_in_dim3A : vector<16xi32>
    %swap3A_64 = arith.constant 48 : index
    %swap3A_65 = tpu.vector_load %arg8[%swap3A_64] {strides = array<i32>} : memref<80xi32, #tpu.memory_space<vmem>>, vector<16xi32>,
    %swap3A_66 = vector.shape_cast %swap3A_65 : vector<16xi32> to vector<16xi32>
    %swap3A_67 = vector.shape_cast %add3A_63 : vector<16xi32> to vector<16xi32>
    tpu.vector_store %arg8[%swap3A_64], %swap3A_67 {strides = array<i32>} : memref<80xi32, #tpu.memory_space<vmem>>, vector<16xi32>,
    %get3A_68 = arith.constant 64 : index
    %get3A_69 = tpu.vector_load %arg8[%get3A_68] {strides = array<i32>} : memref<80xi32, #tpu.memory_space<vmem>>, vector<16xi32>,
    %get3A_70 = vector.shape_cast %get3A_69 : vector<16xi32> to vector<16xi32>
    %add3A_71 = arith.addi %get3A_70, %broadcast_in_dim3A : vector<16xi32>
    %swap3A_72 = arith.constant 64 : index
    %swap3A_73 = tpu.vector_load %arg8[%swap3A_72] {strides = array<i32>} : memref<80xi32, #tpu.memory_space<vmem>>, vector<16xi32>,
    %swap3A_74 = vector.shape_cast %swap3A_73 : vector<16xi32> to vector<16xi32>
    %swap3A_75 = vector.shape_cast %add3A_71 : vector<16xi32> to vector<16xi32>
    tpu.vector_store %arg8[%swap3A_72], %swap3A_75 {strides = array<i32>} : memref<80xi32, #tpu.memory_space<vmem>>, vector<16xi32>,
    %dma_start3A_76 = arith.constant 0 : i32
    %dma_start3A_77 = arith.constant 0 : i32
    %dma_start3A_78 = tpu.memref_slice %arg4[%dma_start3A_76, %dma_start3A_77] : memref<20000x128xf32, #tpu.memory_space<hbm>> -> memref<20000x128xf32, #tpu.memory_space<hbm>>
    tpu.enqueue_indirect_dma source(%dma_start3A_78 : memref<20000x128xf32, #tpu.memory_space<hbm>>) target(%arg10 : memref<80x128xf32, #tpu.memory_space<vmem>>) offsets(%arg8 : memref<80xi32, #tpu.memory_space<vmem>>) semaphore(%arg19 : memref<!tpu.dma_semaphore, #tpu.memory_space<semaphore_mem>>)
    %scan3A = arith.constant 0 : i32
    %scan3A_79 = arith.constant 0 : i32
    %scan3A_80 = arith.constant 125 : i32
    %scan3A_81 = arith.addi %scan3A_79, %scan3A_80 : i32
    %scan3A_82 = arith.constant 1 : i32
    scf.for %scan3A_94 = %scan3A_79 to %scan3A_81 step %scan3A_82  : i32 {
      %mul3A_95 = arith.constant 2 : i32
      %mul3A_96 = arith.muli %mul3A_95, %scan3A_94 : i32
      %add3A_97 = arith.constant 1 : i32
      %add3A_98 = arith.addi %mul3A_96, %add3A_97 : i32
      %mul3A_99 = arith.constant 80 : i32
      %mul3A_100 = arith.muli %add3A_98, %mul3A_99 : i32
      %add3A_101 = arith.addi %mul3A_6, %mul3A_100 : i32
      %dma_wait3A_102 = tpu.memref_slice %arg2[%add3A_101] : memref<320000xi32, #tpu.memory_space<hbm>> -> memref<80xi32, #tpu.memory_space<hbm>>
      %dma_wait3A_103 = tpu.memref_slice %arg2[%add3A_101] : memref<320000xi32, #tpu.memory_space<hbm>> -> memref<80xi32, #tpu.memory_space<hbm>>
      tpu.wait_dma2 semaphore(%arg20 : memref<!tpu.dma_semaphore, #tpu.memory_space<semaphore_mem>>) src(%dma_wait3A_103 : memref<80xi32, #tpu.memory_space<hbm>>) dst(%arg12 : memref<80xi32, #tpu.memory_space<vmem>>)
      %dma_wait3A_104 = tpu.memref_slice %arg3[%add3A_101] : memref<320000xi32, #tpu.memory_space<hbm>> -> memref<80xi32, #tpu.memory_space<hbm>>
      %dma_wait3A_105 = tpu.memref_slice %arg3[%add3A_101] : memref<320000xi32, #tpu.memory_space<hbm>> -> memref<80xi32, #tpu.memory_space<hbm>>
      tpu.wait_dma2 semaphore(%arg20 : memref<!tpu.dma_semaphore, #tpu.memory_space<semaphore_mem>>) src(%dma_wait3A_105 : memref<80xi32, #tpu.memory_space<hbm>>) dst(%arg13 : memref<80xi32, #tpu.memory_space<vmem>>)
      %get3A_106 = arith.constant 0 : index
      %get3A_107 = tpu.vector_load %arg12[%get3A_106] {strides = array<i32>} : memref<80xi32, #tpu.memory_space<vmem>>, vector<16xi32>,
      %get3A_108 = vector.shape_cast %get3A_107 : vector<16xi32> to vector<16xi32>
      %add3A_109 = arith.addi %get3A_108, %broadcast_in_dim3A : vector<16xi32>
      %swap3A_110 = arith.constant 0 : index
      %swap3A_111 = tpu.vector_load %arg12[%swap3A_110] {strides = array<i32>} : memref<80xi32, #tpu.memory_space<vmem>>, vector<16xi32>,
      %swap3A_112 = vector.shape_cast %swap3A_111 : vector<16xi32> to vector<16xi32>
      %swap3A_113 = vector.shape_cast %add3A_109 : vector<16xi32> to vector<16xi32>
      tpu.vector_store %arg12[%swap3A_110], %swap3A_113 {strides = array<i32>} : memref<80xi32, #tpu.memory_space<vmem>>, vector<16xi32>,
      %get3A_114 = arith.constant 16 : index
      %get3A_115 = tpu.vector_load %arg12[%get3A_114] {strides = array<i32>} : memref<80xi32, #tpu.memory_space<vmem>>, vector<16xi32>,
      %get3A_116 = vector.shape_cast %get3A_115 : vector<16xi32> to vector<16xi32>
      %add3A_117 = arith.addi %get3A_116, %broadcast_in_dim3A : vector<16xi32>
      %swap3A_118 = arith.constant 16 : index
      %swap3A_119 = tpu.vector_load %arg12[%swap3A_118] {strides = array<i32>} : memref<80xi32, #tpu.memory_space<vmem>>, vector<16xi32>,
      %swap3A_120 = vector.shape_cast %swap3A_119 : vector<16xi32> to vector<16xi32>
      %swap3A_121 = vector.shape_cast %add3A_117 : vector<16xi32> to vector<16xi32>
      tpu.vector_store %arg12[%swap3A_118], %swap3A_121 {strides = array<i32>} : memref<80xi32, #tpu.memory_space<vmem>>, vector<16xi32>,
      %get3A_122 = arith.constant 32 : index
      %get3A_123 = tpu.vector_load %arg12[%get3A_122] {strides = array<i32>} : memref<80xi32, #tpu.memory_space<vmem>>, vector<16xi32>,
      %get3A_124 = vector.shape_cast %get3A_123 : vector<16xi32> to vector<16xi32>
      %add3A_125 = arith.addi %get3A_124, %broadcast_in_dim3A : vector<16xi32>
      %swap3A_126 = arith.constant 32 : index
      %swap3A_127 = tpu.vector_load %arg12[%swap3A_126] {strides = array<i32>} : memref<80xi32, #tpu.memory_space<vmem>>, vector<16xi32>,
      %swap3A_128 = vector.shape_cast %swap3A_127 : vector<16xi32> to vector<16xi32>
      %swap3A_129 = vector.shape_cast %add3A_125 : vector<16xi32> to vector<16xi32>
      tpu.vector_store %arg12[%swap3A_126], %swap3A_129 {strides = array<i32>} : memref<80xi32, #tpu.memory_space<vmem>>, vector<16xi32>,
      %get3A_130 = arith.constant 48 : index
      %get3A_131 = tpu.vector_load %arg12[%get3A_130] {strides = array<i32>} : memref<80xi32, #tpu.memory_space<vmem>>, vector<16xi32>,
      %get3A_132 = vector.shape_cast %get3A_131 : vector<16xi32> to vector<16xi32>
      %add3A_133 = arith.addi %get3A_132, %broadcast_in_dim3A : vector<16xi32>
      %swap3A_134 = arith.constant 48 : index
      %swap3A_135 = tpu.vector_load %arg12[%swap3A_134] {strides = array<i32>} : memref<80xi32, #tpu.memory_space<vmem>>, vector<16xi32>,
      %swap3A_136 = vector.shape_cast %swap3A_135 : vector<16xi32> to vector<16xi32>
      %swap3A_137 = vector.shape_cast %add3A_133 : vector<16xi32> to vector<16xi32>
      tpu.vector_store %arg12[%swap3A_134], %swap3A_137 {strides = array<i32>} : memref<80xi32, #tpu.memory_space<vmem>>, vector<16xi32>,
      %get3A_138 = arith.constant 64 : index
      %get3A_139 = tpu.vector_load %arg12[%get3A_138] {strides = array<i32>} : memref<80xi32, #tpu.memory_space<vmem>>, vector<16xi32>,
      %get3A_140 = vector.shape_cast %get3A_139 : vector<16xi32> to vector<16xi32>
      %add3A_141 = arith.addi %get3A_140, %broadcast_in_dim3A : vector<16xi32>
      %swap3A_142 = arith.constant 64 : index
      %swap3A_143 = tpu.vector_load %arg12[%swap3A_142] {strides = array<i32>} : memref<80xi32, #tpu.memory_space<vmem>>, vector<16xi32>,
      %swap3A_144 = vector.shape_cast %swap3A_143 : vector<16xi32> to vector<16xi32>
      %swap3A_145 = vector.shape_cast %add3A_141 : vector<16xi32> to vector<16xi32>
      tpu.vector_store %arg12[%swap3A_142], %swap3A_145 {strides = array<i32>} : memref<80xi32, #tpu.memory_space<vmem>>, vector<16xi32>,
      %dma_start3A_146 = arith.constant 0 : i32
      %dma_start3A_147 = arith.constant 0 : i32
      %dma_start3A_148 = tpu.memref_slice %arg4[%dma_start3A_146, %dma_start3A_147] : memref<20000x128xf32, #tpu.memory_space<hbm>> -> memref<20000x128xf32, #tpu.memory_space<hbm>>
      tpu.enqueue_indirect_dma source(%dma_start3A_148 : memref<20000x128xf32, #tpu.memory_space<hbm>>) target(%arg14 : memref<80x128xf32, #tpu.memory_space<vmem>>) offsets(%arg12 : memref<80xi32, #tpu.memory_space<vmem>>) semaphore(%arg22 : memref<!tpu.dma_semaphore, #tpu.memory_space<semaphore_mem>>)
      %mul3A_149 = arith.constant 80 : i32
      %mul3A_150 = arith.muli %mul3A_96, %mul3A_149 : i32
      %add3A_151 = arith.addi %mul3A_6, %mul3A_150 : i32
      %dma_wait3A_152 = arith.constant 0 : i32
      %dma_wait3A_153 = arith.constant 0 : i32
      %dma_wait3A_154 = tpu.memref_slice %arg4[%dma_wait3A_152, %dma_wait3A_153] : memref<20000x128xf32, #tpu.memory_space<hbm>> -> memref<20000x128xf32, #tpu.memory_space<hbm>>
      tpu.wait_indirect_dma semaphore(%arg19 : memref<!tpu.dma_semaphore, #tpu.memory_space<semaphore_mem>>) src(%dma_wait3A_154 : memref<20000x128xf32, #tpu.memory_space<hbm>>) dst(%arg10 : memref<80x128xf32, #tpu.memory_space<vmem>>)
      %dma_wait3A_155 = arith.constant 0 : i32
      %dma_wait3A_156 = tpu.memref_slice %arg5[%arg0, %add3A_151, %dma_wait3A_155] : memref<2x320000x128xf32, #tpu.memory_space<hbm>> -> memref<1x80x128xf32, #tpu.memory_space<hbm>>
      %dma_wait3A_157 = tpu.memref_squeeze %dma_wait3A_156 : memref<1x80x128xf32, #tpu.memory_space<hbm>> -> memref<80x128xf32, #tpu.memory_space<hbm>>
      %dma_wait3A_158 = arith.constant 0 : i32
      %dma_wait3A_159 = tpu.memref_slice %arg5[%arg0, %add3A_151, %dma_wait3A_158] : memref<2x320000x128xf32, #tpu.memory_space<hbm>> -> memref<1x80x128xf32, #tpu.memory_space<hbm>>
      %dma_wait3A_160 = tpu.memref_squeeze %dma_wait3A_159 : memref<1x80x128xf32, #tpu.memory_space<hbm>> -> memref<80x128xf32, #tpu.memory_space<hbm>>
      tpu.wait_dma2 semaphore(%arg18 : memref<!tpu.dma_semaphore, #tpu.memory_space<semaphore_mem>>) src(%dma_wait3A_160 : memref<80x128xf32, #tpu.memory_space<hbm>>) dst(%arg11 : memref<80x128xf32, #tpu.memory_space<vmem>>)
      %scan3A_161 = arith.constant 0 : i32
      %scan3A_162 = arith.constant 0 : i32
      %scan3A_163 = arith.constant 40 : i32
      %scan3A_164 = arith.addi %scan3A_162, %scan3A_163 : i32
      %scan3A_165 = arith.constant 1 : i32
      scf.for %scan3A_198 = %scan3A_162 to %scan3A_164 step %scan3A_165  : i32 {
        %mul3A_199 = arith.constant 2 : i32
        %mul3A_200 = arith.muli %mul3A_199, %scan3A_198 : i32
        %add3A_201 = arith.constant 0 : i32
        %add3A_202 = arith.addi %mul3A_200, %add3A_201 : i32
        %get3A_203 = arith.index_cast %add3A_202 : i32 to index
        %get3A_204 = arith.constant 0 : index
        %get3A_205 = tpu.vector_load %arg10[%get3A_203, %get3A_204] {strides = array<i32>} : memref<80x128xf32, #tpu.memory_space<vmem>>, vector<1x16xf32>,
        %get3A_206 = vector.shape_cast %get3A_205 : vector<1x16xf32> to vector<16xf32>
        %mul3A_207 = arith.constant 2 : i32
        %mul3A_208 = arith.muli %mul3A_207, %scan3A_198 : i32
        %add3A_209 = arith.constant 0 : i32
        %add3A_210 = arith.addi %mul3A_208, %add3A_209 : i32
        %get3A_211 = arith.index_cast %add3A_210 : i32 to index
        %get3A_212 = arith.constant 0 : index
        %get3A_213 = tpu.vector_load %arg11[%get3A_211, %get3A_212] {strides = array<i32>} : memref<80x128xf32, #tpu.memory_space<vmem>>, vector<1x16xf32>,
        %get3A_214 = vector.shape_cast %get3A_213 : vector<1x16xf32> to vector<16xf32>
        %add3A_215 = arith.addf %get3A_206, %get3A_214 : vector<16xf32>
        %max3A = arith.maximumf %add3A_215, %broadcast_in_dim3A_10 : vector<16xf32>
        %mul3A_216 = arith.constant 2 : i32
        %mul3A_217 = arith.muli %mul3A_216, %scan3A_198 : i32
        %add3A_218 = arith.constant 0 : i32
        %add3A_219 = arith.addi %mul3A_217, %add3A_218 : i32
        %swap3A_220 = arith.index_cast %add3A_219 : i32 to index
        %swap3A_221 = arith.constant 0 : index
        %swap3A_222 = tpu.vector_load %arg11[%swap3A_220, %swap3A_221] {strides = array<i32>} : memref<80x128xf32, #tpu.memory_space<vmem>>, vector<1x16xf32>,
        %swap3A_223 = vector.shape_cast %swap3A_222 : vector<1x16xf32> to vector<16xf32>
        %swap3A_224 = vector.shape_cast %max3A : vector<16xf32> to vector<1x16xf32>
        tpu.vector_store %arg11[%swap3A_220, %swap3A_221], %swap3A_224 {strides = array<i32>} : memref<80x128xf32, #tpu.memory_space<vmem>>, vector<1x16xf32>,
        %mul3A_225 = arith.constant 2 : i32
        %mul3A_226 = arith.muli %mul3A_225, %scan3A_198 : i32
        %add3A_227 = arith.constant 0 : i32
        %add3A_228 = arith.addi %mul3A_226, %add3A_227 : i32
        %get3A_229 = arith.index_cast %add3A_228 : i32 to index
        %get3A_230 = arith.constant 16 : index
        %get3A_231 = tpu.vector_load %arg10[%get3A_229, %get3A_230] {strides = array<i32>} : memref<80x128xf32, #tpu.memory_space<vmem>>, vector<1x16xf32>,
        %get3A_232 = vector.shape_cast %get3A_231 : vector<1x16xf32> to vector<16xf32>
        %mul3A_233 = arith.constant 2 : i32
        %mul3A_234 = arith.muli %mul3A_233, %scan3A_198 : i32
        %add3A_235 = arith.constant 0 : i32
        %add3A_236 = arith.addi %mul3A_234, %add3A_235 : i32
        %get3A_237 = arith.index_cast %add3A_236 : i32 to index
        %get3A_238 = arith.constant 16 : index
        %get3A_239 = tpu.vector_load %arg11[%get3A_237, %get3A_238] {strides = array<i32>} : memref<80x128xf32, #tpu.memory_space<vmem>>, vector<1x16xf32>,
        %get3A_240 = vector.shape_cast %get3A_239 : vector<1x16xf32> to vector<16xf32>
        %add3A_241 = arith.addf %get3A_232, %get3A_240 : vector<16xf32>
        %max3A_242 = arith.maximumf %add3A_241, %broadcast_in_dim3A_10 : vector<16xf32>
        %mul3A_243 = arith.constant 2 : i32
        %mul3A_244 = arith.muli %mul3A_243, %scan3A_198 : i32
        %add3A_245 = arith.constant 0 : i32
        %add3A_246 = arith.addi %mul3A_244, %add3A_245 : i32
        %swap3A_247 = arith.index_cast %add3A_246 : i32 to index
        %swap3A_248 = arith.constant 16 : index
        %swap3A_249 = tpu.vector_load %arg11[%swap3A_247, %swap3A_248] {strides = array<i32>} : memref<80x128xf32, #tpu.memory_space<vmem>>, vector<1x16xf32>,
        %swap3A_250 = vector.shape_cast %swap3A_249 : vector<1x16xf32> to vector<16xf32>
        %swap3A_251 = vector.shape_cast %max3A_242 : vector<16xf32> to vector<1x16xf32>
        tpu.vector_store %arg11[%swap3A_247, %swap3A_248], %swap3A_251 {strides = array<i32>} : memref<80x128xf32, #tpu.memory_space<vmem>>, vector<1x16xf32>,
        %mul3A_252 = arith.constant 2 : i32
        %mul3A_253 = arith.muli %mul3A_252, %scan3A_198 : i32
        %add3A_254 = arith.constant 0 : i32
        %add3A_255 = arith.addi %mul3A_253, %add3A_254 : i32
        %get3A_256 = arith.index_cast %add3A_255 : i32 to index
        %get3A_257 = arith.constant 32 : index
        %get3A_258 = tpu.vector_load %arg10[%get3A_256, %get3A_257] {strides = array<i32>} : memref<80x128xf32, #tpu.memory_space<vmem>>, vector<1x16xf32>,
        %get3A_259 = vector.shape_cast %get3A_258 : vector<1x16xf32> to vector<16xf32>
        %mul3A_260 = arith.constant 2 : i32
        %mul3A_261 = arith.muli %mul3A_260, %scan3A_198 : i32
        %add3A_262 = arith.constant 0 : i32
        %add3A_263 = arith.addi %mul3A_261, %add3A_262 : i32
        %get3A_264 = arith.index_cast %add3A_263 : i32 to index
        %get3A_265 = arith.constant 32 : index
        %get3A_266 = tpu.vector_load %arg11[%get3A_264, %get3A_265] {strides = array<i32>} : memref<80x128xf32, #tpu.memory_space<vmem>>, vector<1x16xf32>,
        %get3A_267 = vector.shape_cast %get3A_266 : vector<1x16xf32> to vector<16xf32>
        %add3A_268 = arith.addf %get3A_259, %get3A_267 : vector<16xf32>
        %max3A_269 = arith.maximumf %add3A_268, %broadcast_in_dim3A_10 : vector<16xf32>
        %mul3A_270 = arith.constant 2 : i32
        %mul3A_271 = arith.muli %mul3A_270, %scan3A_198 : i32
        %add3A_272 = arith.constant 0 : i32
        %add3A_273 = arith.addi %mul3A_271, %add3A_272 : i32
        %swap3A_274 = arith.index_cast %add3A_273 : i32 to index
        %swap3A_275 = arith.constant 32 : index
        %swap3A_276 = tpu.vector_load %arg11[%swap3A_274, %swap3A_275] {strides = array<i32>} : memref<80x128xf32, #tpu.memory_space<vmem>>, vector<1x16xf32>,
        %swap3A_277 = vector.shape_cast %swap3A_276 : vector<1x16xf32> to vector<16xf32>
        %swap3A_278 = vector.shape_cast %max3A_269 : vector<16xf32> to vector<1x16xf32>
        tpu.vector_store %arg11[%swap3A_274, %swap3A_275], %swap3A_278 {strides = array<i32>} : memref<80x128xf32, #tpu.memory_space<vmem>>, vector<1x16xf32>,
        %mul3A_279 = arith.constant 2 : i32
        %mul3A_280 = arith.muli %mul3A_279, %scan3A_198 : i32
        %add3A_281 = arith.constant 0 : i32
        %add3A_282 = arith.addi %mul3A_280, %add3A_281 : i32
        %get3A_283 = arith.index_cast %add3A_282 : i32 to index
        %get3A_284 = arith.constant 48 : index
        %get3A_285 = tpu.vector_load %arg10[%get3A_283, %get3A_284] {strides = array<i32>} : memref<80x128xf32, #tpu.memory_space<vmem>>, vector<1x16xf32>,
        %get3A_286 = vector.shape_cast %get3A_285 : vector<1x16xf32> to vector<16xf32>
        %mul3A_287 = arith.constant 2 : i32
        %mul3A_288 = arith.muli %mul3A_287, %scan3A_198 : i32
        %add3A_289 = arith.constant 0 : i32
        %add3A_290 = arith.addi %mul3A_288, %add3A_289 : i32
        %get3A_291 = arith.index_cast %add3A_290 : i32 to index
        %get3A_292 = arith.constant 48 : index
        %get3A_293 = tpu.vector_load %arg11[%get3A_291, %get3A_292] {strides = array<i32>} : memref<80x128xf32, #tpu.memory_space<vmem>>, vector<1x16xf32>,
        %get3A_294 = vector.shape_cast %get3A_293 : vector<1x16xf32> to vector<16xf32>
        %add3A_295 = arith.addf %get3A_286, %get3A_294 : vector<16xf32>
        %max3A_296 = arith.maximumf %add3A_295, %broadcast_in_dim3A_10 : vector<16xf32>
        %mul3A_297 = arith.constant 2 : i32
        %mul3A_298 = arith.muli %mul3A_297, %scan3A_198 : i32
        %add3A_299 = arith.constant 0 : i32
        %add3A_300 = arith.addi %mul3A_298, %add3A_299 : i32
        %swap3A_301 = arith.index_cast %add3A_300 : i32 to index
        %swap3A_302 = arith.constant 48 : index
        %swap3A_303 = tpu.vector_load %arg11[%swap3A_301, %swap3A_302] {strides = array<i32>} : memref<80x128xf32, #tpu.memory_space<vmem>>, vector<1x16xf32>,
        %swap3A_304 = vector.shape_cast %swap3A_303 : vector<1x16xf32> to vector<16xf32>
        %swap3A_305 = vector.shape_cast %max3A_296 : vector<16xf32> to vector<1x16xf32>
        tpu.vector_store %arg11[%swap3A_301, %swap3A_302], %swap3A_305 {strides = array<i32>} : memref<80x128xf32, #tpu.memory_space<vmem>>, vector<1x16xf32>,
        %mul3A_306 = arith.constant 2 : i32
        %mul3A_307 = arith.muli %mul3A_306, %scan3A_198 : i32
        %add3A_308 = arith.constant 0 : i32
        %add3A_309 = arith.addi %mul3A_307, %add3A_308 : i32
        %get3A_310 = arith.index_cast %add3A_309 : i32 to index
        %get3A_311 = arith.constant 64 : index
        %get3A_312 = tpu.vector_load %arg10[%get3A_310, %get3A_311] {strides = array<i32>} : memref<80x128xf32, #tpu.memory_space<vmem>>, vector<1x16xf32>,
        %get3A_313 = vector.shape_cast %get3A_312 : vector<1x16xf32> to vector<16xf32>
        %mul3A_314 = arith.constant 2 : i32
        %mul3A_315 = arith.muli %mul3A_314, %scan3A_198 : i32
        %add3A_316 = arith.constant 0 : i32
        %add3A_317 = arith.addi %mul3A_315, %add3A_316 : i32
        %get3A_318 = arith.index_cast %add3A_317 : i32 to index
        %get3A_319 = arith.constant 64 : index
        %get3A_320 = tpu.vector_load %arg11[%get3A_318, %get3A_319] {strides = array<i32>} : memref<80x128xf32, #tpu.memory_space<vmem>>, vector<1x16xf32>,
        %get3A_321 = vector.shape_cast %get3A_320 : vector<1x16xf32> to vector<16xf32>
        %add3A_322 = arith.addf %get3A_313, %get3A_321 : vector<16xf32>
        %max3A_323 = arith.maximumf %add3A_322, %broadcast_in_dim3A_10 : vector<16xf32>
        %mul3A_324 = arith.constant 2 : i32
        %mul3A_325 = arith.muli %mul3A_324, %scan3A_198 : i32
        %add3A_326 = arith.constant 0 : i32
        %add3A_327 = arith.addi %mul3A_325, %add3A_326 : i32
        %swap3A_328 = arith.index_cast %add3A_327 : i32 to index
        %swap3A_329 = arith.constant 64 : index
        %swap3A_330 = tpu.vector_load %arg11[%swap3A_328, %swap3A_329] {strides = array<i32>} : memref<80x128xf32, #tpu.memory_space<vmem>>, vector<1x16xf32>,
        %swap3A_331 = vector.shape_cast %swap3A_330 : vector<1x16xf32> to vector<16xf32>
        %swap3A_332 = vector.shape_cast %max3A_323 : vector<16xf32> to vector<1x16xf32>
        tpu.vector_store %arg11[%swap3A_328, %swap3A_329], %swap3A_332 {strides = array<i32>} : memref<80x128xf32, #tpu.memory_space<vmem>>, vector<1x16xf32>,
        %mul3A_333 = arith.constant 2 : i32
        %mul3A_334 = arith.muli %mul3A_333, %scan3A_198 : i32
        %add3A_335 = arith.constant 0 : i32
        %add3A_336 = arith.addi %mul3A_334, %add3A_335 : i32
        %get3A_337 = arith.index_cast %add3A_336 : i32 to index
        %get3A_338 = arith.constant 80 : index
        %get3A_339 = tpu.vector_load %arg10[%get3A_337, %get3A_338] {strides = array<i32>} : memref<80x128xf32, #tpu.memory_space<vmem>>, vector<1x16xf32>,
        %get3A_340 = vector.shape_cast %get3A_339 : vector<1x16xf32> to vector<16xf32>
        %mul3A_341 = arith.constant 2 : i32
        %mul3A_342 = arith.muli %mul3A_341, %scan3A_198 : i32
        %add3A_343 = arith.constant 0 : i32
        %add3A_344 = arith.addi %mul3A_342, %add3A_343 : i32
        %get3A_345 = arith.index_cast %add3A_344 : i32 to index
        %get3A_346 = arith.constant 80 : index
        %get3A_347 = tpu.vector_load %arg11[%get3A_345, %get3A_346] {strides = array<i32>} : memref<80x128xf32, #tpu.memory_space<vmem>>, vector<1x16xf32>,
        %get3A_348 = vector.shape_cast %get3A_347 : vector<1x16xf32> to vector<16xf32>
        %add3A_349 = arith.addf %get3A_340, %get3A_348 : vector<16xf32>
        %max3A_350 = arith.maximumf %add3A_349, %broadcast_in_dim3A_10 : vector<16xf32>
        %mul3A_351 = arith.constant 2 : i32
        %mul3A_352 = arith.muli %mul3A_351, %scan3A_198 : i32
        %add3A_353 = arith.constant 0 : i32
        %add3A_354 = arith.addi %mul3A_352, %add3A_353 : i32
        %swap3A_355 = arith.index_cast %add3A_354 : i32 to index
        %swap3A_356 = arith.constant 80 : index
        %swap3A_357 = tpu.vector_load %arg11[%swap3A_355, %swap3A_356] {strides = array<i32>} : memref<80x128xf32, #tpu.memory_space<vmem>>, vector<1x16xf32>,
        %swap3A_358 = vector.shape_cast %swap3A_357 : vector<1x16xf32> to vector<16xf32>
        %swap3A_359 = vector.shape_cast %max3A_350 : vector<16xf32> to vector<1x16xf32>
        tpu.vector_store %arg11[%swap3A_355, %swap3A_356], %swap3A_359 {strides = array<i32>} : memref<80x128xf32, #tpu.memory_space<vmem>>, vector<1x16xf32>,
        %mul3A_360 = arith.constant 2 : i32
        %mul3A_361 = arith.muli %mul3A_360, %scan3A_198 : i32
        %add3A_362 = arith.constant 0 : i32
        %add3A_363 = arith.addi %mul3A_361, %add3A_362 : i32
        %get3A_364 = arith.index_cast %add3A_363 : i32 to index
        %get3A_365 = arith.constant 96 : index
        %get3A_366 = tpu.vector_load %arg10[%get3A_364, %get3A_365] {strides = array<i32>} : memref<80x128xf32, #tpu.memory_space<vmem>>, vector<1x16xf32>,
        %get3A_367 = vector.shape_cast %get3A_366 : vector<1x16xf32> to vector<16xf32>
        %mul3A_368 = arith.constant 2 : i32
        %mul3A_369 = arith.muli %mul3A_368, %scan3A_198 : i32
        %add3A_370 = arith.constant 0 : i32
        %add3A_371 = arith.addi %mul3A_369, %add3A_370 : i32
        %get3A_372 = arith.index_cast %add3A_371 : i32 to index
        %get3A_373 = arith.constant 96 : index
        %get3A_374 = tpu.vector_load %arg11[%get3A_372, %get3A_373] {strides = array<i32>} : memref<80x128xf32, #tpu.memory_space<vmem>>, vector<1x16xf32>,
        %get3A_375 = vector.shape_cast %get3A_374 : vector<1x16xf32> to vector<16xf32>
        %add3A_376 = arith.addf %get3A_367, %get3A_375 : vector<16xf32>
        %max3A_377 = arith.maximumf %add3A_376, %broadcast_in_dim3A_10 : vector<16xf32>
        %mul3A_378 = arith.constant 2 : i32
        %mul3A_379 = arith.muli %mul3A_378, %scan3A_198 : i32
        %add3A_380 = arith.constant 0 : i32
        %add3A_381 = arith.addi %mul3A_379, %add3A_380 : i32
        %swap3A_382 = arith.index_cast %add3A_381 : i32 to index
        %swap3A_383 = arith.constant 96 : index
        %swap3A_384 = tpu.vector_load %arg11[%swap3A_382, %swap3A_383] {strides = array<i32>} : memref<80x128xf32, #tpu.memory_space<vmem>>, vector<1x16xf32>,
        %swap3A_385 = vector.shape_cast %swap3A_384 : vector<1x16xf32> to vector<16xf32>
        %swap3A_386 = vector.shape_cast %max3A_377 : vector<16xf32> to vector<1x16xf32>
        tpu.vector_store %arg11[%swap3A_382, %swap3A_383], %swap3A_386 {strides = array<i32>} : memref<80x128xf32, #tpu.memory_space<vmem>>, vector<1x16xf32>,
        %mul3A_387 = arith.constant 2 : i32
        %mul3A_388 = arith.muli %mul3A_387, %scan3A_198 : i32
        %add3A_389 = arith.constant 0 : i32
        %add3A_390 = arith.addi %mul3A_388, %add3A_389 : i32
        %get3A_391 = arith.index_cast %add3A_390 : i32 to index
        %get3A_392 = arith.constant 112 : index
        %get3A_393 = tpu.vector_load %arg10[%get3A_391, %get3A_392] {strides = array<i32>} : memref<80x128xf32, #tpu.memory_space<vmem>>, vector<1x16xf32>,
        %get3A_394 = vector.shape_cast %get3A_393 : vector<1x16xf32> to vector<16xf32>
        %mul3A_395 = arith.constant 2 : i32
        %mul3A_396 = arith.muli %mul3A_395, %scan3A_198 : i32
        %add3A_397 = arith.constant 0 : i32
        %add3A_398 = arith.addi %mul3A_396, %add3A_397 : i32
        %get3A_399 = arith.index_cast %add3A_398 : i32 to index
        %get3A_400 = arith.constant 112 : index
        %get3A_401 = tpu.vector_load %arg11[%get3A_399, %get3A_400] {strides = array<i32>} : memref<80x128xf32, #tpu.memory_space<vmem>>, vector<1x16xf32>,
        %get3A_402 = vector.shape_cast %get3A_401 : vector<1x16xf32> to vector<16xf32>
        %add3A_403 = arith.addf %get3A_394, %get3A_402 : vector<16xf32>
        %max3A_404 = arith.maximumf %add3A_403, %broadcast_in_dim3A_10 : vector<16xf32>
        %mul3A_405 = arith.constant 2 : i32
        %mul3A_406 = arith.muli %mul3A_405, %scan3A_198 : i32
        %add3A_407 = arith.constant 0 : i32
        %add3A_408 = arith.addi %mul3A_406, %add3A_407 : i32
        %swap3A_409 = arith.index_cast %add3A_408 : i32 to index
        %swap3A_410 = arith.constant 112 : index
        %swap3A_411 = tpu.vector_load %arg11[%swap3A_409, %swap3A_410] {strides = array<i32>} : memref<80x128xf32, #tpu.memory_space<vmem>>, vector<1x16xf32>,
        %swap3A_412 = vector.shape_cast %swap3A_411 : vector<1x16xf32> to vector<16xf32>
        %swap3A_413 = vector.shape_cast %max3A_404 : vector<16xf32> to vector<1x16xf32>
        tpu.vector_store %arg11[%swap3A_409, %swap3A_410], %swap3A_413 {strides = array<i32>} : memref<80x128xf32, #tpu.memory_space<vmem>>, vector<1x16xf32>,
        %mul3A_414 = arith.constant 2 : i32
        %mul3A_415 = arith.muli %mul3A_414, %scan3A_198 : i32
        %add3A_416 = arith.constant 1 : i32
        %add3A_417 = arith.addi %mul3A_415, %add3A_416 : i32
        %get3A_418 = arith.index_cast %add3A_417 : i32 to index
        %get3A_419 = arith.constant 0 : index
        %get3A_420 = tpu.vector_load %arg10[%get3A_418, %get3A_419] {strides = array<i32>} : memref<80x128xf32, #tpu.memory_space<vmem>>, vector<1x16xf32>,
        %get3A_421 = vector.shape_cast %get3A_420 : vector<1x16xf32> to vector<16xf32>
        %mul3A_422 = arith.constant 2 : i32
        %mul3A_423 = arith.muli %mul3A_422, %scan3A_198 : i32
        %add3A_424 = arith.constant 1 : i32
        %add3A_425 = arith.addi %mul3A_423, %add3A_424 : i32
        %get3A_426 = arith.index_cast %add3A_425 : i32 to index
        %get3A_427 = arith.constant 0 : index
        %get3A_428 = tpu.vector_load %arg11[%get3A_426, %get3A_427] {strides = array<i32>} : memref<80x128xf32, #tpu.memory_space<vmem>>, vector<1x16xf32>,
        %get3A_429 = vector.shape_cast %get3A_428 : vector<1x16xf32> to vector<16xf32>
        %add3A_430 = arith.addf %get3A_421, %get3A_429 : vector<16xf32>
        %max3A_431 = arith.maximumf %add3A_430, %broadcast_in_dim3A_10 : vector<16xf32>
        %mul3A_432 = arith.constant 2 : i32
        %mul3A_433 = arith.muli %mul3A_432, %scan3A_198 : i32
        %add3A_434 = arith.constant 1 : i32
        %add3A_435 = arith.addi %mul3A_433, %add3A_434 : i32
        %swap3A_436 = arith.index_cast %add3A_435 : i32 to index
        %swap3A_437 = arith.constant 0 : index
        %swap3A_438 = tpu.vector_load %arg11[%swap3A_436, %swap3A_437] {strides = array<i32>} : memref<80x128xf32, #tpu.memory_space<vmem>>, vector<1x16xf32>,
        %swap3A_439 = vector.shape_cast %swap3A_438 : vector<1x16xf32> to vector<16xf32>
        %swap3A_440 = vector.shape_cast %max3A_431 : vector<16xf32> to vector<1x16xf32>
        tpu.vector_store %arg11[%swap3A_436, %swap3A_437], %swap3A_440 {strides = array<i32>} : memref<80x128xf32, #tpu.memory_space<vmem>>, vector<1x16xf32>,
        %mul3A_441 = arith.constant 2 : i32
        %mul3A_442 = arith.muli %mul3A_441, %scan3A_198 : i32
        %add3A_443 = arith.constant 1 : i32
        %add3A_444 = arith.addi %mul3A_442, %add3A_443 : i32
        %get3A_445 = arith.index_cast %add3A_444 : i32 to index
        %get3A_446 = arith.constant 16 : index
        %get3A_447 = tpu.vector_load %arg10[%get3A_445, %get3A_446] {strides = array<i32>} : memref<80x128xf32, #tpu.memory_space<vmem>>, vector<1x16xf32>,
        %get3A_448 = vector.shape_cast %get3A_447 : vector<1x16xf32> to vector<16xf32>
        %mul3A_449 = arith.constant 2 : i32
        %mul3A_450 = arith.muli %mul3A_449, %scan3A_198 : i32
        %add3A_451 = arith.constant 1 : i32
        %add3A_452 = arith.addi %mul3A_450, %add3A_451 : i32
        %get3A_453 = arith.index_cast %add3A_452 : i32 to index
        %get3A_454 = arith.constant 16 : index
        %get3A_455 = tpu.vector_load %arg11[%get3A_453, %get3A_454] {strides = array<i32>} : memref<80x128xf32, #tpu.memory_space<vmem>>, vector<1x16xf32>,
        %get3A_456 = vector.shape_cast %get3A_455 : vector<1x16xf32> to vector<16xf32>
        %add3A_457 = arith.addf %get3A_448, %get3A_456 : vector<16xf32>
        %max3A_458 = arith.maximumf %add3A_457, %broadcast_in_dim3A_10 : vector<16xf32>
        %mul3A_459 = arith.constant 2 : i32
        %mul3A_460 = arith.muli %mul3A_459, %scan3A_198 : i32
        %add3A_461 = arith.constant 1 : i32
        %add3A_462 = arith.addi %mul3A_460, %add3A_461 : i32
        %swap3A_463 = arith.index_cast %add3A_462 : i32 to index
        %swap3A_464 = arith.constant 16 : index
        %swap3A_465 = tpu.vector_load %arg11[%swap3A_463, %swap3A_464] {strides = array<i32>} : memref<80x128xf32, #tpu.memory_space<vmem>>, vector<1x16xf32>,
        %swap3A_466 = vector.shape_cast %swap3A_465 : vector<1x16xf32> to vector<16xf32>
        %swap3A_467 = vector.shape_cast %max3A_458 : vector<16xf32> to vector<1x16xf32>
        tpu.vector_store %arg11[%swap3A_463, %swap3A_464], %swap3A_467 {strides = array<i32>} : memref<80x128xf32, #tpu.memory_space<vmem>>, vector<1x16xf32>,
        %mul3A_468 = arith.constant 2 : i32
        %mul3A_469 = arith.muli %mul3A_468, %scan3A_198 : i32
        %add3A_470 = arith.constant 1 : i32
        %add3A_471 = arith.addi %mul3A_469, %add3A_470 : i32
        %get3A_472 = arith.index_cast %add3A_471 : i32 to index
        %get3A_473 = arith.constant 32 : index
        %get3A_474 = tpu.vector_load %arg10[%get3A_472, %get3A_473] {strides = array<i32>} : memref<80x128xf32, #tpu.memory_space<vmem>>, vector<1x16xf32>,
        %get3A_475 = vector.shape_cast %get3A_474 : vector<1x16xf32> to vector<16xf32>
        %mul3A_476 = arith.constant 2 : i32
        %mul3A_477 = arith.muli %mul3A_476, %scan3A_198 : i32
        %add3A_478 = arith.constant 1 : i32
        %add3A_479 = arith.addi %mul3A_477, %add3A_478 : i32
        %get3A_480 = arith.index_cast %add3A_479 : i32 to index
        %get3A_481 = arith.constant 32 : index
        %get3A_482 = tpu.vector_load %arg11[%get3A_480, %get3A_481] {strides = array<i32>} : memref<80x128xf32, #tpu.memory_space<vmem>>, vector<1x16xf32>,
        %get3A_483 = vector.shape_cast %get3A_482 : vector<1x16xf32> to vector<16xf32>
        %add3A_484 = arith.addf %get3A_475, %get3A_483 : vector<16xf32>
        %max3A_485 = arith.maximumf %add3A_484, %broadcast_in_dim3A_10 : vector<16xf32>
        %mul3A_486 = arith.constant 2 : i32
        %mul3A_487 = arith.muli %mul3A_486, %scan3A_198 : i32
        %add3A_488 = arith.constant 1 : i32
        %add3A_489 = arith.addi %mul3A_487, %add3A_488 : i32
        %swap3A_490 = arith.index_cast %add3A_489 : i32 to index
        %swap3A_491 = arith.constant 32 : index
        %swap3A_492 = tpu.vector_load %arg11[%swap3A_490, %swap3A_491] {strides = array<i32>} : memref<80x128xf32, #tpu.memory_space<vmem>>, vector<1x16xf32>,
        %swap3A_493 = vector.shape_cast %swap3A_492 : vector<1x16xf32> to vector<16xf32>
        %swap3A_494 = vector.shape_cast %max3A_485 : vector<16xf32> to vector<1x16xf32>
        tpu.vector_store %arg11[%swap3A_490, %swap3A_491], %swap3A_494 {strides = array<i32>} : memref<80x128xf32, #tpu.memory_space<vmem>>, vector<1x16xf32>,
        %mul3A_495 = arith.constant 2 : i32
        %mul3A_496 = arith.muli %mul3A_495, %scan3A_198 : i32
        %add3A_497 = arith.constant 1 : i32
        %add3A_498 = arith.addi %mul3A_496, %add3A_497 : i32
        %get3A_499 = arith.index_cast %add3A_498 : i32 to index
        %get3A_500 = arith.constant 48 : index
        %get3A_501 = tpu.vector_load %arg10[%get3A_499, %get3A_500] {strides = array<i32>} : memref<80x128xf32, #tpu.memory_space<vmem>>, vector<1x16xf32>,
        %get3A_502 = vector.shape_cast %get3A_501 : vector<1x16xf32> to vector<16xf32>
        %mul3A_503 = arith.constant 2 : i32
        %mul3A_504 = arith.muli %mul3A_503, %scan3A_198 : i32
        %add3A_505 = arith.constant 1 : i32
        %add3A_506 = arith.addi %mul3A_504, %add3A_505 : i32
        %get3A_507 = arith.index_cast %add3A_506 : i32 to index
        %get3A_508 = arith.constant 48 : index
        %get3A_509 = tpu.vector_load %arg11[%get3A_507, %get3A_508] {strides = array<i32>} : memref<80x128xf32, #tpu.memory_space<vmem>>, vector<1x16xf32>,
        %get3A_510 = vector.shape_cast %get3A_509 : vector<1x16xf32> to vector<16xf32>
        %add3A_511 = arith.addf %get3A_502, %get3A_510 : vector<16xf32>
        %max3A_512 = arith.maximumf %add3A_511, %broadcast_in_dim3A_10 : vector<16xf32>
        %mul3A_513 = arith.constant 2 : i32
        %mul3A_514 = arith.muli %mul3A_513, %scan3A_198 : i32
        %add3A_515 = arith.constant 1 : i32
        %add3A_516 = arith.addi %mul3A_514, %add3A_515 : i32
        %swap3A_517 = arith.index_cast %add3A_516 : i32 to index
        %swap3A_518 = arith.constant 48 : index
        %swap3A_519 = tpu.vector_load %arg11[%swap3A_517, %swap3A_518] {strides = array<i32>} : memref<80x128xf32, #tpu.memory_space<vmem>>, vector<1x16xf32>,
        %swap3A_520 = vector.shape_cast %swap3A_519 : vector<1x16xf32> to vector<16xf32>
        %swap3A_521 = vector.shape_cast %max3A_512 : vector<16xf32> to vector<1x16xf32>
        tpu.vector_store %arg11[%swap3A_517, %swap3A_518], %swap3A_521 {strides = array<i32>} : memref<80x128xf32, #tpu.memory_space<vmem>>, vector<1x16xf32>,
        %mul3A_522 = arith.constant 2 : i32
        %mul3A_523 = arith.muli %mul3A_522, %scan3A_198 : i32
        %add3A_524 = arith.constant 1 : i32
        %add3A_525 = arith.addi %mul3A_523, %add3A_524 : i32
        %get3A_526 = arith.index_cast %add3A_525 : i32 to index
        %get3A_527 = arith.constant 64 : index
        %get3A_528 = tpu.vector_load %arg10[%get3A_526, %get3A_527] {strides = array<i32>} : memref<80x128xf32, #tpu.memory_space<vmem>>, vector<1x16xf32>,
        %get3A_529 = vector.shape_cast %get3A_528 : vector<1x16xf32> to vector<16xf32>
        %mul3A_530 = arith.constant 2 : i32
        %mul3A_531 = arith.muli %mul3A_530, %scan3A_198 : i32
        %add3A_532 = arith.constant 1 : i32
        %add3A_533 = arith.addi %mul3A_531, %add3A_532 : i32
        %get3A_534 = arith.index_cast %add3A_533 : i32 to index
        %get3A_535 = arith.constant 64 : index
        %get3A_536 = tpu.vector_load %arg11[%get3A_534, %get3A_535] {strides = array<i32>} : memref<80x128xf32, #tpu.memory_space<vmem>>, vector<1x16xf32>,
        %get3A_537 = vector.shape_cast %get3A_536 : vector<1x16xf32> to vector<16xf32>
        %add3A_538 = arith.addf %get3A_529, %get3A_537 : vector<16xf32>
        %max3A_539 = arith.maximumf %add3A_538, %broadcast_in_dim3A_10 : vector<16xf32>
        %mul3A_540 = arith.constant 2 : i32
        %mul3A_541 = arith.muli %mul3A_540, %scan3A_198 : i32
        %add3A_542 = arith.constant 1 : i32
        %add3A_543 = arith.addi %mul3A_541, %add3A_542 : i32
        %swap3A_544 = arith.index_cast %add3A_543 : i32 to index
        %swap3A_545 = arith.constant 64 : index
        %swap3A_546 = tpu.vector_load %arg11[%swap3A_544, %swap3A_545] {strides = array<i32>} : memref<80x128xf32, #tpu.memory_space<vmem>>, vector<1x16xf32>,
        %swap3A_547 = vector.shape_cast %swap3A_546 : vector<1x16xf32> to vector<16xf32>
        %swap3A_548 = vector.shape_cast %max3A_539 : vector<16xf32> to vector<1x16xf32>
        tpu.vector_store %arg11[%swap3A_544, %swap3A_545], %swap3A_548 {strides = array<i32>} : memref<80x128xf32, #tpu.memory_space<vmem>>, vector<1x16xf32>,
        %mul3A_549 = arith.constant 2 : i32
        %mul3A_550 = arith.muli %mul3A_549, %scan3A_198 : i32
        %add3A_551 = arith.constant 1 : i32
        %add3A_552 = arith.addi %mul3A_550, %add3A_551 : i32
        %get3A_553 = arith.index_cast %add3A_552 : i32 to index
        %get3A_554 = arith.constant 80 : index
        %get3A_555 = tpu.vector_load %arg10[%get3A_553, %get3A_554] {strides = array<i32>} : memref<80x128xf32, #tpu.memory_space<vmem>>, vector<1x16xf32>,
        %get3A_556 = vector.shape_cast %get3A_555 : vector<1x16xf32> to vector<16xf32>
        %mul3A_557 = arith.constant 2 : i32
        %mul3A_558 = arith.muli %mul3A_557, %scan3A_198 : i32
        %add3A_559 = arith.constant 1 : i32
        %add3A_560 = arith.addi %mul3A_558, %add3A_559 : i32
        %get3A_561 = arith.index_cast %add3A_560 : i32 to index
        %get3A_562 = arith.constant 80 : index
        %get3A_563 = tpu.vector_load %arg11[%get3A_561, %get3A_562] {strides = array<i32>} : memref<80x128xf32, #tpu.memory_space<vmem>>, vector<1x16xf32>,
        %get3A_564 = vector.shape_cast %get3A_563 : vector<1x16xf32> to vector<16xf32>
        %add3A_565 = arith.addf %get3A_556, %get3A_564 : vector<16xf32>
        %max3A_566 = arith.maximumf %add3A_565, %broadcast_in_dim3A_10 : vector<16xf32>
        %mul3A_567 = arith.constant 2 : i32
        %mul3A_568 = arith.muli %mul3A_567, %scan3A_198 : i32
        %add3A_569 = arith.constant 1 : i32
        %add3A_570 = arith.addi %mul3A_568, %add3A_569 : i32
        %swap3A_571 = arith.index_cast %add3A_570 : i32 to index
        %swap3A_572 = arith.constant 80 : index
        %swap3A_573 = tpu.vector_load %arg11[%swap3A_571, %swap3A_572] {strides = array<i32>} : memref<80x128xf32, #tpu.memory_space<vmem>>, vector<1x16xf32>,
        %swap3A_574 = vector.shape_cast %swap3A_573 : vector<1x16xf32> to vector<16xf32>
        %swap3A_575 = vector.shape_cast %max3A_566 : vector<16xf32> to vector<1x16xf32>
        tpu.vector_store %arg11[%swap3A_571, %swap3A_572], %swap3A_575 {strides = array<i32>} : memref<80x128xf32, #tpu.memory_space<vmem>>, vector<1x16xf32>,
        %mul3A_576 = arith.constant 2 : i32
        %mul3A_577 = arith.muli %mul3A_576, %scan3A_198 : i32
        %add3A_578 = arith.constant 1 : i32
        %add3A_579 = arith.addi %mul3A_577, %add3A_578 : i32
        %get3A_580 = arith.index_cast %add3A_579 : i32 to index
        %get3A_581 = arith.constant 96 : index
        %get3A_582 = tpu.vector_load %arg10[%get3A_580, %get3A_581] {strides = array<i32>} : memref<80x128xf32, #tpu.memory_space<vmem>>, vector<1x16xf32>,
        %get3A_583 = vector.shape_cast %get3A_582 : vector<1x16xf32> to vector<16xf32>
        %mul3A_584 = arith.constant 2 : i32
        %mul3A_585 = arith.muli %mul3A_584, %scan3A_198 : i32
        %add3A_586 = arith.constant 1 : i32
        %add3A_587 = arith.addi %mul3A_585, %add3A_586 : i32
        %get3A_588 = arith.index_cast %add3A_587 : i32 to index
        %get3A_589 = arith.constant 96 : index
        %get3A_590 = tpu.vector_load %arg11[%get3A_588, %get3A_589] {strides = array<i32>} : memref<80x128xf32, #tpu.memory_space<vmem>>, vector<1x16xf32>,
        %get3A_591 = vector.shape_cast %get3A_590 : vector<1x16xf32> to vector<16xf32>
        %add3A_592 = arith.addf %get3A_583, %get3A_591 : vector<16xf32>
        %max3A_593 = arith.maximumf %add3A_592, %broadcast_in_dim3A_10 : vector<16xf32>
        %mul3A_594 = arith.constant 2 : i32
        %mul3A_595 = arith.muli %mul3A_594, %scan3A_198 : i32
        %add3A_596 = arith.constant 1 : i32
        %add3A_597 = arith.addi %mul3A_595, %add3A_596 : i32
        %swap3A_598 = arith.index_cast %add3A_597 : i32 to index
        %swap3A_599 = arith.constant 96 : index
        %swap3A_600 = tpu.vector_load %arg11[%swap3A_598, %swap3A_599] {strides = array<i32>} : memref<80x128xf32, #tpu.memory_space<vmem>>, vector<1x16xf32>,
        %swap3A_601 = vector.shape_cast %swap3A_600 : vector<1x16xf32> to vector<16xf32>
        %swap3A_602 = vector.shape_cast %max3A_593 : vector<16xf32> to vector<1x16xf32>
        tpu.vector_store %arg11[%swap3A_598, %swap3A_599], %swap3A_602 {strides = array<i32>} : memref<80x128xf32, #tpu.memory_space<vmem>>, vector<1x16xf32>,
        %mul3A_603 = arith.constant 2 : i32
        %mul3A_604 = arith.muli %mul3A_603, %scan3A_198 : i32
        %add3A_605 = arith.constant 1 : i32
        %add3A_606 = arith.addi %mul3A_604, %add3A_605 : i32
        %get3A_607 = arith.index_cast %add3A_606 : i32 to index
        %get3A_608 = arith.constant 112 : index
        %get3A_609 = tpu.vector_load %arg10[%get3A_607, %get3A_608] {strides = array<i32>} : memref<80x128xf32, #tpu.memory_space<vmem>>, vector<1x16xf32>,
        %get3A_610 = vector.shape_cast %get3A_609 : vector<1x16xf32> to vector<16xf32>
        %mul3A_611 = arith.constant 2 : i32
        %mul3A_612 = arith.muli %mul3A_611, %scan3A_198 : i32
        %add3A_613 = arith.constant 1 : i32
        %add3A_614 = arith.addi %mul3A_612, %add3A_613 : i32
        %get3A_615 = arith.index_cast %add3A_614 : i32 to index
        %get3A_616 = arith.constant 112 : index
        %get3A_617 = tpu.vector_load %arg11[%get3A_615, %get3A_616] {strides = array<i32>} : memref<80x128xf32, #tpu.memory_space<vmem>>, vector<1x16xf32>,
        %get3A_618 = vector.shape_cast %get3A_617 : vector<1x16xf32> to vector<16xf32>
        %add3A_619 = arith.addf %get3A_610, %get3A_618 : vector<16xf32>
        %max3A_620 = arith.maximumf %add3A_619, %broadcast_in_dim3A_10 : vector<16xf32>
        %mul3A_621 = arith.constant 2 : i32
        %mul3A_622 = arith.muli %mul3A_621, %scan3A_198 : i32
        %add3A_623 = arith.constant 1 : i32
        %add3A_624 = arith.addi %mul3A_622, %add3A_623 : i32
        %swap3A_625 = arith.index_cast %add3A_624 : i32 to index
        %swap3A_626 = arith.constant 112 : index
        %swap3A_627 = tpu.vector_load %arg11[%swap3A_625, %swap3A_626] {strides = array<i32>} : memref<80x128xf32, #tpu.memory_space<vmem>>, vector<1x16xf32>,
        %swap3A_628 = vector.shape_cast %swap3A_627 : vector<1x16xf32> to vector<16xf32>
        %swap3A_629 = vector.shape_cast %max3A_620 : vector<16xf32> to vector<1x16xf32>
        tpu.vector_store %arg11[%swap3A_625, %swap3A_626], %swap3A_629 {strides = array<i32>} : memref<80x128xf32, #tpu.memory_space<vmem>>, vector<1x16xf32>,
      }
      %scan3A_166 = arith.constant 40 : i32
      "tpu.region"() ({
        %run_scoped3A = tpu.sem_alloc : memref<!tpu.dma_semaphore, #tpu.memory_space<semaphore_mem>>
        %dma_start3A_198 = arith.constant 0 : i32
        %dma_start3A_199 = arith.constant 0 : i32
        %dma_start3A_200 = tpu.memref_slice %arg16[%dma_start3A_198, %dma_start3A_199] : memref<10000x128xf32, #tpu.memory_space<vmem_shared>> -> memref<10000x128xf32, #tpu.memory_space<vmem_shared>>
        tpu.enqueue_indirect_dma source(%arg11 : memref<80x128xf32, #tpu.memory_space<vmem>>) target(%dma_start3A_200 : memref<10000x128xf32, #tpu.memory_space<vmem_shared>>) offsets(%arg9 : memref<80xi32, #tpu.memory_space<vmem>>) semaphore(%run_scoped3A : memref<!tpu.dma_semaphore, #tpu.memory_space<semaphore_mem>>) {add = true}
        %dma_wait3A_201 = arith.constant 0 : i32
        %dma_wait3A_202 = arith.constant 0 : i32
        %dma_wait3A_203 = tpu.memref_slice %arg16[%dma_wait3A_201, %dma_wait3A_202] : memref<10000x128xf32, #tpu.memory_space<vmem_shared>> -> memref<10000x128xf32, #tpu.memory_space<vmem_shared>>
        tpu.wait_indirect_dma semaphore(%run_scoped3A : memref<!tpu.dma_semaphore, #tpu.memory_space<semaphore_mem>>) src(%arg11 : memref<80x128xf32, #tpu.memory_space<vmem>>) dst(%dma_wait3A_203 : memref<10000x128xf32, #tpu.memory_space<vmem_shared>>)
        tpu.yield
      }) : () -> ()
      %add3A_167 = arith.constant 1 : i32
      %add3A_168 = arith.addi %scan3A_94, %add3A_167 : i32
      %lt3A = arith.constant 125 : i32
      %lt3A_169 = arith.cmpi slt, %add3A_168, %lt3A : i32
      %convert_element_type3A_170 = arith.extui %lt3A_169 : i1 to i32
      %cond3A_171 = arith.constant 0 : i32
      %cond3A_172 = arith.cmpi ne, %convert_element_type3A_170, %cond3A_171 : i32
      scf.if %cond3A_172 {
        %add3A_198 = arith.constant 2 : i32
        %add3A_199 = arith.addi %mul3A_96, %add3A_198 : i32
        %mul3A_200 = arith.constant 80 : i32
        %mul3A_201 = arith.muli %add3A_199, %mul3A_200 : i32
        %add3A_202 = arith.addi %mul3A_6, %mul3A_201 : i32
        %dma_start3A_203 = tpu.memref_slice %arg2[%add3A_202] : memref<320000xi32, #tpu.memory_space<hbm>> -> memref<80xi32, #tpu.memory_space<hbm>>
        %dma_start3A_204 = tpu.memref_slice %arg2[%add3A_202] : memref<320000xi32, #tpu.memory_space<hbm>> -> memref<80xi32, #tpu.memory_space<hbm>>
        tpu.enqueue_dma source(%dma_start3A_204 : memref<80xi32, #tpu.memory_space<hbm>>) target(%arg8 : memref<80xi32, #tpu.memory_space<vmem>>) target_semaphore(%arg17 : memref<!tpu.dma_semaphore, #tpu.memory_space<semaphore_mem>>)
        %dma_start3A_205 = tpu.memref_slice %arg3[%add3A_202] : memref<320000xi32, #tpu.memory_space<hbm>> -> memref<80xi32, #tpu.memory_space<hbm>>
        %dma_start3A_206 = tpu.memref_slice %arg3[%add3A_202] : memref<320000xi32, #tpu.memory_space<hbm>> -> memref<80xi32, #tpu.memory_space<hbm>>
        tpu.enqueue_dma source(%dma_start3A_206 : memref<80xi32, #tpu.memory_space<hbm>>) target(%arg9 : memref<80xi32, #tpu.memory_space<vmem>>) target_semaphore(%arg17 : memref<!tpu.dma_semaphore, #tpu.memory_space<semaphore_mem>>)
        %dma_start3A_207 = arith.constant 0 : i32
        %dma_start3A_208 = tpu.memref_slice %arg5[%arg0, %add3A_202, %dma_start3A_207] : memref<2x320000x128xf32, #tpu.memory_space<hbm>> -> memref<1x80x128xf32, #tpu.memory_space<hbm>>
        %dma_start3A_209 = tpu.memref_squeeze %dma_start3A_208 : memref<1x80x128xf32, #tpu.memory_space<hbm>> -> memref<80x128xf32, #tpu.memory_space<hbm>>
        %dma_start3A_210 = arith.constant 0 : i32
        %dma_start3A_211 = tpu.memref_slice %arg5[%arg0, %add3A_202, %dma_start3A_210] : memref<2x320000x128xf32, #tpu.memory_space<hbm>> -> memref<1x80x128xf32, #tpu.memory_space<hbm>>
        %dma_start3A_212 = tpu.memref_squeeze %dma_start3A_211 : memref<1x80x128xf32, #tpu.memory_space<hbm>> -> memref<80x128xf32, #tpu.memory_space<hbm>>
        tpu.enqueue_dma source(%dma_start3A_212 : memref<80x128xf32, #tpu.memory_space<hbm>>) target(%arg11 : memref<80x128xf32, #tpu.memory_space<vmem>>) target_semaphore(%arg18 : memref<!tpu.dma_semaphore, #tpu.memory_space<semaphore_mem>>)
        %add3A_213 = arith.constant 2 : i32
        %add3A_214 = arith.addi %mul3A_96, %add3A_213 : i32
        %mul3A_215 = arith.constant 80 : i32
        %mul3A_216 = arith.muli %add3A_214, %mul3A_215 : i32
        %add3A_217 = arith.addi %mul3A_6, %mul3A_216 : i32
        %dma_wait3A_218 = tpu.memref_slice %arg2[%add3A_217] : memref<320000xi32, #tpu.memory_space<hbm>> -> memref<80xi32, #tpu.memory_space<hbm>>
        %dma_wait3A_219 = tpu.memref_slice %arg2[%add3A_217] : memref<320000xi32, #tpu.memory_space<hbm>> -> memref<80xi32, #tpu.memory_space<hbm>>
        tpu.wait_dma2 semaphore(%arg17 : memref<!tpu.dma_semaphore, #tpu.memory_space<semaphore_mem>>) src(%dma_wait3A_219 : memref<80xi32, #tpu.memory_space<hbm>>) dst(%arg8 : memref<80xi32, #tpu.memory_space<vmem>>)
        %dma_wait3A_220 = tpu.memref_slice %arg3[%add3A_217] : memref<320000xi32, #tpu.memory_space<hbm>> -> memref<80xi32, #tpu.memory_space<hbm>>
        %dma_wait3A_221 = tpu.memref_slice %arg3[%add3A_217] : memref<320000xi32, #tpu.memory_space<hbm>> -> memref<80xi32, #tpu.memory_space<hbm>>
        tpu.wait_dma2 semaphore(%arg17 : memref<!tpu.dma_semaphore, #tpu.memory_space<semaphore_mem>>) src(%dma_wait3A_221 : memref<80xi32, #tpu.memory_space<hbm>>) dst(%arg9 : memref<80xi32, #tpu.memory_space<vmem>>)
        %get3A_222 = arith.constant 0 : index
        %get3A_223 = tpu.vector_load %arg8[%get3A_222] {strides = array<i32>} : memref<80xi32, #tpu.memory_space<vmem>>, vector<16xi32>,
        %get3A_224 = vector.shape_cast %get3A_223 : vector<16xi32> to vector<16xi32>
        %add3A_225 = arith.addi %get3A_224, %broadcast_in_dim3A : vector<16xi32>
        %swap3A_226 = arith.constant 0 : index
        %swap3A_227 = tpu.vector_load %arg8[%swap3A_226] {strides = array<i32>} : memref<80xi32, #tpu.memory_space<vmem>>, vector<16xi32>,
        %swap3A_228 = vector.shape_cast %swap3A_227 : vector<16xi32> to vector<16xi32>
        %swap3A_229 = vector.shape_cast %add3A_225 : vector<16xi32> to vector<16xi32>
        tpu.vector_store %arg8[%swap3A_226], %swap3A_229 {strides = array<i32>} : memref<80xi32, #tpu.memory_space<vmem>>, vector<16xi32>,
        %get3A_230 = arith.constant 16 : index
        %get3A_231 = tpu.vector_load %arg8[%get3A_230] {strides = array<i32>} : memref<80xi32, #tpu.memory_space<vmem>>, vector<16xi32>,
        %get3A_232 = vector.shape_cast %get3A_231 : vector<16xi32> to vector<16xi32>
        %add3A_233 = arith.addi %get3A_232, %broadcast_in_dim3A : vector<16xi32>
        %swap3A_234 = arith.constant 16 : index
        %swap3A_235 = tpu.vector_load %arg8[%swap3A_234] {strides = array<i32>} : memref<80xi32, #tpu.memory_space<vmem>>, vector<16xi32>,
        %swap3A_236 = vector.shape_cast %swap3A_235 : vector<16xi32> to vector<16xi32>
        %swap3A_237 = vector.shape_cast %add3A_233 : vector<16xi32> to vector<16xi32>
        tpu.vector_store %arg8[%swap3A_234], %swap3A_237 {strides = array<i32>} : memref<80xi32, #tpu.memory_space<vmem>>, vector<16xi32>,
        %get3A_238 = arith.constant 32 : index
        %get3A_239 = tpu.vector_load %arg8[%get3A_238] {strides = array<i32>} : memref<80xi32, #tpu.memory_space<vmem>>, vector<16xi32>,
        %get3A_240 = vector.shape_cast %get3A_239 : vector<16xi32> to vector<16xi32>
        %add3A_241 = arith.addi %get3A_240, %broadcast_in_dim3A : vector<16xi32>
        %swap3A_242 = arith.constant 32 : index
        %swap3A_243 = tpu.vector_load %arg8[%swap3A_242] {strides = array<i32>} : memref<80xi32, #tpu.memory_space<vmem>>, vector<16xi32>,
        %swap3A_244 = vector.shape_cast %swap3A_243 : vector<16xi32> to vector<16xi32>
        %swap3A_245 = vector.shape_cast %add3A_241 : vector<16xi32> to vector<16xi32>
        tpu.vector_store %arg8[%swap3A_242], %swap3A_245 {strides = array<i32>} : memref<80xi32, #tpu.memory_space<vmem>>, vector<16xi32>,
        %get3A_246 = arith.constant 48 : index
        %get3A_247 = tpu.vector_load %arg8[%get3A_246] {strides = array<i32>} : memref<80xi32, #tpu.memory_space<vmem>>, vector<16xi32>,
        %get3A_248 = vector.shape_cast %get3A_247 : vector<16xi32> to vector<16xi32>
        %add3A_249 = arith.addi %get3A_248, %broadcast_in_dim3A : vector<16xi32>
        %swap3A_250 = arith.constant 48 : index
        %swap3A_251 = tpu.vector_load %arg8[%swap3A_250] {strides = array<i32>} : memref<80xi32, #tpu.memory_space<vmem>>, vector<16xi32>,
        %swap3A_252 = vector.shape_cast %swap3A_251 : vector<16xi32> to vector<16xi32>
        %swap3A_253 = vector.shape_cast %add3A_249 : vector<16xi32> to vector<16xi32>
        tpu.vector_store %arg8[%swap3A_250], %swap3A_253 {strides = array<i32>} : memref<80xi32, #tpu.memory_space<vmem>>, vector<16xi32>,
        %get3A_254 = arith.constant 64 : index
        %get3A_255 = tpu.vector_load %arg8[%get3A_254] {strides = array<i32>} : memref<80xi32, #tpu.memory_space<vmem>>, vector<16xi32>,
        %get3A_256 = vector.shape_cast %get3A_255 : vector<16xi32> to vector<16xi32>
        %add3A_257 = arith.addi %get3A_256, %broadcast_in_dim3A : vector<16xi32>
        %swap3A_258 = arith.constant 64 : index
        %swap3A_259 = tpu.vector_load %arg8[%swap3A_258] {strides = array<i32>} : memref<80xi32, #tpu.memory_space<vmem>>, vector<16xi32>,
        %swap3A_260 = vector.shape_cast %swap3A_259 : vector<16xi32> to vector<16xi32>
        %swap3A_261 = vector.shape_cast %add3A_257 : vector<16xi32> to vector<16xi32>
        tpu.vector_store %arg8[%swap3A_258], %swap3A_261 {strides = array<i32>} : memref<80xi32, #tpu.memory_space<vmem>>, vector<16xi32>,
        %dma_start3A_262 = arith.constant 0 : i32
        %dma_start3A_263 = arith.constant 0 : i32
        %dma_start3A_264 = tpu.memref_slice %arg4[%dma_start3A_262, %dma_start3A_263] : memref<20000x128xf32, #tpu.memory_space<hbm>> -> memref<20000x128xf32, #tpu.memory_space<hbm>>
        tpu.enqueue_indirect_dma source(%dma_start3A_264 : memref<20000x128xf32, #tpu.memory_space<hbm>>) target(%arg10 : memref<80x128xf32, #tpu.memory_space<vmem>>) offsets(%arg8 : memref<80xi32, #tpu.memory_space<vmem>>) semaphore(%arg19 : memref<!tpu.dma_semaphore, #tpu.memory_space<semaphore_mem>>)
      } else {
      }
      %mul3A_173 = arith.constant 80 : i32
      %mul3A_174 = arith.muli %add3A_98, %mul3A_173 : i32
      %add3A_175 = arith.addi %mul3A_6, %mul3A_174 : i32
      %dma_wait3A_176 = arith.constant 0 : i32
      %dma_wait3A_177 = arith.constant 0 : i32
      %dma_wait3A_178 = tpu.memref_slice %arg4[%dma_wait3A_176, %dma_wait3A_177] : memref<20000x128xf32, #tpu.memory_space<hbm>> -> memref<20000x128xf32, #tpu.memory_space<hbm>>
      tpu.wait_indirect_dma semaphore(%arg22 : memref<!tpu.dma_semaphore, #tpu.memory_space<semaphore_mem>>) src(%dma_wait3A_178 : memref<20000x128xf32, #tpu.memory_space<hbm>>) dst(%arg14 : memref<80x128xf32, #tpu.memory_space<vmem>>)
      %dma_wait3A_179 = arith.constant 0 : i32
      %dma_wait3A_180 = tpu.memref_slice %arg5[%arg0, %add3A_175, %dma_wait3A_179] : memref<2x320000x128xf32, #tpu.memory_space<hbm>> -> memref<1x80x128xf32, #tpu.memory_space<hbm>>
      %dma_wait3A_181 = tpu.memref_squeeze %dma_wait3A_180 : memref<1x80x128xf32, #tpu.memory_space<hbm>> -> memref<80x128xf32, #tpu.memory_space<hbm>>
      %dma_wait3A_182 = arith.constant 0 : i32
      %dma_wait3A_183 = tpu.memref_slice %arg5[%arg0, %add3A_175, %dma_wait3A_182] : memref<2x320000x128xf32, #tpu.memory_space<hbm>> -> memref<1x80x128xf32, #tpu.memory_space<hbm>>
      %dma_wait3A_184 = tpu.memref_squeeze %dma_wait3A_183 : memref<1x80x128xf32, #tpu.memory_space<hbm>> -> memref<80x128xf32, #tpu.memory_space<hbm>>
      tpu.wait_dma2 semaphore(%arg21 : memref<!tpu.dma_semaphore, #tpu.memory_space<semaphore_mem>>) src(%dma_wait3A_184 : memref<80x128xf32, #tpu.memory_space<hbm>>) dst(%arg15 : memref<80x128xf32, #tpu.memory_space<vmem>>)
      %scan3A_185 = arith.constant 0 : i32
      %scan3A_186 = arith.constant 0 : i32
      %scan3A_187 = arith.constant 40 : i32
      %scan3A_188 = arith.addi %scan3A_186, %scan3A_187 : i32
      %scan3A_189 = arith.constant 1 : i32
      scf.for %scan3A_198 = %scan3A_186 to %scan3A_188 step %scan3A_189  : i32 {
        %mul3A_199 = arith.constant 2 : i32
        %mul3A_200 = arith.muli %mul3A_199, %scan3A_198 : i32
        %add3A_201 = arith.constant 0 : i32
        %add3A_202 = arith.addi %mul3A_200, %add3A_201 : i32
        %get3A_203 = arith.index_cast %add3A_202 : i32 to index
        %get3A_204 = arith.constant 0 : index
        %get3A_205 = tpu.vector_load %arg14[%get3A_203, %get3A_204] {strides = array<i32>} : memref<80x128xf32, #tpu.memory_space<vmem>>, vector<1x16xf32>,
        %get3A_206 = vector.shape_cast %get3A_205 : vector<1x16xf32> to vector<16xf32>
        %mul3A_207 = arith.constant 2 : i32
        %mul3A_208 = arith.muli %mul3A_207, %scan3A_198 : i32
        %add3A_209 = arith.constant 0 : i32
        %add3A_210 = arith.addi %mul3A_208, %add3A_209 : i32
        %get3A_211 = arith.index_cast %add3A_210 : i32 to index
        %get3A_212 = arith.constant 0 : index
        %get3A_213 = tpu.vector_load %arg15[%get3A_211, %get3A_212] {strides = array<i32>} : memref<80x128xf32, #tpu.memory_space<vmem>>, vector<1x16xf32>,
        %get3A_214 = vector.shape_cast %get3A_213 : vector<1x16xf32> to vector<16xf32>
        %add3A_215 = arith.addf %get3A_206, %get3A_214 : vector<16xf32>
        %max3A = arith.maximumf %add3A_215, %broadcast_in_dim3A_10 : vector<16xf32>
        %mul3A_216 = arith.constant 2 : i32
        %mul3A_217 = arith.muli %mul3A_216, %scan3A_198 : i32
        %add3A_218 = arith.constant 0 : i32
        %add3A_219 = arith.addi %mul3A_217, %add3A_218 : i32
        %swap3A_220 = arith.index_cast %add3A_219 : i32 to index
        %swap3A_221 = arith.constant 0 : index
        %swap3A_222 = tpu.vector_load %arg15[%swap3A_220, %swap3A_221] {strides = array<i32>} : memref<80x128xf32, #tpu.memory_space<vmem>>, vector<1x16xf32>,
        %swap3A_223 = vector.shape_cast %swap3A_222 : vector<1x16xf32> to vector<16xf32>
        %swap3A_224 = vector.shape_cast %max3A : vector<16xf32> to vector<1x16xf32>
        tpu.vector_store %arg15[%swap3A_220, %swap3A_221], %swap3A_224 {strides = array<i32>} : memref<80x128xf32, #tpu.memory_space<vmem>>, vector<1x16xf32>,
        %mul3A_225 = arith.constant 2 : i32
        %mul3A_226 = arith.muli %mul3A_225, %scan3A_198 : i32
        %add3A_227 = arith.constant 0 : i32
        %add3A_228 = arith.addi %mul3A_226, %add3A_227 : i32
        %get3A_229 = arith.index_cast %add3A_228 : i32 to index
        %get3A_230 = arith.constant 16 : index
        %get3A_231 = tpu.vector_load %arg14[%get3A_229, %get3A_230] {strides = array<i32>} : memref<80x128xf32, #tpu.memory_space<vmem>>, vector<1x16xf32>,
        %get3A_232 = vector.shape_cast %get3A_231 : vector<1x16xf32> to vector<16xf32>
        %mul3A_233 = arith.constant 2 : i32
        %mul3A_234 = arith.muli %mul3A_233, %scan3A_198 : i32
        %add3A_235 = arith.constant 0 : i32
        %add3A_236 = arith.addi %mul3A_234, %add3A_235 : i32
        %get3A_237 = arith.index_cast %add3A_236 : i32 to index
        %get3A_238 = arith.constant 16 : index
        %get3A_239 = tpu.vector_load %arg15[%get3A_237, %get3A_238] {strides = array<i32>} : memref<80x128xf32, #tpu.memory_space<vmem>>, vector<1x16xf32>,
        %get3A_240 = vector.shape_cast %get3A_239 : vector<1x16xf32> to vector<16xf32>
        %add3A_241 = arith.addf %get3A_232, %get3A_240 : vector<16xf32>
        %max3A_242 = arith.maximumf %add3A_241, %broadcast_in_dim3A_10 : vector<16xf32>
        %mul3A_243 = arith.constant 2 : i32
        %mul3A_244 = arith.muli %mul3A_243, %scan3A_198 : i32
        %add3A_245 = arith.constant 0 : i32
        %add3A_246 = arith.addi %mul3A_244, %add3A_245 : i32
        %swap3A_247 = arith.index_cast %add3A_246 : i32 to index
        %swap3A_248 = arith.constant 16 : index
        %swap3A_249 = tpu.vector_load %arg15[%swap3A_247, %swap3A_248] {strides = array<i32>} : memref<80x128xf32, #tpu.memory_space<vmem>>, vector<1x16xf32>,
        %swap3A_250 = vector.shape_cast %swap3A_249 : vector<1x16xf32> to vector<16xf32>
        %swap3A_251 = vector.shape_cast %max3A_242 : vector<16xf32> to vector<1x16xf32>
        tpu.vector_store %arg15[%swap3A_247, %swap3A_248], %swap3A_251 {strides = array<i32>} : memref<80x128xf32, #tpu.memory_space<vmem>>, vector<1x16xf32>,
        %mul3A_252 = arith.constant 2 : i32
        %mul3A_253 = arith.muli %mul3A_252, %scan3A_198 : i32
        %add3A_254 = arith.constant 0 : i32
        %add3A_255 = arith.addi %mul3A_253, %add3A_254 : i32
        %get3A_256 = arith.index_cast %add3A_255 : i32 to index
        %get3A_257 = arith.constant 32 : index
        %get3A_258 = tpu.vector_load %arg14[%get3A_256, %get3A_257] {strides = array<i32>} : memref<80x128xf32, #tpu.memory_space<vmem>>, vector<1x16xf32>,
        %get3A_259 = vector.shape_cast %get3A_258 : vector<1x16xf32> to vector<16xf32>
        %mul3A_260 = arith.constant 2 : i32
        %mul3A_261 = arith.muli %mul3A_260, %scan3A_198 : i32
        %add3A_262 = arith.constant 0 : i32
        %add3A_263 = arith.addi %mul3A_261, %add3A_262 : i32
        %get3A_264 = arith.index_cast %add3A_263 : i32 to index
        %get3A_265 = arith.constant 32 : index
        %get3A_266 = tpu.vector_load %arg15[%get3A_264, %get3A_265] {strides = array<i32>} : memref<80x128xf32, #tpu.memory_space<vmem>>, vector<1x16xf32>,
        %get3A_267 = vector.shape_cast %get3A_266 : vector<1x16xf32> to vector<16xf32>
        %add3A_268 = arith.addf %get3A_259, %get3A_267 : vector<16xf32>
        %max3A_269 = arith.maximumf %add3A_268, %broadcast_in_dim3A_10 : vector<16xf32>
        %mul3A_270 = arith.constant 2 : i32
        %mul3A_271 = arith.muli %mul3A_270, %scan3A_198 : i32
        %add3A_272 = arith.constant 0 : i32
        %add3A_273 = arith.addi %mul3A_271, %add3A_272 : i32
        %swap3A_274 = arith.index_cast %add3A_273 : i32 to index
        %swap3A_275 = arith.constant 32 : index
        %swap3A_276 = tpu.vector_load %arg15[%swap3A_274, %swap3A_275] {strides = array<i32>} : memref<80x128xf32, #tpu.memory_space<vmem>>, vector<1x16xf32>,
        %swap3A_277 = vector.shape_cast %swap3A_276 : vector<1x16xf32> to vector<16xf32>
        %swap3A_278 = vector.shape_cast %max3A_269 : vector<16xf32> to vector<1x16xf32>
        tpu.vector_store %arg15[%swap3A_274, %swap3A_275], %swap3A_278 {strides = array<i32>} : memref<80x128xf32, #tpu.memory_space<vmem>>, vector<1x16xf32>,
        %mul3A_279 = arith.constant 2 : i32
        %mul3A_280 = arith.muli %mul3A_279, %scan3A_198 : i32
        %add3A_281 = arith.constant 0 : i32
        %add3A_282 = arith.addi %mul3A_280, %add3A_281 : i32
        %get3A_283 = arith.index_cast %add3A_282 : i32 to index
        %get3A_284 = arith.constant 48 : index
        %get3A_285 = tpu.vector_load %arg14[%get3A_283, %get3A_284] {strides = array<i32>} : memref<80x128xf32, #tpu.memory_space<vmem>>, vector<1x16xf32>,
        %get3A_286 = vector.shape_cast %get3A_285 : vector<1x16xf32> to vector<16xf32>
        %mul3A_287 = arith.constant 2 : i32
        %mul3A_288 = arith.muli %mul3A_287, %scan3A_198 : i32
        %add3A_289 = arith.constant 0 : i32
        %add3A_290 = arith.addi %mul3A_288, %add3A_289 : i32
        %get3A_291 = arith.index_cast %add3A_290 : i32 to index
        %get3A_292 = arith.constant 48 : index
        %get3A_293 = tpu.vector_load %arg15[%get3A_291, %get3A_292] {strides = array<i32>} : memref<80x128xf32, #tpu.memory_space<vmem>>, vector<1x16xf32>,
        %get3A_294 = vector.shape_cast %get3A_293 : vector<1x16xf32> to vector<16xf32>
        %add3A_295 = arith.addf %get3A_286, %get3A_294 : vector<16xf32>
        %max3A_296 = arith.maximumf %add3A_295, %broadcast_in_dim3A_10 : vector<16xf32>
        %mul3A_297 = arith.constant 2 : i32
        %mul3A_298 = arith.muli %mul3A_297, %scan3A_198 : i32
        %add3A_299 = arith.constant 0 : i32
        %add3A_300 = arith.addi %mul3A_298, %add3A_299 : i32
        %swap3A_301 = arith.index_cast %add3A_300 : i32 to index
        %swap3A_302 = arith.constant 48 : index
        %swap3A_303 = tpu.vector_load %arg15[%swap3A_301, %swap3A_302] {strides = array<i32>} : memref<80x128xf32, #tpu.memory_space<vmem>>, vector<1x16xf32>,
        %swap3A_304 = vector.shape_cast %swap3A_303 : vector<1x16xf32> to vector<16xf32>
        %swap3A_305 = vector.shape_cast %max3A_296 : vector<16xf32> to vector<1x16xf32>
        tpu.vector_store %arg15[%swap3A_301, %swap3A_302], %swap3A_305 {strides = array<i32>} : memref<80x128xf32, #tpu.memory_space<vmem>>, vector<1x16xf32>,
        %mul3A_306 = arith.constant 2 : i32
        %mul3A_307 = arith.muli %mul3A_306, %scan3A_198 : i32
        %add3A_308 = arith.constant 0 : i32
        %add3A_309 = arith.addi %mul3A_307, %add3A_308 : i32
        %get3A_310 = arith.index_cast %add3A_309 : i32 to index
        %get3A_311 = arith.constant 64 : index
        %get3A_312 = tpu.vector_load %arg14[%get3A_310, %get3A_311] {strides = array<i32>} : memref<80x128xf32, #tpu.memory_space<vmem>>, vector<1x16xf32>,
        %get3A_313 = vector.shape_cast %get3A_312 : vector<1x16xf32> to vector<16xf32>
        %mul3A_314 = arith.constant 2 : i32
        %mul3A_315 = arith.muli %mul3A_314, %scan3A_198 : i32
        %add3A_316 = arith.constant 0 : i32
        %add3A_317 = arith.addi %mul3A_315, %add3A_316 : i32
        %get3A_318 = arith.index_cast %add3A_317 : i32 to index
        %get3A_319 = arith.constant 64 : index
        %get3A_320 = tpu.vector_load %arg15[%get3A_318, %get3A_319] {strides = array<i32>} : memref<80x128xf32, #tpu.memory_space<vmem>>, vector<1x16xf32>,
        %get3A_321 = vector.shape_cast %get3A_320 : vector<1x16xf32> to vector<16xf32>
        %add3A_322 = arith.addf %get3A_313, %get3A_321 : vector<16xf32>
        %max3A_323 = arith.maximumf %add3A_322, %broadcast_in_dim3A_10 : vector<16xf32>
        %mul3A_324 = arith.constant 2 : i32
        %mul3A_325 = arith.muli %mul3A_324, %scan3A_198 : i32
        %add3A_326 = arith.constant 0 : i32
        %add3A_327 = arith.addi %mul3A_325, %add3A_326 : i32
        %swap3A_328 = arith.index_cast %add3A_327 : i32 to index
        %swap3A_329 = arith.constant 64 : index
        %swap3A_330 = tpu.vector_load %arg15[%swap3A_328, %swap3A_329] {strides = array<i32>} : memref<80x128xf32, #tpu.memory_space<vmem>>, vector<1x16xf32>,
        %swap3A_331 = vector.shape_cast %swap3A_330 : vector<1x16xf32> to vector<16xf32>
        %swap3A_332 = vector.shape_cast %max3A_323 : vector<16xf32> to vector<1x16xf32>
        tpu.vector_store %arg15[%swap3A_328, %swap3A_329], %swap3A_332 {strides = array<i32>} : memref<80x128xf32, #tpu.memory_space<vmem>>, vector<1x16xf32>,
        %mul3A_333 = arith.constant 2 : i32
        %mul3A_334 = arith.muli %mul3A_333, %scan3A_198 : i32
        %add3A_335 = arith.constant 0 : i32
        %add3A_336 = arith.addi %mul3A_334, %add3A_335 : i32
        %get3A_337 = arith.index_cast %add3A_336 : i32 to index
        %get3A_338 = arith.constant 80 : index
        %get3A_339 = tpu.vector_load %arg14[%get3A_337, %get3A_338] {strides = array<i32>} : memref<80x128xf32, #tpu.memory_space<vmem>>, vector<1x16xf32>,
        %get3A_340 = vector.shape_cast %get3A_339 : vector<1x16xf32> to vector<16xf32>
        %mul3A_341 = arith.constant 2 : i32
        %mul3A_342 = arith.muli %mul3A_341, %scan3A_198 : i32
        %add3A_343 = arith.constant 0 : i32
        %add3A_344 = arith.addi %mul3A_342, %add3A_343 : i32
        %get3A_345 = arith.index_cast %add3A_344 : i32 to index
        %get3A_346 = arith.constant 80 : index
        %get3A_347 = tpu.vector_load %arg15[%get3A_345, %get3A_346] {strides = array<i32>} : memref<80x128xf32, #tpu.memory_space<vmem>>, vector<1x16xf32>,
        %get3A_348 = vector.shape_cast %get3A_347 : vector<1x16xf32> to vector<16xf32>
        %add3A_349 = arith.addf %get3A_340, %get3A_348 : vector<16xf32>
        %max3A_350 = arith.maximumf %add3A_349, %broadcast_in_dim3A_10 : vector<16xf32>
        %mul3A_351 = arith.constant 2 : i32
        %mul3A_352 = arith.muli %mul3A_351, %scan3A_198 : i32
        %add3A_353 = arith.constant 0 : i32
        %add3A_354 = arith.addi %mul3A_352, %add3A_353 : i32
        %swap3A_355 = arith.index_cast %add3A_354 : i32 to index
        %swap3A_356 = arith.constant 80 : index
        %swap3A_357 = tpu.vector_load %arg15[%swap3A_355, %swap3A_356] {strides = array<i32>} : memref<80x128xf32, #tpu.memory_space<vmem>>, vector<1x16xf32>,
        %swap3A_358 = vector.shape_cast %swap3A_357 : vector<1x16xf32> to vector<16xf32>
        %swap3A_359 = vector.shape_cast %max3A_350 : vector<16xf32> to vector<1x16xf32>
        tpu.vector_store %arg15[%swap3A_355, %swap3A_356], %swap3A_359 {strides = array<i32>} : memref<80x128xf32, #tpu.memory_space<vmem>>, vector<1x16xf32>,
        %mul3A_360 = arith.constant 2 : i32
        %mul3A_361 = arith.muli %mul3A_360, %scan3A_198 : i32
        %add3A_362 = arith.constant 0 : i32
        %add3A_363 = arith.addi %mul3A_361, %add3A_362 : i32
        %get3A_364 = arith.index_cast %add3A_363 : i32 to index
        %get3A_365 = arith.constant 96 : index
        %get3A_366 = tpu.vector_load %arg14[%get3A_364, %get3A_365] {strides = array<i32>} : memref<80x128xf32, #tpu.memory_space<vmem>>, vector<1x16xf32>,
        %get3A_367 = vector.shape_cast %get3A_366 : vector<1x16xf32> to vector<16xf32>
        %mul3A_368 = arith.constant 2 : i32
        %mul3A_369 = arith.muli %mul3A_368, %scan3A_198 : i32
        %add3A_370 = arith.constant 0 : i32
        %add3A_371 = arith.addi %mul3A_369, %add3A_370 : i32
        %get3A_372 = arith.index_cast %add3A_371 : i32 to index
        %get3A_373 = arith.constant 96 : index
        %get3A_374 = tpu.vector_load %arg15[%get3A_372, %get3A_373] {strides = array<i32>} : memref<80x128xf32, #tpu.memory_space<vmem>>, vector<1x16xf32>,
        %get3A_375 = vector.shape_cast %get3A_374 : vector<1x16xf32> to vector<16xf32>
        %add3A_376 = arith.addf %get3A_367, %get3A_375 : vector<16xf32>
        %max3A_377 = arith.maximumf %add3A_376, %broadcast_in_dim3A_10 : vector<16xf32>
        %mul3A_378 = arith.constant 2 : i32
        %mul3A_379 = arith.muli %mul3A_378, %scan3A_198 : i32
        %add3A_380 = arith.constant 0 : i32
        %add3A_381 = arith.addi %mul3A_379, %add3A_380 : i32
        %swap3A_382 = arith.index_cast %add3A_381 : i32 to index
        %swap3A_383 = arith.constant 96 : index
        %swap3A_384 = tpu.vector_load %arg15[%swap3A_382, %swap3A_383] {strides = array<i32>} : memref<80x128xf32, #tpu.memory_space<vmem>>, vector<1x16xf32>,
        %swap3A_385 = vector.shape_cast %swap3A_384 : vector<1x16xf32> to vector<16xf32>
        %swap3A_386 = vector.shape_cast %max3A_377 : vector<16xf32> to vector<1x16xf32>
        tpu.vector_store %arg15[%swap3A_382, %swap3A_383], %swap3A_386 {strides = array<i32>} : memref<80x128xf32, #tpu.memory_space<vmem>>, vector<1x16xf32>,
        %mul3A_387 = arith.constant 2 : i32
        %mul3A_388 = arith.muli %mul3A_387, %scan3A_198 : i32
        %add3A_389 = arith.constant 0 : i32
        %add3A_390 = arith.addi %mul3A_388, %add3A_389 : i32
        %get3A_391 = arith.index_cast %add3A_390 : i32 to index
        %get3A_392 = arith.constant 112 : index
        %get3A_393 = tpu.vector_load %arg14[%get3A_391, %get3A_392] {strides = array<i32>} : memref<80x128xf32, #tpu.memory_space<vmem>>, vector<1x16xf32>,
        %get3A_394 = vector.shape_cast %get3A_393 : vector<1x16xf32> to vector<16xf32>
        %mul3A_395 = arith.constant 2 : i32
        %mul3A_396 = arith.muli %mul3A_395, %scan3A_198 : i32
        %add3A_397 = arith.constant 0 : i32
        %add3A_398 = arith.addi %mul3A_396, %add3A_397 : i32
        %get3A_399 = arith.index_cast %add3A_398 : i32 to index
        %get3A_400 = arith.constant 112 : index
        %get3A_401 = tpu.vector_load %arg15[%get3A_399, %get3A_400] {strides = array<i32>} : memref<80x128xf32, #tpu.memory_space<vmem>>, vector<1x16xf32>,
        %get3A_402 = vector.shape_cast %get3A_401 : vector<1x16xf32> to vector<16xf32>
        %add3A_403 = arith.addf %get3A_394, %get3A_402 : vector<16xf32>
        %max3A_404 = arith.maximumf %add3A_403, %broadcast_in_dim3A_10 : vector<16xf32>
        %mul3A_405 = arith.constant 2 : i32
        %mul3A_406 = arith.muli %mul3A_405, %scan3A_198 : i32
        %add3A_407 = arith.constant 0 : i32
        %add3A_408 = arith.addi %mul3A_406, %add3A_407 : i32
        %swap3A_409 = arith.index_cast %add3A_408 : i32 to index
        %swap3A_410 = arith.constant 112 : index
        %swap3A_411 = tpu.vector_load %arg15[%swap3A_409, %swap3A_410] {strides = array<i32>} : memref<80x128xf32, #tpu.memory_space<vmem>>, vector<1x16xf32>,
        %swap3A_412 = vector.shape_cast %swap3A_411 : vector<1x16xf32> to vector<16xf32>
        %swap3A_413 = vector.shape_cast %max3A_404 : vector<16xf32> to vector<1x16xf32>
        tpu.vector_store %arg15[%swap3A_409, %swap3A_410], %swap3A_413 {strides = array<i32>} : memref<80x128xf32, #tpu.memory_space<vmem>>, vector<1x16xf32>,
        %mul3A_414 = arith.constant 2 : i32
        %mul3A_415 = arith.muli %mul3A_414, %scan3A_198 : i32
        %add3A_416 = arith.constant 1 : i32
        %add3A_417 = arith.addi %mul3A_415, %add3A_416 : i32
        %get3A_418 = arith.index_cast %add3A_417 : i32 to index
        %get3A_419 = arith.constant 0 : index
        %get3A_420 = tpu.vector_load %arg14[%get3A_418, %get3A_419] {strides = array<i32>} : memref<80x128xf32, #tpu.memory_space<vmem>>, vector<1x16xf32>,
        %get3A_421 = vector.shape_cast %get3A_420 : vector<1x16xf32> to vector<16xf32>
        %mul3A_422 = arith.constant 2 : i32
        %mul3A_423 = arith.muli %mul3A_422, %scan3A_198 : i32
        %add3A_424 = arith.constant 1 : i32
        %add3A_425 = arith.addi %mul3A_423, %add3A_424 : i32
        %get3A_426 = arith.index_cast %add3A_425 : i32 to index
        %get3A_427 = arith.constant 0 : index
        %get3A_428 = tpu.vector_load %arg15[%get3A_426, %get3A_427] {strides = array<i32>} : memref<80x128xf32, #tpu.memory_space<vmem>>, vector<1x16xf32>,
        %get3A_429 = vector.shape_cast %get3A_428 : vector<1x16xf32> to vector<16xf32>
        %add3A_430 = arith.addf %get3A_421, %get3A_429 : vector<16xf32>
        %max3A_431 = arith.maximumf %add3A_430, %broadcast_in_dim3A_10 : vector<16xf32>
        %mul3A_432 = arith.constant 2 : i32
        %mul3A_433 = arith.muli %mul3A_432, %scan3A_198 : i32
        %add3A_434 = arith.constant 1 : i32
        %add3A_435 = arith.addi %mul3A_433, %add3A_434 : i32
        %swap3A_436 = arith.index_cast %add3A_435 : i32 to index
        %swap3A_437 = arith.constant 0 : index
        %swap3A_438 = tpu.vector_load %arg15[%swap3A_436, %swap3A_437] {strides = array<i32>} : memref<80x128xf32, #tpu.memory_space<vmem>>, vector<1x16xf32>,
        %swap3A_439 = vector.shape_cast %swap3A_438 : vector<1x16xf32> to vector<16xf32>
        %swap3A_440 = vector.shape_cast %max3A_431 : vector<16xf32> to vector<1x16xf32>
        tpu.vector_store %arg15[%swap3A_436, %swap3A_437], %swap3A_440 {strides = array<i32>} : memref<80x128xf32, #tpu.memory_space<vmem>>, vector<1x16xf32>,
        %mul3A_441 = arith.constant 2 : i32
        %mul3A_442 = arith.muli %mul3A_441, %scan3A_198 : i32
        %add3A_443 = arith.constant 1 : i32
        %add3A_444 = arith.addi %mul3A_442, %add3A_443 : i32
        %get3A_445 = arith.index_cast %add3A_444 : i32 to index
        %get3A_446 = arith.constant 16 : index
        %get3A_447 = tpu.vector_load %arg14[%get3A_445, %get3A_446] {strides = array<i32>} : memref<80x128xf32, #tpu.memory_space<vmem>>, vector<1x16xf32>,
        %get3A_448 = vector.shape_cast %get3A_447 : vector<1x16xf32> to vector<16xf32>
        %mul3A_449 = arith.constant 2 : i32
        %mul3A_450 = arith.muli %mul3A_449, %scan3A_198 : i32
        %add3A_451 = arith.constant 1 : i32
        %add3A_452 = arith.addi %mul3A_450, %add3A_451 : i32
        %get3A_453 = arith.index_cast %add3A_452 : i32 to index
        %get3A_454 = arith.constant 16 : index
        %get3A_455 = tpu.vector_load %arg15[%get3A_453, %get3A_454] {strides = array<i32>} : memref<80x128xf32, #tpu.memory_space<vmem>>, vector<1x16xf32>,
        %get3A_456 = vector.shape_cast %get3A_455 : vector<1x16xf32> to vector<16xf32>
        %add3A_457 = arith.addf %get3A_448, %get3A_456 : vector<16xf32>
        %max3A_458 = arith.maximumf %add3A_457, %broadcast_in_dim3A_10 : vector<16xf32>
        %mul3A_459 = arith.constant 2 : i32
        %mul3A_460 = arith.muli %mul3A_459, %scan3A_198 : i32
        %add3A_461 = arith.constant 1 : i32
        %add3A_462 = arith.addi %mul3A_460, %add3A_461 : i32
        %swap3A_463 = arith.index_cast %add3A_462 : i32 to index
        %swap3A_464 = arith.constant 16 : index
        %swap3A_465 = tpu.vector_load %arg15[%swap3A_463, %swap3A_464] {strides = array<i32>} : memref<80x128xf32, #tpu.memory_space<vmem>>, vector<1x16xf32>,
        %swap3A_466 = vector.shape_cast %swap3A_465 : vector<1x16xf32> to vector<16xf32>
        %swap3A_467 = vector.shape_cast %max3A_458 : vector<16xf32> to vector<1x16xf32>
        tpu.vector_store %arg15[%swap3A_463, %swap3A_464], %swap3A_467 {strides = array<i32>} : memref<80x128xf32, #tpu.memory_space<vmem>>, vector<1x16xf32>,
        %mul3A_468 = arith.constant 2 : i32
        %mul3A_469 = arith.muli %mul3A_468, %scan3A_198 : i32
        %add3A_470 = arith.constant 1 : i32
        %add3A_471 = arith.addi %mul3A_469, %add3A_470 : i32
        %get3A_472 = arith.index_cast %add3A_471 : i32 to index
        %get3A_473 = arith.constant 32 : index
        %get3A_474 = tpu.vector_load %arg14[%get3A_472, %get3A_473] {strides = array<i32>} : memref<80x128xf32, #tpu.memory_space<vmem>>, vector<1x16xf32>,
        %get3A_475 = vector.shape_cast %get3A_474 : vector<1x16xf32> to vector<16xf32>
        %mul3A_476 = arith.constant 2 : i32
        %mul3A_477 = arith.muli %mul3A_476, %scan3A_198 : i32
        %add3A_478 = arith.constant 1 : i32
        %add3A_479 = arith.addi %mul3A_477, %add3A_478 : i32
        %get3A_480 = arith.index_cast %add3A_479 : i32 to index
        %get3A_481 = arith.constant 32 : index
        %get3A_482 = tpu.vector_load %arg15[%get3A_480, %get3A_481] {strides = array<i32>} : memref<80x128xf32, #tpu.memory_space<vmem>>, vector<1x16xf32>,
        %get3A_483 = vector.shape_cast %get3A_482 : vector<1x16xf32> to vector<16xf32>
        %add3A_484 = arith.addf %get3A_475, %get3A_483 : vector<16xf32>
        %max3A_485 = arith.maximumf %add3A_484, %broadcast_in_dim3A_10 : vector<16xf32>
        %mul3A_486 = arith.constant 2 : i32
        %mul3A_487 = arith.muli %mul3A_486, %scan3A_198 : i32
        %add3A_488 = arith.constant 1 : i32
        %add3A_489 = arith.addi %mul3A_487, %add3A_488 : i32
        %swap3A_490 = arith.index_cast %add3A_489 : i32 to index
        %swap3A_491 = arith.constant 32 : index
        %swap3A_492 = tpu.vector_load %arg15[%swap3A_490, %swap3A_491] {strides = array<i32>} : memref<80x128xf32, #tpu.memory_space<vmem>>, vector<1x16xf32>,
        %swap3A_493 = vector.shape_cast %swap3A_492 : vector<1x16xf32> to vector<16xf32>
        %swap3A_494 = vector.shape_cast %max3A_485 : vector<16xf32> to vector<1x16xf32>
        tpu.vector_store %arg15[%swap3A_490, %swap3A_491], %swap3A_494 {strides = array<i32>} : memref<80x128xf32, #tpu.memory_space<vmem>>, vector<1x16xf32>,
        %mul3A_495 = arith.constant 2 : i32
        %mul3A_496 = arith.muli %mul3A_495, %scan3A_198 : i32
        %add3A_497 = arith.constant 1 : i32
        %add3A_498 = arith.addi %mul3A_496, %add3A_497 : i32
        %get3A_499 = arith.index_cast %add3A_498 : i32 to index
        %get3A_500 = arith.constant 48 : index
        %get3A_501 = tpu.vector_load %arg14[%get3A_499, %get3A_500] {strides = array<i32>} : memref<80x128xf32, #tpu.memory_space<vmem>>, vector<1x16xf32>,
        %get3A_502 = vector.shape_cast %get3A_501 : vector<1x16xf32> to vector<16xf32>
        %mul3A_503 = arith.constant 2 : i32
        %mul3A_504 = arith.muli %mul3A_503, %scan3A_198 : i32
        %add3A_505 = arith.constant 1 : i32
        %add3A_506 = arith.addi %mul3A_504, %add3A_505 : i32
        %get3A_507 = arith.index_cast %add3A_506 : i32 to index
        %get3A_508 = arith.constant 48 : index
        %get3A_509 = tpu.vector_load %arg15[%get3A_507, %get3A_508] {strides = array<i32>} : memref<80x128xf32, #tpu.memory_space<vmem>>, vector<1x16xf32>,
        %get3A_510 = vector.shape_cast %get3A_509 : vector<1x16xf32> to vector<16xf32>
        %add3A_511 = arith.addf %get3A_502, %get3A_510 : vector<16xf32>
        %max3A_512 = arith.maximumf %add3A_511, %broadcast_in_dim3A_10 : vector<16xf32>
        %mul3A_513 = arith.constant 2 : i32
        %mul3A_514 = arith.muli %mul3A_513, %scan3A_198 : i32
        %add3A_515 = arith.constant 1 : i32
        %add3A_516 = arith.addi %mul3A_514, %add3A_515 : i32
        %swap3A_517 = arith.index_cast %add3A_516 : i32 to index
        %swap3A_518 = arith.constant 48 : index
        %swap3A_519 = tpu.vector_load %arg15[%swap3A_517, %swap3A_518] {strides = array<i32>} : memref<80x128xf32, #tpu.memory_space<vmem>>, vector<1x16xf32>,
        %swap3A_520 = vector.shape_cast %swap3A_519 : vector<1x16xf32> to vector<16xf32>
        %swap3A_521 = vector.shape_cast %max3A_512 : vector<16xf32> to vector<1x16xf32>
        tpu.vector_store %arg15[%swap3A_517, %swap3A_518], %swap3A_521 {strides = array<i32>} : memref<80x128xf32, #tpu.memory_space<vmem>>, vector<1x16xf32>,
        %mul3A_522 = arith.constant 2 : i32
        %mul3A_523 = arith.muli %mul3A_522, %scan3A_198 : i32
        %add3A_524 = arith.constant 1 : i32
        %add3A_525 = arith.addi %mul3A_523, %add3A_524 : i32
        %get3A_526 = arith.index_cast %add3A_525 : i32 to index
        %get3A_527 = arith.constant 64 : index
        %get3A_528 = tpu.vector_load %arg14[%get3A_526, %get3A_527] {strides = array<i32>} : memref<80x128xf32, #tpu.memory_space<vmem>>, vector<1x16xf32>,
        %get3A_529 = vector.shape_cast %get3A_528 : vector<1x16xf32> to vector<16xf32>
        %mul3A_530 = arith.constant 2 : i32
        %mul3A_531 = arith.muli %mul3A_530, %scan3A_198 : i32
        %add3A_532 = arith.constant 1 : i32
        %add3A_533 = arith.addi %mul3A_531, %add3A_532 : i32
        %get3A_534 = arith.index_cast %add3A_533 : i32 to index
        %get3A_535 = arith.constant 64 : index
        %get3A_536 = tpu.vector_load %arg15[%get3A_534, %get3A_535] {strides = array<i32>} : memref<80x128xf32, #tpu.memory_space<vmem>>, vector<1x16xf32>,
        %get3A_537 = vector.shape_cast %get3A_536 : vector<1x16xf32> to vector<16xf32>
        %add3A_538 = arith.addf %get3A_529, %get3A_537 : vector<16xf32>
        %max3A_539 = arith.maximumf %add3A_538, %broadcast_in_dim3A_10 : vector<16xf32>
        %mul3A_540 = arith.constant 2 : i32
        %mul3A_541 = arith.muli %mul3A_540, %scan3A_198 : i32
        %add3A_542 = arith.constant 1 : i32
        %add3A_543 = arith.addi %mul3A_541, %add3A_542 : i32
        %swap3A_544 = arith.index_cast %add3A_543 : i32 to index
        %swap3A_545 = arith.constant 64 : index
        %swap3A_546 = tpu.vector_load %arg15[%swap3A_544, %swap3A_545] {strides = array<i32>} : memref<80x128xf32, #tpu.memory_space<vmem>>, vector<1x16xf32>,
        %swap3A_547 = vector.shape_cast %swap3A_546 : vector<1x16xf32> to vector<16xf32>
        %swap3A_548 = vector.shape_cast %max3A_539 : vector<16xf32> to vector<1x16xf32>
        tpu.vector_store %arg15[%swap3A_544, %swap3A_545], %swap3A_548 {strides = array<i32>} : memref<80x128xf32, #tpu.memory_space<vmem>>, vector<1x16xf32>,
        %mul3A_549 = arith.constant 2 : i32
        %mul3A_550 = arith.muli %mul3A_549, %scan3A_198 : i32
        %add3A_551 = arith.constant 1 : i32
        %add3A_552 = arith.addi %mul3A_550, %add3A_551 : i32
        %get3A_553 = arith.index_cast %add3A_552 : i32 to index
        %get3A_554 = arith.constant 80 : index
        %get3A_555 = tpu.vector_load %arg14[%get3A_553, %get3A_554] {strides = array<i32>} : memref<80x128xf32, #tpu.memory_space<vmem>>, vector<1x16xf32>,
        %get3A_556 = vector.shape_cast %get3A_555 : vector<1x16xf32> to vector<16xf32>
        %mul3A_557 = arith.constant 2 : i32
        %mul3A_558 = arith.muli %mul3A_557, %scan3A_198 : i32
        %add3A_559 = arith.constant 1 : i32
        %add3A_560 = arith.addi %mul3A_558, %add3A_559 : i32
        %get3A_561 = arith.index_cast %add3A_560 : i32 to index
        %get3A_562 = arith.constant 80 : index
        %get3A_563 = tpu.vector_load %arg15[%get3A_561, %get3A_562] {strides = array<i32>} : memref<80x128xf32, #tpu.memory_space<vmem>>, vector<1x16xf32>,
        %get3A_564 = vector.shape_cast %get3A_563 : vector<1x16xf32> to vector<16xf32>
        %add3A_565 = arith.addf %get3A_556, %get3A_564 : vector<16xf32>
        %max3A_566 = arith.maximumf %add3A_565, %broadcast_in_dim3A_10 : vector<16xf32>
        %mul3A_567 = arith.constant 2 : i32
        %mul3A_568 = arith.muli %mul3A_567, %scan3A_198 : i32
        %add3A_569 = arith.constant 1 : i32
        %add3A_570 = arith.addi %mul3A_568, %add3A_569 : i32
        %swap3A_571 = arith.index_cast %add3A_570 : i32 to index
        %swap3A_572 = arith.constant 80 : index
        %swap3A_573 = tpu.vector_load %arg15[%swap3A_571, %swap3A_572] {strides = array<i32>} : memref<80x128xf32, #tpu.memory_space<vmem>>, vector<1x16xf32>,
        %swap3A_574 = vector.shape_cast %swap3A_573 : vector<1x16xf32> to vector<16xf32>
        %swap3A_575 = vector.shape_cast %max3A_566 : vector<16xf32> to vector<1x16xf32>
        tpu.vector_store %arg15[%swap3A_571, %swap3A_572], %swap3A_575 {strides = array<i32>} : memref<80x128xf32, #tpu.memory_space<vmem>>, vector<1x16xf32>,
        %mul3A_576 = arith.constant 2 : i32
        %mul3A_577 = arith.muli %mul3A_576, %scan3A_198 : i32
        %add3A_578 = arith.constant 1 : i32
        %add3A_579 = arith.addi %mul3A_577, %add3A_578 : i32
        %get3A_580 = arith.index_cast %add3A_579 : i32 to index
        %get3A_581 = arith.constant 96 : index
        %get3A_582 = tpu.vector_load %arg14[%get3A_580, %get3A_581] {strides = array<i32>} : memref<80x128xf32, #tpu.memory_space<vmem>>, vector<1x16xf32>,
        %get3A_583 = vector.shape_cast %get3A_582 : vector<1x16xf32> to vector<16xf32>
        %mul3A_584 = arith.constant 2 : i32
        %mul3A_585 = arith.muli %mul3A_584, %scan3A_198 : i32
        %add3A_586 = arith.constant 1 : i32
        %add3A_587 = arith.addi %mul3A_585, %add3A_586 : i32
        %get3A_588 = arith.index_cast %add3A_587 : i32 to index
        %get3A_589 = arith.constant 96 : index
        %get3A_590 = tpu.vector_load %arg15[%get3A_588, %get3A_589] {strides = array<i32>} : memref<80x128xf32, #tpu.memory_space<vmem>>, vector<1x16xf32>,
        %get3A_591 = vector.shape_cast %get3A_590 : vector<1x16xf32> to vector<16xf32>
        %add3A_592 = arith.addf %get3A_583, %get3A_591 : vector<16xf32>
        %max3A_593 = arith.maximumf %add3A_592, %broadcast_in_dim3A_10 : vector<16xf32>
        %mul3A_594 = arith.constant 2 : i32
        %mul3A_595 = arith.muli %mul3A_594, %scan3A_198 : i32
        %add3A_596 = arith.constant 1 : i32
        %add3A_597 = arith.addi %mul3A_595, %add3A_596 : i32
        %swap3A_598 = arith.index_cast %add3A_597 : i32 to index
        %swap3A_599 = arith.constant 96 : index
        %swap3A_600 = tpu.vector_load %arg15[%swap3A_598, %swap3A_599] {strides = array<i32>} : memref<80x128xf32, #tpu.memory_space<vmem>>, vector<1x16xf32>,
        %swap3A_601 = vector.shape_cast %swap3A_600 : vector<1x16xf32> to vector<16xf32>
        %swap3A_602 = vector.shape_cast %max3A_593 : vector<16xf32> to vector<1x16xf32>
        tpu.vector_store %arg15[%swap3A_598, %swap3A_599], %swap3A_602 {strides = array<i32>} : memref<80x128xf32, #tpu.memory_space<vmem>>, vector<1x16xf32>,
        %mul3A_603 = arith.constant 2 : i32
        %mul3A_604 = arith.muli %mul3A_603, %scan3A_198 : i32
        %add3A_605 = arith.constant 1 : i32
        %add3A_606 = arith.addi %mul3A_604, %add3A_605 : i32
        %get3A_607 = arith.index_cast %add3A_606 : i32 to index
        %get3A_608 = arith.constant 112 : index
        %get3A_609 = tpu.vector_load %arg14[%get3A_607, %get3A_608] {strides = array<i32>} : memref<80x128xf32, #tpu.memory_space<vmem>>, vector<1x16xf32>,
        %get3A_610 = vector.shape_cast %get3A_609 : vector<1x16xf32> to vector<16xf32>
        %mul3A_611 = arith.constant 2 : i32
        %mul3A_612 = arith.muli %mul3A_611, %scan3A_198 : i32
        %add3A_613 = arith.constant 1 : i32
        %add3A_614 = arith.addi %mul3A_612, %add3A_613 : i32
        %get3A_615 = arith.index_cast %add3A_614 : i32 to index
        %get3A_616 = arith.constant 112 : index
        %get3A_617 = tpu.vector_load %arg15[%get3A_615, %get3A_616] {strides = array<i32>} : memref<80x128xf32, #tpu.memory_space<vmem>>, vector<1x16xf32>,
        %get3A_618 = vector.shape_cast %get3A_617 : vector<1x16xf32> to vector<16xf32>
        %add3A_619 = arith.addf %get3A_610, %get3A_618 : vector<16xf32>
        %max3A_620 = arith.maximumf %add3A_619, %broadcast_in_dim3A_10 : vector<16xf32>
        %mul3A_621 = arith.constant 2 : i32
        %mul3A_622 = arith.muli %mul3A_621, %scan3A_198 : i32
        %add3A_623 = arith.constant 1 : i32
        %add3A_624 = arith.addi %mul3A_622, %add3A_623 : i32
        %swap3A_625 = arith.index_cast %add3A_624 : i32 to index
        %swap3A_626 = arith.constant 112 : index
        %swap3A_627 = tpu.vector_load %arg15[%swap3A_625, %swap3A_626] {strides = array<i32>} : memref<80x128xf32, #tpu.memory_space<vmem>>, vector<1x16xf32>,
        %swap3A_628 = vector.shape_cast %swap3A_627 : vector<1x16xf32> to vector<16xf32>
        %swap3A_629 = vector.shape_cast %max3A_620 : vector<16xf32> to vector<1x16xf32>
        tpu.vector_store %arg15[%swap3A_625, %swap3A_626], %swap3A_629 {strides = array<i32>} : memref<80x128xf32, #tpu.memory_space<vmem>>, vector<1x16xf32>,
      }
      %scan3A_190 = arith.constant 40 : i32
      "tpu.region"() ({
        %run_scoped3A = tpu.sem_alloc : memref<!tpu.dma_semaphore, #tpu.memory_space<semaphore_mem>>
        %dma_start3A_198 = arith.constant 0 : i32
        %dma_start3A_199 = arith.constant 0 : i32
        %dma_start3A_200 = tpu.memref_slice %arg16[%dma_start3A_198, %dma_start3A_199] : memref<10000x128xf32, #tpu.memory_space<vmem_shared>> -> memref<10000x128xf32, #tpu.memory_space<vmem_shared>>
        tpu.enqueue_indirect_dma source(%arg15 : memref<80x128xf32, #tpu.memory_space<vmem>>) target(%dma_start3A_200 : memref<10000x128xf32, #tpu.memory_space<vmem_shared>>) offsets(%arg13 : memref<80xi32, #tpu.memory_space<vmem>>) semaphore(%run_scoped3A : memref<!tpu.dma_semaphore, #tpu.memory_space<semaphore_mem>>) {add = true}
        %dma_wait3A_201 = arith.constant 0 : i32
        %dma_wait3A_202 = arith.constant 0 : i32
        %dma_wait3A_203 = tpu.memref_slice %arg16[%dma_wait3A_201, %dma_wait3A_202] : memref<10000x128xf32, #tpu.memory_space<vmem_shared>> -> memref<10000x128xf32, #tpu.memory_space<vmem_shared>>
        tpu.wait_indirect_dma semaphore(%run_scoped3A : memref<!tpu.dma_semaphore, #tpu.memory_space<semaphore_mem>>) src(%arg15 : memref<80x128xf32, #tpu.memory_space<vmem>>) dst(%dma_wait3A_203 : memref<10000x128xf32, #tpu.memory_space<vmem_shared>>)
        tpu.yield
      }) : () -> ()
      %add3A_191 = arith.constant 1 : i32
      %add3A_192 = arith.addi %scan3A_94, %add3A_191 : i32
      %lt3A_193 = arith.constant 125 : i32
      %lt3A_194 = arith.cmpi slt, %add3A_192, %lt3A_193 : i32
      %convert_element_type3A_195 = arith.extui %lt3A_194 : i1 to i32
      %cond3A_196 = arith.constant 0 : i32
      %cond3A_197 = arith.cmpi ne, %convert_element_type3A_195, %cond3A_196 : i32
      scf.if %cond3A_197 {
        %add3A_198 = arith.constant 2 : i32
        %add3A_199 = arith.addi %add3A_98, %add3A_198 : i32
        %mul3A_200 = arith.constant 80 : i32
        %mul3A_201 = arith.muli %add3A_199, %mul3A_200 : i32
        %add3A_202 = arith.addi %mul3A_6, %mul3A_201 : i32
        %dma_start3A_203 = tpu.memref_slice %arg2[%add3A_202] : memref<320000xi32, #tpu.memory_space<hbm>> -> memref<80xi32, #tpu.memory_space<hbm>>
        %dma_start3A_204 = tpu.memref_slice %arg2[%add3A_202] : memref<320000xi32, #tpu.memory_space<hbm>> -> memref<80xi32, #tpu.memory_space<hbm>>
        tpu.enqueue_dma source(%dma_start3A_204 : memref<80xi32, #tpu.memory_space<hbm>>) target(%arg12 : memref<80xi32, #tpu.memory_space<vmem>>) target_semaphore(%arg20 : memref<!tpu.dma_semaphore, #tpu.memory_space<semaphore_mem>>)
        %dma_start3A_205 = tpu.memref_slice %arg3[%add3A_202] : memref<320000xi32, #tpu.memory_space<hbm>> -> memref<80xi32, #tpu.memory_space<hbm>>
        %dma_start3A_206 = tpu.memref_slice %arg3[%add3A_202] : memref<320000xi32, #tpu.memory_space<hbm>> -> memref<80xi32, #tpu.memory_space<hbm>>
        tpu.enqueue_dma source(%dma_start3A_206 : memref<80xi32, #tpu.memory_space<hbm>>) target(%arg13 : memref<80xi32, #tpu.memory_space<vmem>>) target_semaphore(%arg20 : memref<!tpu.dma_semaphore, #tpu.memory_space<semaphore_mem>>)
        %dma_start3A_207 = arith.constant 0 : i32
        %dma_start3A_208 = tpu.memref_slice %arg5[%arg0, %add3A_202, %dma_start3A_207] : memref<2x320000x128xf32, #tpu.memory_space<hbm>> -> memref<1x80x128xf32, #tpu.memory_space<hbm>>
        %dma_start3A_209 = tpu.memref_squeeze %dma_start3A_208 : memref<1x80x128xf32, #tpu.memory_space<hbm>> -> memref<80x128xf32, #tpu.memory_space<hbm>>
        %dma_start3A_210 = arith.constant 0 : i32
        %dma_start3A_211 = tpu.memref_slice %arg5[%arg0, %add3A_202, %dma_start3A_210] : memref<2x320000x128xf32, #tpu.memory_space<hbm>> -> memref<1x80x128xf32, #tpu.memory_space<hbm>>
        %dma_start3A_212 = tpu.memref_squeeze %dma_start3A_211 : memref<1x80x128xf32, #tpu.memory_space<hbm>> -> memref<80x128xf32, #tpu.memory_space<hbm>>
        tpu.enqueue_dma source(%dma_start3A_212 : memref<80x128xf32, #tpu.memory_space<hbm>>) target(%arg15 : memref<80x128xf32, #tpu.memory_space<vmem>>) target_semaphore(%arg21 : memref<!tpu.dma_semaphore, #tpu.memory_space<semaphore_mem>>)
      } else {
      }
    }
    %scan3A_83 = arith.constant 125 : i32
    %barrier3A_84 = arith.constant 0 : index
    tpu.barrier barrier_id(%barrier3A_84)
    %mul3A_85 = arith.constant 624 : i32
    %mul3A_86 = arith.muli %arg1, %mul3A_85 : i32
    %mul3A_87 = arith.constant 624 : i32
    %mul3A_88 = arith.muli %arg1, %mul3A_87 : i32
    "tpu.region"() ({
      %run_scoped3A = tpu.sem_alloc : memref<!tpu.dma_semaphore, #tpu.memory_space<semaphore_mem>>
      %dma_start3A_94 = arith.constant 0 : i32
      %dma_start3A_95 = tpu.memref_slice %arg7[%arg0, %mul3A_88, %dma_start3A_94] : memref<2x10000x128xf32, #tpu.memory_space<hbm>> -> memref<1x624x128xf32, #tpu.memory_space<hbm>>
      %dma_start3A_96 = tpu.memref_squeeze %dma_start3A_95 : memref<1x624x128xf32, #tpu.memory_space<hbm>> -> memref<624x128xf32, #tpu.memory_space<hbm>>
      %dma_start3A_97 = arith.constant 0 : i32
      %dma_start3A_98 = tpu.memref_slice %arg16[%mul3A_86, %dma_start3A_97] : memref<10000x128xf32, #tpu.memory_space<vmem_shared>> -> memref<624x128xf32, #tpu.memory_space<vmem_shared>>
      tpu.enqueue_dma source(%dma_start3A_98 : memref<624x128xf32, #tpu.memory_space<vmem_shared>>) target(%dma_start3A_96 : memref<624x128xf32, #tpu.memory_space<hbm>>) target_semaphore(%run_scoped3A : memref<!tpu.dma_semaphore, #tpu.memory_space<semaphore_mem>>)
      %dma_wait3A_99 = arith.constant 0 : i32
      %dma_wait3A_100 = tpu.memref_slice %arg7[%arg0, %mul3A_88, %dma_wait3A_99] : memref<2x10000x128xf32, #tpu.memory_space<hbm>> -> memref<1x624x128xf32, #tpu.memory_space<hbm>>
      %dma_wait3A_101 = tpu.memref_squeeze %dma_wait3A_100 : memref<1x624x128xf32, #tpu.memory_space<hbm>> -> memref<624x128xf32, #tpu.memory_space<hbm>>
      %dma_wait3A_102 = arith.constant 0 : i32
      %dma_wait3A_103 = tpu.memref_slice %arg16[%mul3A_86, %dma_wait3A_102] : memref<10000x128xf32, #tpu.memory_space<vmem_shared>> -> memref<624x128xf32, #tpu.memory_space<vmem_shared>>
      tpu.wait_dma2 semaphore(%run_scoped3A : memref<!tpu.dma_semaphore, #tpu.memory_space<semaphore_mem>>) src(%dma_wait3A_103 : memref<624x128xf32, #tpu.memory_space<vmem_shared>>) dst(%dma_wait3A_101 : memref<624x128xf32, #tpu.memory_space<hbm>>)
      tpu.yield
    }) : () -> ()
    %eq3A_89 = arith.constant 15 : i32
    %eq3A_90 = arith.cmpi eq, %arg1, %eq3A_89 : i32
    %convert_element_type3A_91 = arith.extui %eq3A_90 : i1 to i32
    %cond3A_92 = arith.constant 0 : i32
    %cond3A_93 = arith.cmpi ne, %convert_element_type3A_91, %cond3A_92 : i32
    scf.if %cond3A_93 {
      "tpu.region"() ({
        %run_scoped3A = tpu.sem_alloc : memref<!tpu.dma_semaphore, #tpu.memory_space<semaphore_mem>>
        %dma_start3A_94 = arith.constant 9984 : i32
        %dma_start3A_95 = arith.constant 0 : i32
        %dma_start3A_96 = tpu.memref_slice %arg7[%arg0, %dma_start3A_94, %dma_start3A_95] : memref<2x10000x128xf32, #tpu.memory_space<hbm>> -> memref<1x16x128xf32, #tpu.memory_space<hbm>>
        %dma_start3A_97 = tpu.memref_squeeze %dma_start3A_96 : memref<1x16x128xf32, #tpu.memory_space<hbm>> -> memref<16x128xf32, #tpu.memory_space<hbm>>
        %dma_start3A_98 = arith.constant 9984 : i32
        %dma_start3A_99 = arith.constant 0 : i32
        %dma_start3A_100 = tpu.memref_slice %arg16[%dma_start3A_98, %dma_start3A_99] : memref<10000x128xf32, #tpu.memory_space<vmem_shared>> -> memref<16x128xf32, #tpu.memory_space<vmem_shared>>
        tpu.enqueue_dma source(%dma_start3A_100 : memref<16x128xf32, #tpu.memory_space<vmem_shared>>) target(%dma_start3A_97 : memref<16x128xf32, #tpu.memory_space<hbm>>) target_semaphore(%run_scoped3A : memref<!tpu.dma_semaphore, #tpu.memory_space<semaphore_mem>>)
        %dma_wait3A_101 = arith.constant 9984 : i32
        %dma_wait3A_102 = arith.constant 0 : i32
        %dma_wait3A_103 = tpu.memref_slice %arg7[%arg0, %dma_wait3A_101, %dma_wait3A_102] : memref<2x10000x128xf32, #tpu.memory_space<hbm>> -> memref<1x16x128xf32, #tpu.memory_space<hbm>>
        %dma_wait3A_104 = tpu.memref_squeeze %dma_wait3A_103 : memref<1x16x128xf32, #tpu.memory_space<hbm>> -> memref<16x128xf32, #tpu.memory_space<hbm>>
        %dma_wait3A_105 = arith.constant 9984 : i32
        %dma_wait3A_106 = arith.constant 0 : i32
        %dma_wait3A_107 = tpu.memref_slice %arg16[%dma_wait3A_105, %dma_wait3A_106] : memref<10000x128xf32, #tpu.memory_space<vmem_shared>> -> memref<16x128xf32, #tpu.memory_space<vmem_shared>>
        tpu.wait_dma2 semaphore(%run_scoped3A : memref<!tpu.dma_semaphore, #tpu.memory_space<semaphore_mem>>) src(%dma_wait3A_107 : memref<16x128xf32, #tpu.memory_space<vmem_shared>>) dst(%dma_wait3A_104 : memref<16x128xf32, #tpu.memory_space<hbm>>)
        tpu.yield
      }) : () -> ()
    } else {
    }
    return
  }
}

module attributes {stable_mosaic.version = 14 : i64} {
  func.func @_ee_gram_body(%arg0: i32, %arg1: memref<4000x4xf32, #tpu.memory_space<vmem>>, %arg2: memref<16x16xf32, #tpu.memory_space<vmem>>) attributes {dimension_semantics = [#tpu.dimension_semantics<arbitrary>], iteration_bounds = array<i64: 80>, scalar_prefetch = 0 : i64, scratch_operands = 0 : i64, tpu.core_type = #tpu.core_type<tc>, window_params = [{transform_indices = @transform_0, window_bounds = array<i64: 4000, 4>}, {pipeline_mode = #tpu.pipeline_mode<synchronous>, transform_indices = @transform_1, window_bounds = array<i64: 16, 16>}]} {
    %eq3A = arith.constant 0 : i32
    %eq3A_0 = arith.cmpi eq, %arg0, %eq3A : i32
    %convert_element_type3A = arith.extui %eq3A_0 : i1 to i32
    %cond3A = arith.constant 0 : i32
    %cond3A_1 = arith.cmpi ne, %convert_element_type3A, %cond3A : i32
    scf.if %cond3A_1 {
      %broadcast_in_dim3A = arith.constant 0.000000e+00 : f32
      %broadcast_in_dim3A_14 = vector.broadcast %broadcast_in_dim3A : f32 to vector<16x16xf32>
      %swap3A_15 = arith.constant 0 : index
      %swap3A_16 = arith.constant 0 : index
      %swap3A_17 = vector.load %arg2[%swap3A_15, %swap3A_16] : memref<16x16xf32, #tpu.memory_space<vmem>>, vector<16x16xf32>
      tpu.vector_store %arg2[%swap3A_15, %swap3A_16], %broadcast_in_dim3A_14 {strides = array<i32>} : memref<16x16xf32, #tpu.memory_space<vmem>>, vector<16x16xf32>,
    } else {
    }
    %get3A = arith.constant 0 : index
    %get3A_2 = arith.constant 0 : index
    %get3A_3 = vector.load %arg1[%get3A, %get3A_2] : memref<4000x4xf32, #tpu.memory_space<vmem>>, vector<4000x4xf32>
    %get3A_4 = arith.constant 0 : index
    %get3A_5 = arith.constant 0 : index
    %get3A_6 = vector.load %arg2[%get3A_4, %get3A_5] : memref<16x16xf32, #tpu.memory_space<vmem>>, vector<16x16xf32>
    %dot_general3A = arith.constant dense<0.000000e+00> : vector<4x4xf32>
    %dot_general3A_7 = tpu.matmul %get3A_3, %get3A_3, %dot_general3A {dimension_numbers = #tpu.dot_dimension_numbers<[0], [0], [1], [1], [0, 1, 1, 1], [], []>, precision = #tpu.contract_precision<fp32>, transpose_lhs_hint = false} : vector<4000x4xf32>, vector<4000x4xf32>, vector<4x4xf32> -> vector<4x4xf32>
    %jit3A = arith.constant 0 : i32
    %convert_element_type3A_8 = arith.sitofp %jit3A : i32 to f32
    %pad3A = vector.broadcast %convert_element_type3A_8 : f32 to vector<12x4xf32>
    %pad3A_9 = tpu.concatenate %dot_general3A_7, %pad3A in 0 : vector<4x4xf32>, vector<12x4xf32> -> vector<16x4xf32>
    %pad3A_10 = vector.broadcast %convert_element_type3A_8 : f32 to vector<16x12xf32>
    %pad3A_11 = tpu.concatenate %pad3A_9, %pad3A_10 in 1 : vector<16x4xf32>, vector<16x12xf32> -> vector<16x16xf32>
    %add3A = arith.addf %get3A_6, %pad3A_11 : vector<16x16xf32>
    %swap3A = arith.constant 0 : index
    %swap3A_12 = arith.constant 0 : index
    %swap3A_13 = vector.load %arg2[%swap3A, %swap3A_12] : memref<16x16xf32, #tpu.memory_space<vmem>>, vector<16x16xf32>
    tpu.vector_store %arg2[%swap3A, %swap3A_12], %add3A {strides = array<i32>} : memref<16x16xf32, #tpu.memory_space<vmem>>, vector<16x16xf32>,
    return
  }
  func.func @transform_0(%arg0: i32) -> (i32, i32) {
    %c0_i32 = arith.constant 0 : i32
    %c0_i32_0 = arith.constant 0 : i32
    return %arg0, %c0_i32 : i32, i32
  }
  func.func @transform_1(%arg0: i32) -> (i32, i32) {
    %c0_i32 = arith.constant 0 : i32
    %c0_i32_0 = arith.constant 0 : i32
    %c0_i32_1 = arith.constant 0 : i32
    return %c0_i32, %c0_i32_0 : i32, i32
  }
}

module attributes {stable_mosaic.version = 14 : i64} {
  func.func @_stats_body(%arg0: i32, %arg1: memref<2000x128xf32, #tpu.memory_space<vmem>>, %arg2: memref<2000x128xf32, #tpu.memory_space<vmem>>, %arg3: memref<2000x128xf32, #tpu.memory_space<vmem>>, %arg4: memref<128x128xf32, #tpu.memory_space<vmem>>, %arg5: memref<16x128xf32, #tpu.memory_space<vmem>>, %arg6: memref<8x16xf32, #tpu.memory_space<vmem>>) attributes {dimension_semantics = [#tpu.dimension_semantics<arbitrary>], iteration_bounds = array<i64: 5>, scalar_prefetch = 0 : i64, scratch_operands = 0 : i64, tpu.core_type = #tpu.core_type<tc>, window_params = [{transform_indices = @transform_0, window_bounds = array<i64: 2000, 128>}, {transform_indices = @transform_1, window_bounds = array<i64: 2000, 128>}, {transform_indices = @transform_2, window_bounds = array<i64: 2000, 128>}, {pipeline_mode = #tpu.pipeline_mode<synchronous>, transform_indices = @transform_3, window_bounds = array<i64: 128, 128>}, {pipeline_mode = #tpu.pipeline_mode<synchronous>, transform_indices = @transform_4, window_bounds = array<i64: 16, 128>}, {pipeline_mode = #tpu.pipeline_mode<synchronous>, transform_indices = @transform_5, window_bounds = array<i64: 8, 16>}]} {
    %eq3A = arith.constant 0 : i32
    %eq3A_0 = arith.cmpi eq, %arg0, %eq3A : i32
    %convert_element_type3A = arith.extui %eq3A_0 : i1 to i32
    %cond3A = arith.constant 0 : i32
    %cond3A_1 = arith.cmpi ne, %convert_element_type3A, %cond3A : i32
    scf.if %cond3A_1 {
      %broadcast_in_dim3A_38 = arith.constant 0.000000e+00 : f32
      %broadcast_in_dim3A_39 = vector.broadcast %broadcast_in_dim3A_38 : f32 to vector<128x128xf32>
      %swap3A_40 = arith.constant 0 : index
      %swap3A_41 = arith.constant 0 : index
      %swap3A_42 = vector.load %arg4[%swap3A_40, %swap3A_41] : memref<128x128xf32, #tpu.memory_space<vmem>>, vector<128x128xf32>
      tpu.vector_store %arg4[%swap3A_40, %swap3A_41], %broadcast_in_dim3A_39 {strides = array<i32>} : memref<128x128xf32, #tpu.memory_space<vmem>>, vector<128x128xf32>,
      %broadcast_in_dim3A_43 = arith.constant 0.000000e+00 : f32
      %broadcast_in_dim3A_44 = vector.broadcast %broadcast_in_dim3A_43 : f32 to vector<16x128xf32>
      %swap3A_45 = arith.constant 0 : index
      %swap3A_46 = arith.constant 0 : index
      %swap3A_47 = vector.load %arg5[%swap3A_45, %swap3A_46] : memref<16x128xf32, #tpu.memory_space<vmem>>, vector<16x128xf32>
      tpu.vector_store %arg5[%swap3A_45, %swap3A_46], %broadcast_in_dim3A_44 {strides = array<i32>} : memref<16x128xf32, #tpu.memory_space<vmem>>, vector<16x128xf32>,
      %broadcast_in_dim3A_48 = arith.constant 0.000000e+00 : f32
      %broadcast_in_dim3A_49 = vector.broadcast %broadcast_in_dim3A_48 : f32 to vector<8x16xf32>
      %swap3A_50 = arith.constant 0 : index
      %swap3A_51 = arith.constant 0 : index
      %swap3A_52 = vector.load %arg6[%swap3A_50, %swap3A_51] : memref<8x16xf32, #tpu.memory_space<vmem>>, vector<8x16xf32>
      tpu.vector_store %arg6[%swap3A_50, %swap3A_51], %broadcast_in_dim3A_49 {strides = array<i32>} : memref<8x16xf32, #tpu.memory_space<vmem>>, vector<8x16xf32>,
    } else {
    }
    %get3A = arith.constant 0 : index
    %get3A_2 = arith.constant 0 : index
    %get3A_3 = vector.load %arg1[%get3A, %get3A_2] : memref<2000x128xf32, #tpu.memory_space<vmem>>, vector<2000x128xf32>
    %get3A_4 = arith.constant 0 : index
    %get3A_5 = arith.constant 0 : index
    %get3A_6 = vector.load %arg2[%get3A_4, %get3A_5] : memref<2000x128xf32, #tpu.memory_space<vmem>>, vector<2000x128xf32>
    %get3A_7 = arith.constant 0 : index
    %get3A_8 = arith.constant 0 : index
    %get3A_9 = vector.load %arg3[%get3A_7, %get3A_8] : memref<2000x128xf32, #tpu.memory_space<vmem>>, vector<2000x128xf32>
    %add3A = arith.addf %get3A_6, %get3A_9 : vector<2000x128xf32>
    %slice3A = vector.extract_strided_slice %add3A {offsets = [0, 0], sizes = [2000, 16], strides = [1, 1]} : vector<2000x128xf32> to vector<2000x16xf32>
    %slice3A_10 = vector.extract_strided_slice %add3A {offsets = [0, 4], sizes = [2000, 1], strides = [1, 1]} : vector<2000x128xf32> to vector<2000x1xf32>
    %get3A_11 = arith.constant 0 : index
    %get3A_12 = arith.constant 0 : index
    %get3A_13 = vector.load %arg4[%get3A_11, %get3A_12] : memref<128x128xf32, #tpu.memory_space<vmem>>, vector<128x128xf32>
    %mul3A = vector.broadcast %slice3A_10 : vector<2000x1xf32> to vector<2000x128xf32>
    %mul3A_14 = arith.mulf %get3A_3, %mul3A : vector<2000x128xf32>
    %dot_general3A = arith.constant dense<0.000000e+00> : vector<128x128xf32>
    %dot_general3A_15 = tpu.matmul %get3A_3, %mul3A_14, %dot_general3A {dimension_numbers = #tpu.dot_dimension_numbers<[0], [0], [1], [1], [0, 1, 1, 1], [], []>, precision = #tpu.contract_precision<fp32>, transpose_lhs_hint = false} : vector<2000x128xf32>, vector<2000x128xf32>, vector<128x128xf32> -> vector<128x128xf32>
    %add3A_16 = arith.addf %get3A_13, %dot_general3A_15 : vector<128x128xf32>
    %swap3A = arith.constant 0 : index
    %swap3A_17 = arith.constant 0 : index
    %swap3A_18 = vector.load %arg4[%swap3A, %swap3A_17] : memref<128x128xf32, #tpu.memory_space<vmem>>, vector<128x128xf32>
    tpu.vector_store %arg4[%swap3A, %swap3A_17], %add3A_16 {strides = array<i32>} : memref<128x128xf32, #tpu.memory_space<vmem>>, vector<128x128xf32>,
    %get3A_19 = arith.constant 0 : index
    %get3A_20 = arith.constant 0 : index
    %get3A_21 = vector.load %arg5[%get3A_19, %get3A_20] : memref<16x128xf32, #tpu.memory_space<vmem>>, vector<16x128xf32>
    %dot_general3A_22 = arith.constant dense<0.000000e+00> : vector<16x128xf32>
    %dot_general3A_23 = tpu.matmul %slice3A, %get3A_3, %dot_general3A_22 {dimension_numbers = #tpu.dot_dimension_numbers<[0], [0], [1], [1], [0, 1, 1, 1], [], []>, precision = #tpu.contract_precision<fp32>, transpose_lhs_hint = false} : vector<2000x16xf32>, vector<2000x128xf32>, vector<16x128xf32> -> vector<16x128xf32>
    %add3A_24 = arith.addf %get3A_21, %dot_general3A_23 : vector<16x128xf32>
    %swap3A_25 = arith.constant 0 : index
    %swap3A_26 = arith.constant 0 : index
    %swap3A_27 = vector.load %arg5[%swap3A_25, %swap3A_26] : memref<16x128xf32, #tpu.memory_space<vmem>>, vector<16x128xf32>
    tpu.vector_store %arg5[%swap3A_25, %swap3A_26], %add3A_24 {strides = array<i32>} : memref<16x128xf32, #tpu.memory_space<vmem>>, vector<16x128xf32>,
    %get3A_28 = arith.constant 0 : index
    %get3A_29 = arith.constant 0 : index
    %get3A_30 = vector.load %arg6[%get3A_28, %get3A_29] : memref<8x16xf32, #tpu.memory_space<vmem>>, vector<8x16xf32>
    %reduce_sum3A = arith.constant dense<0.000000e+00> : vector<16xf32>
    %reduce_sum3A_31 = vector.multi_reduction <add>, %slice3A, %reduce_sum3A [0] : vector<2000x16xf32> to vector<16xf32>
    %broadcast_in_dim3A = vector.shape_cast %reduce_sum3A_31 : vector<16xf32> to vector<1x16xf32>
    %jit3A = arith.constant 0 : i32
    %convert_element_type3A_32 = arith.sitofp %jit3A : i32 to f32
    %pad3A = vector.broadcast %convert_element_type3A_32 : f32 to vector<7x16xf32>
    %pad3A_33 = tpu.concatenate %broadcast_in_dim3A, %pad3A in 0 : vector<1x16xf32>, vector<7x16xf32> -> vector<8x16xf32>
    %add3A_34 = arith.addf %get3A_30, %pad3A_33 : vector<8x16xf32>
    %swap3A_35 = arith.constant 0 : index
    %swap3A_36 = arith.constant 0 : index
    %swap3A_37 = vector.load %arg6[%swap3A_35, %swap3A_36] : memref<8x16xf32, #tpu.memory_space<vmem>>, vector<8x16xf32>
    tpu.vector_store %arg6[%swap3A_35, %swap3A_36], %add3A_34 {strides = array<i32>} : memref<8x16xf32, #tpu.memory_space<vmem>>, vector<8x16xf32>,
    return
  }
  func.func @transform_0(%arg0: i32) -> (i32, i32) {
    %c0_i32 = arith.constant 0 : i32
    %c0_i32_0 = arith.constant 0 : i32
    return %arg0, %c0_i32 : i32, i32
  }
  func.func @transform_1(%arg0: i32) -> (i32, i32) {
    %c0_i32 = arith.constant 0 : i32
    %c0_i32_0 = arith.constant 0 : i32
    return %arg0, %c0_i32 : i32, i32
  }
  func.func @transform_2(%arg0: i32) -> (i32, i32) {
    %c0_i32 = arith.constant 0 : i32
    %c0_i32_0 = arith.constant 0 : i32
    return %arg0, %c0_i32 : i32, i32
  }
  func.func @transform_3(%arg0: i32) -> (i32, i32) {
    %c0_i32 = arith.constant 0 : i32
    %c0_i32_0 = arith.constant 0 : i32
    %c0_i32_1 = arith.constant 0 : i32
    return %c0_i32, %c0_i32_0 : i32, i32
  }
  func.func @transform_4(%arg0: i32) -> (i32, i32) {
    %c0_i32 = arith.constant 0 : i32
    %c0_i32_0 = arith.constant 0 : i32
    %c0_i32_1 = arith.constant 0 : i32
    return %c0_i32, %c0_i32_0 : i32, i32
  }
  func.func @transform_5(%arg0: i32) -> (i32, i32) {
    %c0_i32 = arith.constant 0 : i32
    %c0_i32_0 = arith.constant 0 : i32
    %c0_i32_1 = arith.constant 0 : i32
    return %c0_i32, %c0_i32_0 : i32, i32
  }
}

module attributes {stable_mosaic.version = 14 : i64} {
  func.func @_fold_body(%arg0: memref<128x128xf32, #tpu.memory_space<vmem>>, %arg1: memref<16x128xf32, #tpu.memory_space<vmem>>, %arg2: memref<8x16xf32, #tpu.memory_space<vmem>>, %arg3: memref<16x16xf32, #tpu.memory_space<vmem>>, %arg4: memref<132x132xf32, #tpu.memory_space<vmem>>, %arg5: memref<1x132xf32, #tpu.memory_space<vmem>>, %arg6: memref<1x132xf32, #tpu.memory_space<vmem>>, %arg7: memref<1x132xf32, #tpu.memory_space<vmem>>, %arg8: memref<2x128x128xf32, #tpu.memory_space<vmem>>, %arg9: memref<2x8x128xf32, #tpu.memory_space<vmem>>) attributes {dimension_semantics = [], scalar_prefetch = 0 : i64, scratch_operands = 0 : i64, tpu.core_type = #tpu.core_type<tc>} {
    %get3A = arith.constant 0 : index
    %get3A_0 = arith.constant 0 : index
    %get3A_1 = vector.load %arg4[%get3A, %get3A_0] : memref<132x132xf32, #tpu.memory_space<vmem>>, vector<132x132xf32>
    %slice3A = vector.extract_strided_slice %get3A_1 {offsets = [0, 0], sizes = [128, 132], strides = [1, 1]} : vector<132x132xf32> to vector<128x132xf32>
    %slice3A_2 = vector.extract_strided_slice %get3A_1 {offsets = [128, 0], sizes = [4, 132], strides = [1, 1]} : vector<132x132xf32> to vector<4x132xf32>
    %get3A_3 = arith.constant 0 : index
    %get3A_4 = arith.constant 0 : index
    %get3A_5 = vector.load %arg0[%get3A_3, %get3A_4] : memref<128x128xf32, #tpu.memory_space<vmem>>, vector<128x128xf32>
    %get3A_6 = arith.constant 0 : index
    %get3A_7 = arith.constant 0 : index
    %get3A_8 = vector.load %arg1[%get3A_6, %get3A_7] : memref<16x128xf32, #tpu.memory_space<vmem>>, vector<16x128xf32>
    %slice3A_9 = vector.extract_strided_slice %get3A_8 {offsets = [0, 0], sizes = [4, 128], strides = [1, 1]} : vector<16x128xf32> to vector<4x128xf32>
    %slice3A_10 = vector.extract_strided_slice %get3A_8 {offsets = [4, 0], sizes = [1, 128], strides = [1, 1]} : vector<16x128xf32> to vector<1x128xf32>
    %get3A_11 = arith.constant 0 : index
    %get3A_12 = arith.constant 0 : index
    %get3A_13 = vector.load %arg2[%get3A_11, %get3A_12] : memref<8x16xf32, #tpu.memory_space<vmem>>, vector<1x4xf32>
    %get3A_14 = arith.constant 0 : index
    %get3A_15 = arith.constant 0 : index
    %get3A_16 = vector.load %arg3[%get3A_14, %get3A_15] : memref<16x16xf32, #tpu.memory_space<vmem>>, vector<4x4xf32>
    %concatenate3A = tpu.concatenate %slice3A_10, %get3A_13 in 1 : vector<1x128xf32>, vector<1x4xf32> -> vector<1x132xf32>
    %mul3A = arith.constant 3.125000e-06 : f32
    %mul3A_17 = vector.broadcast %mul3A : f32 to vector<1x132xf32>
    %mul3A_18 = arith.mulf %concatenate3A, %mul3A_17 : vector<1x132xf32>
    %dot_general3A = arith.constant dense<0.000000e+00> : vector<128x132xf32>
    %dot_general3A_19 = tpu.matmul %get3A_5, %slice3A, %dot_general3A {dimension_numbers = #tpu.dot_dimension_numbers<[1], [0], [0], [1], [0, 0, 1, 1], [], []>, precision = #tpu.contract_precision<fp32>, transpose_lhs_hint = false} : vector<128x128xf32>, vector<128x132xf32>, vector<128x132xf32> -> vector<128x132xf32>
    %mul3A_20 = arith.mulf %slice3A, %dot_general3A_19 : vector<128x132xf32>
    %reduce_sum3A = arith.constant dense<0.000000e+00> : vector<132xf32>
    %reduce_sum3A_21 = vector.multi_reduction <add>, %mul3A_20, %reduce_sum3A [0] : vector<128x132xf32> to vector<132xf32>
    %broadcast_in_dim3A = vector.shape_cast %reduce_sum3A_21 : vector<132xf32> to vector<1x132xf32>
    %dot_general3A_22 = arith.constant dense<0.000000e+00> : vector<4x132xf32>
    %dot_general3A_23 = tpu.matmul %slice3A_9, %slice3A, %dot_general3A_22 {dimension_numbers = #tpu.dot_dimension_numbers<[1], [0], [0], [1], [0, 0, 1, 1], [], []>, precision = #tpu.contract_precision<fp32>, transpose_lhs_hint = false} : vector<4x128xf32>, vector<128x132xf32>, vector<4x132xf32> -> vector<4x132xf32>
    %mul3A_24 = arith.mulf %slice3A_2, %dot_general3A_23 : vector<4x132xf32>
    %reduce_sum3A_25 = arith.constant dense<0.000000e+00> : vector<132xf32>
    %reduce_sum3A_26 = vector.multi_reduction <add>, %mul3A_24, %reduce_sum3A_25 [0] : vector<4x132xf32> to vector<132xf32>
    %broadcast_in_dim3A_27 = vector.shape_cast %reduce_sum3A_26 : vector<132xf32> to vector<1x132xf32>
    %mul3A_28 = arith.constant 2.000000e+00 : f32
    %mul3A_29 = vector.broadcast %mul3A_28 : f32 to vector<1x132xf32>
    %mul3A_30 = arith.mulf %mul3A_29, %broadcast_in_dim3A_27 : vector<1x132xf32>
    %dot_general3A_31 = arith.constant dense<0.000000e+00> : vector<4x132xf32>
    %dot_general3A_32 = tpu.matmul %get3A_16, %slice3A_2, %dot_general3A_31 {dimension_numbers = #tpu.dot_dimension_numbers<[1], [0], [0], [1], [0, 0, 1, 1], [], []>, precision = #tpu.contract_precision<fp32>, transpose_lhs_hint = false} : vector<4x4xf32>, vector<4x132xf32>, vector<4x132xf32> -> vector<4x132xf32>
    %mul3A_33 = arith.mulf %slice3A_2, %dot_general3A_32 : vector<4x132xf32>
    %reduce_sum3A_34 = arith.constant dense<0.000000e+00> : vector<132xf32>
    %reduce_sum3A_35 = vector.multi_reduction <add>, %mul3A_33, %reduce_sum3A_34 [0] : vector<4x132xf32> to vector<132xf32>
    %broadcast_in_dim3A_36 = vector.shape_cast %reduce_sum3A_35 : vector<132xf32> to vector<1x132xf32>
    %dot_general3A_37 = arith.constant dense<0.000000e+00> : vector<1x132xf32>
    %dot_general3A_38 = tpu.matmul %mul3A_18, %get3A_1, %dot_general3A_37 {dimension_numbers = #tpu.dot_dimension_numbers<[1], [0], [0], [1], [0, 0, 1, 1], [], []>, precision = #tpu.contract_precision<fp32>, transpose_lhs_hint = false} : vector<1x132xf32>, vector<132x132xf32>, vector<1x132xf32> -> vector<1x132xf32>
    %add3A = arith.addf %broadcast_in_dim3A, %mul3A_30 : vector<1x132xf32>
    %add3A_39 = arith.addf %add3A, %broadcast_in_dim3A_36 : vector<1x132xf32>
    %mul3A_40 = arith.constant 3.125000e-06 : f32
    %mul3A_41 = vector.broadcast %mul3A_40 : f32 to vector<1x132xf32>
    %mul3A_42 = arith.mulf %add3A_39, %mul3A_41 : vector<1x132xf32>
    %mul3A_43 = arith.mulf %dot_general3A_38, %dot_general3A_38 : vector<1x132xf32>
    %sub3A = arith.subf %mul3A_42, %mul3A_43 : vector<1x132xf32>
    %get3A_44 = arith.constant 0 : index
    %get3A_45 = arith.constant 0 : index
    %get3A_46 = vector.load %arg5[%get3A_44, %get3A_45] : memref<1x132xf32, #tpu.memory_space<vmem>>, vector<1x132xf32>
    %add3A_47 = arith.addf %dot_general3A_38, %get3A_46 : vector<1x132xf32>
    %get3A_48 = arith.constant 0 : index
    %get3A_49 = arith.constant 0 : index
    %get3A_50 = vector.load %arg6[%get3A_48, %get3A_49] : memref<1x132xf32, #tpu.memory_space<vmem>>, vector<1x132xf32>
    %add3A_51 = arith.constant 9.99999974E-6 : f32
    %add3A_52 = vector.broadcast %add3A_51 : f32 to vector<1x132xf32>
    %add3A_53 = arith.addf %sub3A, %add3A_52 : vector<1x132xf32>
    %rsqrt3A = math.rsqrt %add3A_53 : vector<1x132xf32>
    %mul3A_54 = arith.mulf %get3A_50, %rsqrt3A : vector<1x132xf32>
    %mul3A_55 = vector.broadcast %mul3A_54 : vector<1x132xf32> to vector<132x132xf32>
    %mul3A_56 = arith.mulf %get3A_1, %mul3A_55 : vector<132x132xf32>
    %get3A_57 = arith.constant 0 : index
    %get3A_58 = arith.constant 0 : index
    %get3A_59 = vector.load %arg5[%get3A_57, %get3A_58] : memref<1x132xf32, #tpu.memory_space<vmem>>, vector<1x132xf32>
    %sub3A_60 = arith.subf %get3A_59, %add3A_47 : vector<1x132xf32>
    %mul3A_61 = arith.mulf %sub3A_60, %mul3A_54 : vector<1x132xf32>
    %get3A_62 = arith.constant 0 : index
    %get3A_63 = arith.constant 0 : index
    %get3A_64 = vector.load %arg7[%get3A_62, %get3A_63] : memref<1x132xf32, #tpu.memory_space<vmem>>, vector<1x132xf32>
    %add3A_65 = arith.addf %mul3A_61, %get3A_64 : vector<1x132xf32>
    %slice3A_66 = vector.extract_strided_slice %mul3A_56 {offsets = [0, 0], sizes = [128, 128], strides = [1, 1]} : vector<132x132xf32> to vector<128x128xf32>
    %slice3A_67 = vector.extract_strided_slice %mul3A_56 {offsets = [0, 4], sizes = [128, 128], strides = [1, 1]} : vector<132x132xf32> to vector<128x128xf32>
    %concatenate3A_68 = tpu.concatenate %slice3A_66, %slice3A_67 in 0 : vector<128x128xf32>, vector<128x128xf32> -> vector<256x128xf32>
    %reshape3A = vector.shape_cast %concatenate3A_68 : vector<256x128xf32> to vector<2x128x128xf32>
    %swap3A = arith.constant 0 : index
    %swap3A_69 = arith.constant 0 : index
    %swap3A_70 = arith.constant 0 : index
    %swap3A_71 = vector.load %arg8[%swap3A, %swap3A_69, %swap3A_70] : memref<2x128x128xf32, #tpu.memory_space<vmem>>, vector<2x128x128xf32>
    tpu.vector_store %arg8[%swap3A, %swap3A_69, %swap3A_70], %reshape3A {strides = array<i32>} : memref<2x128x128xf32, #tpu.memory_space<vmem>>, vector<2x128x128xf32>,
    %slice3A_72 = vector.extract_strided_slice %mul3A_56 {offsets = [128, 0], sizes = [4, 128], strides = [1, 1]} : vector<132x132xf32> to vector<4x128xf32>
    %slice3A_73 = vector.extract_strided_slice %add3A_65 {offsets = [0, 0], sizes = [1, 128], strides = [1, 1]} : vector<1x132xf32> to vector<1x128xf32>
    %broadcast_in_dim3A_74 = arith.constant 0.000000e+00 : f32
    %broadcast_in_dim3A_75 = vector.broadcast %broadcast_in_dim3A_74 : f32 to vector<3x128xf32>
    %concatenate3A_76 = tpu.concatenate %slice3A_72, %slice3A_73, %broadcast_in_dim3A_75 in 0 : vector<4x128xf32>, vector<1x128xf32>, vector<3x128xf32> -> vector<8x128xf32>
    %slice3A_77 = vector.extract_strided_slice %mul3A_56 {offsets = [128, 4], sizes = [4, 128], strides = [1, 1]} : vector<132x132xf32> to vector<4x128xf32>
    %slice3A_78 = vector.extract_strided_slice %add3A_65 {offsets = [0, 4], sizes = [1, 128], strides = [1, 1]} : vector<1x132xf32> to vector<1x128xf32>
    %broadcast_in_dim3A_79 = arith.constant 0.000000e+00 : f32
    %broadcast_in_dim3A_80 = vector.broadcast %broadcast_in_dim3A_79 : f32 to vector<3x128xf32>
    %concatenate3A_81 = tpu.concatenate %slice3A_77, %slice3A_78, %broadcast_in_dim3A_80 in 0 : vector<4x128xf32>, vector<1x128xf32>, vector<3x128xf32> -> vector<8x128xf32>
    %concatenate3A_82 = tpu.concatenate %concatenate3A_76, %concatenate3A_81 in 0 : vector<8x128xf32>, vector<8x128xf32> -> vector<16x128xf32>
    %reshape3A_83 = vector.shape_cast %concatenate3A_82 : vector<16x128xf32> to vector<2x8x128xf32>
    %swap3A_84 = arith.constant 0 : index
    %swap3A_85 = arith.constant 0 : index
    %swap3A_86 = arith.constant 0 : index
    %swap3A_87 = vector.load %arg9[%swap3A_84, %swap3A_85, %swap3A_86] : memref<2x8x128xf32, #tpu.memory_space<vmem>>, vector<2x8x128xf32>
    tpu.vector_store %arg9[%swap3A_84, %swap3A_85, %swap3A_86], %reshape3A_83 {strides = array<i32>} : memref<2x8x128xf32, #tpu.memory_space<vmem>>, vector<2x8x128xf32>,
    return
  }
}

module attributes {stable_mosaic.version = 14 : i64} {
  func.func @_ew_body(%arg0: i32, %arg1: i32, %arg2: memref<4000x4xf32, #tpu.memory_space<vmem>>, %arg3: memref<1x8x128xf32, #tpu.memory_space<vmem>>, %arg4: memref<1x4000x128xf32, #tpu.memory_space<vmem>>) attributes {dimension_semantics = [#tpu.dimension_semantics<arbitrary>, #tpu.dimension_semantics<arbitrary>], iteration_bounds = array<i64: 2, 80>, scalar_prefetch = 0 : i64, scratch_operands = 0 : i64, tpu.core_type = #tpu.core_type<tc>, window_params = [{transform_indices = @transform_0, window_bounds = array<i64: 4000, 4>}, {transform_indices = @transform_1, window_bounds = array<i64: 1, 8, 128>}, {transform_indices = @transform_2, window_bounds = array<i64: 1, 4000, 128>}]} {
    %get3A = arith.constant 0 : index
    %get3A_0 = arith.constant 0 : index
    %get3A_1 = arith.constant 0 : index
    %get3A_2 = vector.load %arg3[%get3A, %get3A_0, %get3A_1] : memref<1x8x128xf32, #tpu.memory_space<vmem>>, vector<1x8x128xf32>
    %get3A_3 = vector.shape_cast %get3A_2 : vector<1x8x128xf32> to vector<8x128xf32>
    %get3A_4 = arith.constant 0 : index
    %get3A_5 = arith.constant 0 : index
    %get3A_6 = vector.load %arg2[%get3A_4, %get3A_5] : memref<4000x4xf32, #tpu.memory_space<vmem>>, vector<4000x4xf32>
    %slice3A = vector.extract_strided_slice %get3A_3 {offsets = [0, 0], sizes = [4, 128], strides = [1, 1]} : vector<8x128xf32> to vector<4x128xf32>
    %dot_general3A = arith.constant dense<0.000000e+00> : vector<4000x128xf32>
    %dot_general3A_7 = tpu.matmul %get3A_6, %slice3A, %dot_general3A {dimension_numbers = #tpu.dot_dimension_numbers<[1], [0], [0], [1], [0, 0, 1, 1], [], []>, precision = #tpu.contract_precision<fp32>, transpose_lhs_hint = false} : vector<4000x4xf32>, vector<4x128xf32>, vector<4000x128xf32> -> vector<4000x128xf32>
    %slice3A_8 = vector.extract_strided_slice %get3A_3 {offsets = [4, 0], sizes = [1, 128], strides = [1, 1]} : vector<8x128xf32> to vector<1x128xf32>
    %add3A = vector.broadcast %slice3A_8 : vector<1x128xf32> to vector<4000x128xf32>
    %add3A_9 = arith.addf %dot_general3A_7, %add3A : vector<4000x128xf32>
    %broadcast_in_dim3A = vector.shape_cast %add3A_9 : vector<4000x128xf32> to vector<1x4000x128xf32>
    %swap3A = arith.constant 0 : index
    %swap3A_10 = arith.constant 0 : index
    %swap3A_11 = arith.constant 0 : index
    %swap3A_12 = vector.load %arg4[%swap3A, %swap3A_10, %swap3A_11] : memref<1x4000x128xf32, #tpu.memory_space<vmem>>, vector<1x4000x128xf32>
    tpu.vector_store %arg4[%swap3A, %swap3A_10, %swap3A_11], %broadcast_in_dim3A {strides = array<i32>} : memref<1x4000x128xf32, #tpu.memory_space<vmem>>, vector<1x4000x128xf32>,
    return
  }
  func.func @transform_0(%arg0: i32, %arg1: i32) -> (i32, i32) {
    %c0_i32 = arith.constant 0 : i32
    %c0_i32_0 = arith.constant 0 : i32
    return %arg1, %c0_i32 : i32, i32
  }
  func.func @transform_1(%arg0: i32, %arg1: i32) -> (i32, i32, i32) {
    %c0_i32 = arith.constant 0 : i32
    %c0_i32_0 = arith.constant 0 : i32
    %c0_i32_1 = arith.constant 0 : i32
    return %arg0, %c0_i32, %c0_i32_0 : i32, i32, i32
  }
  func.func @transform_2(%arg0: i32, %arg1: i32) -> (i32, i32, i32) {
    %c0_i32 = arith.constant 0 : i32
    %c0_i32_0 = arith.constant 0 : i32
    return %arg0, %arg1, %c0_i32 : i32, i32, i32
  }
}

module attributes {stable_mosaic.version = 14 : i64} {
  func.func @_xw_body(%arg0: i32, %arg1: i32, %arg2: memref<2000x128xf32, #tpu.memory_space<vmem>>, %arg3: memref<1x128x128xf32, #tpu.memory_space<vmem>>, %arg4: memref<1x2000x128xf32, #tpu.memory_space<vmem>>) attributes {dimension_semantics = [#tpu.dimension_semantics<arbitrary>, #tpu.dimension_semantics<arbitrary>], iteration_bounds = array<i64: 2, 5>, scalar_prefetch = 0 : i64, scratch_operands = 0 : i64, tpu.core_type = #tpu.core_type<tc>, window_params = [{transform_indices = @transform_0, window_bounds = array<i64: 2000, 128>}, {transform_indices = @transform_1, window_bounds = array<i64: 1, 128, 128>}, {transform_indices = @transform_2, window_bounds = array<i64: 1, 2000, 128>}]} {
    %get3A = arith.constant 0 : index
    %get3A_0 = arith.constant 0 : index
    %get3A_1 = vector.load %arg2[%get3A, %get3A_0] : memref<2000x128xf32, #tpu.memory_space<vmem>>, vector<2000x128xf32>
    %get3A_2 = arith.constant 0 : index
    %get3A_3 = arith.constant 0 : index
    %get3A_4 = arith.constant 0 : index
    %get3A_5 = vector.load %arg3[%get3A_2, %get3A_3, %get3A_4] : memref<1x128x128xf32, #tpu.memory_space<vmem>>, vector<1x128x128xf32>
    %get3A_6 = vector.shape_cast %get3A_5 : vector<1x128x128xf32> to vector<128x128xf32>
    %dot_general3A = arith.constant dense<0.000000e+00> : vector<2000x128xf32>
    %dot_general3A_7 = tpu.matmul %get3A_1, %get3A_6, %dot_general3A {dimension_numbers = #tpu.dot_dimension_numbers<[1], [0], [0], [1], [0, 0, 1, 1], [], []>, precision = #tpu.contract_precision<fp32>, transpose_lhs_hint = false} : vector<2000x128xf32>, vector<128x128xf32>, vector<2000x128xf32> -> vector<2000x128xf32>
    %broadcast_in_dim3A = vector.shape_cast %dot_general3A_7 : vector<2000x128xf32> to vector<1x2000x128xf32>
    %swap3A = arith.constant 0 : index
    %swap3A_8 = arith.constant 0 : index
    %swap3A_9 = arith.constant 0 : index
    %swap3A_10 = vector.load %arg4[%swap3A, %swap3A_8, %swap3A_9] : memref<1x2000x128xf32, #tpu.memory_space<vmem>>, vector<1x2000x128xf32>
    tpu.vector_store %arg4[%swap3A, %swap3A_8, %swap3A_9], %broadcast_in_dim3A {strides = array<i32>} : memref<1x2000x128xf32, #tpu.memory_space<vmem>>, vector<1x2000x128xf32>,
    return
  }
  func.func @transform_0(%arg0: i32, %arg1: i32) -> (i32, i32) {
    %c0_i32 = arith.constant 0 : i32
    %c0_i32_0 = arith.constant 0 : i32
    return %arg1, %c0_i32 : i32, i32
  }
  func.func @transform_1(%arg0: i32, %arg1: i32) -> (i32, i32, i32) {
    %c0_i32 = arith.constant 0 : i32
    %c0_i32_0 = arith.constant 0 : i32
    %c0_i32_1 = arith.constant 0 : i32
    return %arg0, %c0_i32, %c0_i32_0 : i32, i32, i32
  }
  func.func @transform_2(%arg0: i32, %arg1: i32) -> (i32, i32, i32) {
    %c0_i32 = arith.constant 0 : i32
    %c0_i32_0 = arith.constant 0 : i32
    return %arg0, %arg1, %c0_i32 : i32, i32, i32
  }
}

module attributes {stable_mosaic.version = 14 : i64} {
  func.func @_finish_body(%arg0: i32, %arg1: memref<2000x128xf32, #tpu.memory_space<vmem>>, %arg2: memref<2000x128xf32, #tpu.memory_space<vmem>>, %arg3: memref<2000x128xf32, #tpu.memory_space<vmem>>, %arg4: memref<2000x128xf32, #tpu.memory_space<vmem>>, %arg5: memref<2000x128xf32, #tpu.memory_space<vmem>>, %arg6: memref<136x128xf32, #tpu.memory_space<vmem>>, %arg7: memref<1x128xf32, #tpu.memory_space<vmem>>, %arg8: memref<2000x128xf32, #tpu.memory_space<vmem>>) attributes {dimension_semantics = [#tpu.dimension_semantics<arbitrary>], iteration_bounds = array<i64: 5>, scalar_prefetch = 0 : i64, scratch_operands = 0 : i64, tpu.core_type = #tpu.core_type<tc>, window_params = [{transform_indices = @transform_0, window_bounds = array<i64: 2000, 128>}, {transform_indices = @transform_1, window_bounds = array<i64: 2000, 128>}, {transform_indices = @transform_2, window_bounds = array<i64: 2000, 128>}, {transform_indices = @transform_3, window_bounds = array<i64: 2000, 128>}, {transform_indices = @transform_4, window_bounds = array<i64: 2000, 128>}, {pipeline_mode = #tpu.pipeline_mode<synchronous>, transform_indices = @transform_5, window_bounds = array<i64: 136, 128>}, {pipeline_mode = #tpu.pipeline_mode<synchronous>, transform_indices = @transform_6, window_bounds = array<i64: 1, 128>}, {transform_indices = @transform_7, window_bounds = array<i64: 2000, 128>}]} {
    %get3A = arith.constant 0 : index
    %get3A_0 = arith.constant 0 : index
    %get3A_1 = vector.load %arg1[%get3A, %get3A_0] : memref<2000x128xf32, #tpu.memory_space<vmem>>, vector<2000x128xf32>
    %get3A_2 = arith.constant 0 : index
    %get3A_3 = arith.constant 0 : index
    %get3A_4 = vector.load %arg2[%get3A_2, %get3A_3] : memref<2000x128xf32, #tpu.memory_space<vmem>>, vector<2000x128xf32>
    %slice3A = vector.extract_strided_slice %get3A_1 {offsets = [0, 0], sizes = [2000, 4], strides = [1, 1]} : vector<2000x128xf32> to vector<2000x4xf32>
    %broadcast_in_dim3A = arith.constant 0.000000e+00 : f32
    %broadcast_in_dim3A_5 = vector.broadcast %broadcast_in_dim3A : f32 to vector<2000x4xf32>
    %concatenate3A = tpu.concatenate %slice3A, %get3A_4, %broadcast_in_dim3A_5 in 1 : vector<2000x4xf32>, vector<2000x128xf32>, vector<2000x4xf32> -> vector<2000x136xf32>
    %get3A_6 = arith.constant 0 : index
    %get3A_7 = arith.constant 0 : index
    %get3A_8 = vector.load %arg3[%get3A_6, %get3A_7] : memref<2000x128xf32, #tpu.memory_space<vmem>>, vector<2000x128xf32>
    %get3A_9 = arith.constant 0 : index
    %get3A_10 = arith.constant 0 : index
    %get3A_11 = vector.load %arg4[%get3A_9, %get3A_10] : memref<2000x128xf32, #tpu.memory_space<vmem>>, vector<2000x128xf32>
    %add3A = arith.addf %get3A_8, %get3A_11 : vector<2000x128xf32>
    %slice3A_12 = vector.extract_strided_slice %add3A {offsets = [0, 5], sizes = [2000, 1], strides = [1, 1]} : vector<2000x128xf32> to vector<2000x1xf32>
    %get3A_13 = arith.constant 0 : index
    %get3A_14 = arith.constant 0 : index
    %get3A_15 = vector.load %arg6[%get3A_13, %get3A_14] : memref<136x128xf32, #tpu.memory_space<vmem>>, vector<136x128xf32>
    %dot_general3A = arith.constant dense<0.000000e+00> : vector<2000x128xf32>
    %dot_general3A_16 = tpu.matmul %concatenate3A, %get3A_15, %dot_general3A {dimension_numbers = #tpu.dot_dimension_numbers<[1], [0], [0], [1], [0, 0, 1, 1], [], []>, precision = #tpu.contract_precision<fp32>, transpose_lhs_hint = false} : vector<2000x136xf32>, vector<136x128xf32>, vector<2000x128xf32> -> vector<2000x128xf32>
    %get3A_17 = arith.constant 0 : index
    %get3A_18 = arith.constant 0 : index
    %get3A_19 = vector.load %arg7[%get3A_17, %get3A_18] : memref<1x128xf32, #tpu.memory_space<vmem>>, vector<1x128xf32>
    %mul3A = vector.broadcast %slice3A_12 : vector<2000x1xf32> to vector<2000x128xf32>
    %mul3A_20 = vector.broadcast %get3A_19 : vector<1x128xf32> to vector<2000x128xf32>
    %mul3A_21 = arith.mulf %mul3A, %mul3A_20 : vector<2000x128xf32>
    %add3A_22 = arith.addf %dot_general3A_16, %mul3A_21 : vector<2000x128xf32>
    %gt3A = arith.constant 5.000000e-01 : f32
    %gt3A_23 = vector.broadcast %gt3A : f32 to vector<2000x1xf32>
    %gt3A_24 = arith.cmpf ogt, %slice3A_12, %gt3A_23 : vector<2000x1xf32>
    %get3A_25 = arith.constant 0 : index
    %get3A_26 = arith.constant 0 : index
    %get3A_27 = vector.load %arg5[%get3A_25, %get3A_26] : memref<2000x128xf32, #tpu.memory_space<vmem>>, vector<2000x128xf32>
    %broadcast_in_dim3A_28 = vector.shape_cast %gt3A_24 : vector<2000x1xi1> to vector<2000x1xi1>
    %broadcast_in_dim3A_29 = vector.broadcast %broadcast_in_dim3A_28 : vector<2000x1xi1> to vector<2000x128xi1>
    %select_n3A = arith.select %broadcast_in_dim3A_29, %add3A_22, %get3A_27 : vector<2000x128xi1>, vector<2000x128xf32>
    %swap3A = arith.constant 0 : index
    %swap3A_30 = arith.constant 0 : index
    %swap3A_31 = vector.load %arg8[%swap3A, %swap3A_30] : memref<2000x128xf32, #tpu.memory_space<vmem>>, vector<2000x128xf32>
    tpu.vector_store %arg8[%swap3A, %swap3A_30], %select_n3A {strides = array<i32>} : memref<2000x128xf32, #tpu.memory_space<vmem>>, vector<2000x128xf32>,
    return
  }
  func.func @transform_0(%arg0: i32) -> (i32, i32) {
    %c0_i32 = arith.constant 0 : i32
    %c0_i32_0 = arith.constant 0 : i32
    return %arg0, %c0_i32 : i32, i32
  }
  func.func @transform_1(%arg0: i32) -> (i32, i32) {
    %c0_i32 = arith.constant 0 : i32
    %c0_i32_0 = arith.constant 0 : i32
    return %arg0, %c0_i32 : i32, i32
  }
  func.func @transform_2(%arg0: i32) -> (i32, i32) {
    %c0_i32 = arith.constant 0 : i32
    %c0_i32_0 = arith.constant 0 : i32
    return %arg0, %c0_i32 : i32, i32
  }
  func.func @transform_3(%arg0: i32) -> (i32, i32) {
    %c0_i32 = arith.constant 0 : i32
    %c0_i32_0 = arith.constant 0 : i32
    return %arg0, %c0_i32 : i32, i32
  }
  func.func @transform_4(%arg0: i32) -> (i32, i32) {
    %c0_i32 = arith.constant 0 : i32
    %c0_i32_0 = arith.constant 0 : i32
    return %arg0, %c0_i32 : i32, i32
  }
  func.func @transform_5(%arg0: i32) -> (i32, i32) {
    %c0_i32 = arith.constant 0 : i32
    %c0_i32_0 = arith.constant 0 : i32
    %c0_i32_1 = arith.constant 0 : i32
    return %c0_i32, %c0_i32_0 : i32, i32
  }
  func.func @transform_6(%arg0: i32) -> (i32, i32) {
    %c0_i32 = arith.constant 0 : i32
    %c0_i32_0 = arith.constant 0 : i32
    %c0_i32_1 = arith.constant 0 : i32
    return %c0_i32, %c0_i32_0 : i32, i32
  }
  func.func @transform_7(%arg0: i32) -> (i32, i32) {
    %c0_i32 = arith.constant 0 : i32
    %c0_i32_0 = arith.constant 0 : i32
    return %arg0, %c0_i32 : i32, i32
  }
}

</mosaic_0001>

<sc_bundles>
// kernel: kernel.10.cloned.1.call-start
scs
__scs_entry_jumppad:
0x0: {  	(pc) =	sbr.rel $0x88, $3  }
0x1: {  	(tag) =	ssettag $0x0;
	lr =	simm.s32 $0x1  }
0x2: {  	[smem:$0x3F98] =	sst lr;
	_ =	strace $0xD0000000  }
0x3: {  	_ = 	snop  }
0x4: {  	_ = 	snop  }
0x5: {  	_ = 	snop  }
0x6: {  	_ = 	snop  }
0x7: {  	_ = 	snop  }
__scs_overlays_trampoline_lowered:
0x8: {  	[smem:$0x3FA7] =	sst s0  }
0x9: {  	[smem:$0x3FA8] =	sst s1  }
0xa: {  	[smem:$0x3FA9] =	sst s2  }
0xb: {  	[smem:$0x3FAA] =	sst s3  }
0xc: {  	[smem:$0x3FAB] =	sst s4  }
0xd: {  	[smem:$0x3FAC] =	sst s5  }
0xe: {  	[smem:$0x3FAD] =	sst s6  }
0xf: {  	[smem:$0x3FAE] =	sst s7  }
0x10: {  	[smem:$0x3FAF] =	sst s8  }
0x11: {  	[smem:$0x3FB0] =	sst s9;
	s0 =	simm.s32 @!p0 $0x0  }
0x12: {  	s1 =	sld [smem:$0x3F96];
	s0 =	simm.s32 @p0 $0x1  }
0x13: {  	[smem:$0x3FB1] =	sst s0;
	s0 =	simm.s32 @!p1 $0x0  }
0x14: {  	s2 =	sld [smem:$0x3F95];
	s0 =	simm.s32 @p1 $0x1  }
0x15: {  	[smem:$0x3FB2] =	sst s0;
	s0 =	simm.s32 @!p2 $0x0  }
0x16: {  	s3 =	sld [smem:$0x3FDB];
	s0 =	simm.s32 @p2 $0x1  }
0x17: {  	s4 =	simm.s32 $0x1BF5;
	[smem:$0x3FB4] =	sst s0  }
0x18: {  	s0 =	sld [smem:$0x3F97];
	_ =	swait.ge [sflag:s4], $0x0  }
0x19: {  	s7 =	sld [smem:$0x3F98]  }
0x1a: {  	s8 =	sadd.s32 $0xFFFFE003, lr  }
0x1b: {  	s9 =	sadd.s32 $0xFFFFFEF7, lr;
	s5 =	simm.s32 $0xFFFFFFFF;
	p2 =	slt.u32 s8, $0xFFFFF086  }
0x1c: {  	p1 =	slt.u32 s9, $0xF7A;
	s5 =	simm.s32 @!p2 $0x0  }
0x1d: {  	s5 =	simm.s32 @p1 $0x1;
	p0 =	seq.s32 s7, s2  }
0x1e: {  	s7 =	smul.u32 @!p0 $0xF7A, s2;
	p2 =	seq.s32 @!p0 s5, $0x0  }
0x1f: {  	s9 =	smul.u32 $0xF7A, s1;
	s8 =	simm.s32 @!p0 $0x1BF5;
	p2 =	por !p2, p0  }
0x20: {  	[sflag:s8] =	ssyncset.s32 @!p0 $0xFFFFF086;
	s6 =	sadd.s32 @!p0 s3, s7;
	s7 =	simm.s32 @!p0 $0x108  }
0x21: {  	s3 =	sadd.s32 s3, s9;
	s6 =	sadd.s32 @!p0 $0x88, s6;
	s7 =	simm.s32 @p2 $0x1082  }
0x22: {  	[simem:s7], [sflag:s8] =	dma.local @!p0 [hbm:s6], $0xF7A  }
0x23: {  	s9 =	sor.u32 $0xD0000000, s2;
	s6 =	simm.s32 $0x108;
	_ =	swait.ge @!p0 [sflag:s8], $0x0  }
0x24: {  	s3 =	sadd.s32 $0x88, s3;
	s6 =	simm.s32 @!p1 $0x1082;
	[sflag:s4] =	ssyncset.s32 $0xFFFFF086  }
0x25: {  	[simem:s6], [sflag:s4] =	dma.local [hbm:s3], $0xF7A  }
0x26: {  	[smem:$0x3F98] =	sst s1;
	(tag) =	ssettag s2;
	_ =	strace s9  }
0x27: {  	s1 =	sld [smem:$0x3FA8]  }
0x28: {  	s2 =	sld [smem:$0x3FA9]  }
0x29: {  	s4 =	sld [smem:$0x3FAB]  }
0x2a: {  	p0 =	seq.s32 s5, $0x0;
	s5 =	sld [smem:$0x3FAC]  }
0x2b: {  	s6 =	sld [smem:$0x3FAD]  }
0x2c: {  	s7 =	sld [smem:$0x3FAE]  }
0x2d: {  	s3 =	simm.s32 $0x108;
	s8 =	sld [smem:$0x3FAF]  }
0x2e: {  	s3 =	simm.s32 @!p0 $0x1082;
	s9 =	sld [smem:$0x3FB0]  }
0x2f: {  	lr =	sadd.s32 s0, s3;
	s0 =	sld [smem:$0x3FA7]  }
0x30: {  	s3 =	sld [smem:$0x3FAA]  }
0x31: {  	[smem:$0x3FB3] =	sst s10  }
0x32: {  	s10 =	sld [smem:$0x3FB1];
	_ =	sdelay $0x3  }
0x33: {  	p0 =	seq.s32 s10, $0x1;
	s10 =	sld [smem:$0x3FB3];
	_ =	sdelay $0x3  }
0x34: {  	[smem:$0x3FB3] =	sst s10  }
0x35: {  	s10 =	sld [smem:$0x3FB2];
	_ =	sdelay $0x3  }
0x36: {  	p1 =	seq.s32 s10, $0x1;
	s10 =	sld [smem:$0x3FB3];
	_ =	sdelay $0x3  }
0x37: {  	[smem:$0x3FB3] =	sst s10  }
0x38: {  	s10 =	sld [smem:$0x3FB4]  }
0x39: {  	_ = 	snop;
	(pc) =	sbr.ind lr, $3  }
0x3a: {  	_ = 	snop  }
0x3b: {  	_ = 	snop  }
0x3c: {  	p2 =	seq.s32 s10, $0x1;
	s10 =	sld [smem:$0x3FB3]  }
0x3d: {  	_ =	shalt  }
0x3e: {  	_ =	shalt  }
0x3f: {  	_ =	shalt  }
0x40: {  	_ =	shalt  }
0x41: {  	_ =	shalt  }
0x42: {  	_ =	shalt  }
0x43: {  	_ =	shalt  }
0x44: {  	_ =	shalt  }
0x45: {  	_ =	shalt  }
0x46: {  	_ =	shalt  }
0x47: {  	_ =	shalt  }
0x48: {  	_ =	shalt  }
0x49: {  	_ =	shalt  }
0x4a: {  	_ =	shalt  }
0x4b: {  	_ =	shalt  }
0x4c: {  	_ =	shalt  }
0x4d: {  	_ =	shalt  }
0x4e: {  	_ =	shalt  }
0x4f: {  	_ =	shalt  }
0x50: {  	_ =	shalt  }
0x51: {  	_ =	shalt  }
0x52: {  	_ =	shalt  }
0x53: {  	_ =	shalt  }
0x54: {  	_ =	shalt  }
0x55: {  	_ =	shalt  }
0x56: {  	_ =	shalt  }
0x57: {  	_ =	shalt  }
0x58: {  	_ =	shalt  }
0x59: {  	_ =	shalt  }
0x5a: {  	_ =	shalt  }
0x5b: {  	_ =	shalt  }
0x5c: {  	_ =	shalt  }
0x5d: {  	_ =	shalt  }
0x5e: {  	_ =	shalt  }
0x5f: {  	_ =	shalt  }
0x60: {  	_ =	shalt  }
0x61: {  	_ =	shalt  }
0x62: {  	_ =	shalt  }
0x63: {  	_ =	shalt  }
0x64: {  	_ =	shalt  }
0x65: {  	_ =	shalt  }
0x66: {  	_ =	shalt  }
0x67: {  	_ =	shalt  }
0x68: {  	_ =	shalt  }
0x69: {  	_ =	shalt  }
0x6a: {  	_ =	shalt  }
0x6b: {  	_ =	shalt  }
0x6c: {  	_ =	shalt  }
0x6d: {  	_ =	shalt  }
0x6e: {  	_ =	shalt  }
0x6f: {  	_ =	shalt  }
0x70: {  	_ =	shalt  }
0x71: {  	_ =	shalt  }
0x72: {  	_ =	shalt  }
0x73: {  	_ =	shalt  }
0x74: {  	_ =	shalt  }
0x75: {  	_ =	shalt  }
0x76: {  	_ =	shalt  }
0x77: {  	_ =	shalt  }
0x78: {  	_ =	shalt  }
0x79: {  	_ =	shalt  }
0x7a: {  	_ =	shalt  }
0x7b: {  	_ =	shalt  }
0x7c: {  	_ =	shalt  }
0x7d: {  	_ =	shalt  }
0x7e: {  	_ =	shalt  }
0x7f: {  	_ =	shalt  }
0x80: {  	_ =	shalt  }
0x81: {  	_ =	shalt  }
0x82: {  	_ =	shalt  }
0x83: {  	_ =	shalt  }
0x84: {  	_ =	shalt  }
0x85: {  	_ =	shalt  }
0x86: {  	_ =	shalt  }
0x87: {  	_ =	shalt  }
.Lfunc_end0:
.L_simem_size_0:
called_computation_lowered:
.L_overlay_start_0:
0x88: {  	s2 =	sld [smem:$0x3FD9]  }
0x89: {  	s3 =	sld [smem:$0x3FFE];
	_ =	sdelay $0x1  }
0x8a: {  	s1 =	srdreg.scid  }
0x8b: {  	s0 =	sand.u32 $0x1, s1  }
0x8c: {  	s17 =	sshll.u32 s0, $0xA;
	s2 =	sadd.s32 s3, s2  }
0x8d: {  	s2 =	sadd.s32 s2, s17  }
0x8e: {  	[smem:$0x3FBF] =	sst s2  }
0x8f: {  	_ = 	snop  }
0x90: {  	s2 =	sld [smem:$0x3FD0];
	(tm) =	ssettm $0x1  }
0x91: {  	s18 =	sld [smem:$0x3FFB];
	_ =	sdelay $0x3  }
0x92: {  	_ =	strace s18  }
0x93: {  	s3 =	sld [smem:$0x3FFC];
	_ =	sdelay $0x3  }
0x94: {  	_ =	strace s3  }
0x95: {  	s3 =	sld [smem:$0x3FFD];
	_ =	sdelay $0x3  }
0x96: {  	_ =	strace s3  }
0x97: {  	_ =	strace $0x8FFFFFFF  }
0x98: {  	s19 =	sld [smem:$0x3FDB];
	_ =	sdelay $0x1  }
0x99: {  	s4 =	simm.s32 $_scs_section_size  }
0x9a: {  	s5 =	simm.s32 $_size__tile_overlayer_lowered;
	s6 =	simm.s32 $_tile_overlayer_lowered  }
0x9b: {  	s22 =	simm.s32 $0x1BFF;
	s21 =	sshll.u32 s6, $0x1;
	s3 =	sadd.s32 s4, s19  }
0x9c: {  	s7 =	simm.s32 $0x0;
	s20 =	sshll.u32 s5, $0x1;
	s5 =	sadd.s32 s21, s3  }
0x9d: {  	[timem:s7], [sflag:s22] =	dma.local [hbm:s5], s20  }
0x9e: {  	_ =	swait.ge [sflag:s22], s20  }
0x9f: {  	s4 =	ssub.s32 $0x0, s20;
	[sflag:s22] =	ssyncset.done $0x0  }
0xa0: {  	[sflag:s22] =	ssyncadd.s32 s4;
	_ =	sdelay $0x1  }
0xa1: {  	s23 =	simm.s32 $0x1B8B  }
0xa2: {  	_ =	swait.ge [sflag:s23], $0x1  }
0xa3: {  	[sflag:s23] =	ssyncset.done $0x0  }
0xa4: {  	s25 =	simm.s32 $0x1B8E;
	s24 =	sld [smem:$0x3FFE];
	[sflag:s23] =	ssyncadd.s32 $0xFFFFFFFF  }
0xa5: {  	s26 =	simm.s32 $execute0_lowered;
	[smem:$0x3FD2] =	sst s25  }
0xa6: {  	s5 =	sshll.u32 s26, $0x1;
	_ =	strace $0x80000046;
	[dreg:$0x1] =	wrdreg $0xFFFFFFFF  }
0xa7: {  	s28 =	simm.s32 $_size_execute0_lowered;
	s3 =	sadd.s32 s3, s5;
	[dreg:$0x0] =	wrdreg $0x0  }
0xa8: {  	s5 =	sshll.u32 s28, $0x1;
	[dreg:$0x2] =	wrdreg s3  }
0xa9: {  	[dreg:$0x3] =	wrdreg s5  }
0xaa: {  	[dreg:$0x4] =	wrdreg $0xC0  }
0xab: {  	_ =	task [dreg:s7], $0x5FFFF  }
0xac: {  	[dreg:$0x1] =	wrdreg $0xFFFFFFFF  }
0xad: {  	[dreg:$0x0] =	wrdreg $0x60  }
0xae: {  	[dreg:$0x2] =	wrdreg s24  }
0xaf: {  	[dreg:$0x3] =	wrdreg s2  }
0xb0: {  	[dreg:$0x4] =	wrdreg $0x55000  }
0xb1: {  	[dreg:$0x5] =	wrdreg $0x9  }
0xb2: {  	_ =	task.clear_ibuf [dreg:s7], $0x6FFFF;
	_ =	strace $0x90000046  }
0xb3: {  	s29 =	simm.s32 $0x9;
	_ =	strace $0x80000048  }
0xb4: {  	_ =	swait.ge [sflag:s29], $0x1  }
0xb5: {  	[sflag:s29] =	ssyncadd.s32 $0xFFFFFFFF  }
0xb6: {  	_ =	strace $0x90000048  }
0xb7: {  	_ =	sfence  }
0xb8: {  	s30 =	sld [smem:$0x0];
	_ =	sdelay $0x2  }
0xb9: {  	s31 =	sshll.u32 s1, $0xD;
	s1 =	sshrl.u32 s1, $0x2  }
0xba: {  	s3 =	sand.u32 $0x4000, s31;
	s1 =	sadd.s32 s1, s30  }
0xbb: {  	s0 =	sor.u32 s3, s0;
	s1 =	sshll.u32 s1, $0x11  }
0xbc: {  	s0 =	sor.u32 s1, s0  }
0xbd: {  	s0 =	sadd.s32 $0x8F2B, s0  }
0xbe: {  	[sflag:s0] =	ssyncadd.remote.s32 $0x1  }
0xbf: {  	_ =	sfence.sel $0xFFFF  }
0xc0: {  	[dreg:$0x0] =	wrdreg $0xFFFFFFFF;
	(pc) =	sbr.abs _section_cstart, $3  }
0xc1: {  	[dreg:$0x1] =	wrdreg $0xFFFFFFFF  }
0xc2: {  	_ =	task.clear_ibuf [dreg:s7], $0x2FFFF;
	_ =	strace $0x9FFFFFFF  }
0xc3: {  	(tm) =	ssettm $0x7FFFFFFF  }
tec
execute0_lowered:
.L_overlay_start_1:
0x0: {  	(tag) =	ssettag $0x1  }
0x1: {  	s0 =	rddreg [dreg:$0x0]  }
0x2: {  	s4 =	rddreg [dreg:$0x1]  }
0x3: {  	s1 =	rddreg [dreg:$0x2];
	s2 =	simm.s32 $0x0  }
0x4: {  	s7 =	srdreg.scid;
	s16 =	stileid.u32;
	s29 =	simm.s32 $0x2880  }
0x5: {  	s30 =	simm.s32 $0x28A8;
	s31 =	simm.s32 $0x2900;
	[smem:$0x7FF] =	sst s2  }
0x6: {  	s28 =	simm.s32 $0x80;
	s3 =	sadd.s32 $0x4EEE00, s0;
	s6 =	sadd.s32 $0x4F8C00, s0  }
0x7: {  	s5 =	sadd.s32 $0x4E5000, s0;
	s8 =	sadd.s32 $0x9DAC00, s0;
	s10 =	smul.u32 $0x4E000, s16  }
0x8: {  	s7 =	sand.u32 $0x1, s7;
	s12 =	smul.u32 $0x13800, s16;
	s0 =	sadd.s32 $0x9DAE00, s0  }
0x9: {  	s23 =	sadd.s32 $0x138000, s1;
	s17 =	smul.u32 $0x2710, s16;
	p0 =	sne.s32 s16, $0xF  }
0xa: {  	_ =	strace $0x80000047;
	[dreg:$0x4] =	wrdreg s8;
	s20 =	ssub.s32 $0x2, s7  }
0xb: {  	s9 =	sshll.u32 s7, $0x4;
	s14 =	smul.u32 $0x138800, s7;
	[dreg:$0x7] =	wrdreg s23  }
0xc: {  	s11 =	sshrl.u32 s20, $0x1;
	s9 =	sor.u32 s16, s9;
	s10 =	sshrl.u32 s10, $0x2  }
0xd: {  	s13 =	sshrl.u32 s12, $0x3;
	s8 =	ssub.s32 s20, s11;
	s10 =	sadd.s32 s10, s1  }
0xe: {  	s21 =	smul.u32 $0x2710, s9;
	s22 =	sadd.s32 s4, s13;
	[dreg:$0x5] =	wrdreg s10  }
0xf: {  	s12 =	sadd.s32 s12, s14;
	s4 =	sadd.s32 $0x27000, s4;
	[dreg:$0x6] =	wrdreg s22  }
0x10: {  	s9 =	smul.u32 $0x27100, s9;
	[dreg:$0x8] =	wrdreg s4;
	s26 =	sshrl.u32 s12, $0x3  }
0x11: {  	s12 =	sshrl.u32 s14, $0x3;
	s14 =	smul.u32 $0x27100, s7;
	s18 =	smax.u32 s8, $0x1  }
0x12: {  	s8 =	simm.s32 $0x0;
	s24 =	sshrl.u32 s21, $0x3;
	s9 =	sadd.s32 s6, s9  }
0x13: {  	s4 =	sadd.s32 s0, s26;
	s13 =	sadd.s32 $0x26E8, s21;
	s0 =	sadd.s32 s0, s12  }
0x14: {  	[dreg:$0xe] =	wrdreg s18;
	s21 =	smul.u32 $0x271000, s7;
	s7 =	simm.s32 $0x4  }
0x15: {  	s25 =	sadd.s32 s3, s24;
	s10 =	sadd.s32 s5, s24;
	[dreg:$0xb] =	wrdreg s9  }
0x16: {  	[dreg:$0xc] =	wrdreg s4;
	s15 =	sshrl.u32 s13, $0x3;
	s0 =	sadd.s32 $0x27000, s0  }
0x17: {  	s22 =	sadd.s32 s17, s14;
	s23 =	sshll.u32 s13, $0x4;
	[dreg:$0x9] =	wrdreg s25  }
0x18: {  	s24 =	smul.u32 $0x27100, s16;
	s4 =	simm.s32 $0x50;
	[dreg:$0xa] =	wrdreg s10  }
0x19: {  	[dreg:$0xd] =	wrdreg s0;
	s19 =	sadd.s32 s3, s15;
	s20 =	sadd.s32 s5, s15  }
0x1a: {  	s25 =	sadd.s32 $0x28, s22;
	s0 =	sadd.s32 s21, s6;
	[dreg:$0xf] =	wrdreg s19  }
0x1b: {  	s14 =	sadd.s32 $0x50, s22;
	[dreg:$0x10] =	wrdreg s20;
	s19 =	sadd.s32 s6, s23  }
0x1c: {  	s26 =	sshrl.u32 s25, $0x3;
	s20 =	sadd.s32 s24, s0;
	s25 =	simm.s32 $0x5  }
0x1d: {  	s0 =	simm.s32 $0x1;
	s24 =	simm.s32 $0x2;
	s6 =	simm.s32 $0x3  }
0x1e: {  	s15 =	sadd.s32 s26, s5;
	s23 =	sadd.s32 s26, s3;
	s26 =	simm.s32 $0x28  }
.LBB2_1:
0x1f: {  	s9 =	rddreg [dreg:$0x4];
	s10 =	simm.s32 $0x5100  }
0x20: {  	[tilespmem:s10], [sflag:$0x5] =	stream.linear.gather [hbm4b:s9+s2], $0x400, $0x38;
	[tilespmem:$0x18D80] =	vst v63  }
0x21: {  	_ =	swait.ge [sflag:s25], $0x400  }
0x22: {  	[sflag:s25] =	ssyncset.done $0x0  }
0x23: {  	[sflag:s25] =	ssyncadd.s32 $0xFFFFFC00  }
0x24: {  	v0 =	vld [tilespmem:$0x5180];
	_ =	sdelay $0x3  }
0x25: {  	s9 =	simm.s32 $0x0  }
0x26: {  	[tilespmem:s9+$0x1480] =	vst v0  }
0x27: {  	[tilespmem:s9+$0x3D00] =	vst v0  }
0x28: {  	v0 =	vld [tilespmem:$0x5190];
	_ =	sdelay $0x4  }
0x29: {  	[tilespmem:s9+$0x1490] =	vst v0  }
0x2a: {  	[tilespmem:s9+$0x3D10] =	vst v0  }
0x2b: {  	v0 =	vld [tilespmem:$0x51A0];
	_ =	sdelay $0x4  }
0x2c: {  	[tilespmem:s9+$0x14A0] =	vst v0  }
0x2d: {  	[tilespmem:s9+$0x3D20] =	vst v0  }
0x2e: {  	v0 =	vld [tilespmem:$0x51B0];
	_ =	sdelay $0x4  }
0x2f: {  	[tilespmem:s9+$0x14B0] =	vst v0  }
0x30: {  	[tilespmem:s9+$0x3D30] =	vst v0  }
0x31: {  	v0 =	vld [tilespmem:$0x51C0];
	_ =	sdelay $0x4  }
0x32: {  	[tilespmem:s9+$0x14C0] =	vst v0  }
0x33: {  	[tilespmem:s9+$0x3D40] =	vst v0  }
0x34: {  	v0 =	vld [tilespmem:$0x51D0];
	_ =	sdelay $0x4  }
0x35: {  	[tilespmem:s9+$0x14D0] =	vst v0  }
0x36: {  	[tilespmem:s9+$0x3D50] =	vst v0  }
0x37: {  	s10 =	simm.s32 $0x200;
	v0 =	vld [tilespmem:$0x51E0]  }
.LBB2_2:
0x38: {  	_ =	sdelay $0x3  }
0x39: {  	p1 =	sne.s32 s10, $0x4E00;
	s11 =	smov.u32 s10;
	s10 =	sadd.s32 $0x200, s10;
	[tilespmem:s9+$0x14E0] =	vst v0  }
0x3a: {  	[tilespmem:s9+$0x3D60] =	vst v0  }
0x3b: {  	v0 =	vld [tilespmem:$0x51F0];
	_ =	sdelay $0x4  }
0x3c: {  	[tilespmem:s9+$0x14F0] =	vst v0  }
0x3d: {  	[tilespmem:s9+$0x3D70] =	vst v0  }
0x3e: {  	v0 =	vld [tilespmem:$0x5180];
	_ =	sdelay $0x3  }
0x3f: {  	s9 =	sshra.s32 s11, $0x2  }
0x40: {  	[tilespmem:s9+$0x1480] =	vst v0  }
0x41: {  	[tilespmem:s9+$0x3D00] =	vst v0  }
0x42: {  	v0 =	vld [tilespmem:$0x5190];
	_ =	sdelay $0x4  }
0x43: {  	[tilespmem:s9+$0x1490] =	vst v0  }
0x44: {  	[tilespmem:s9+$0x3D10] =	vst v0  }
0x45: {  	v0 =	vld [tilespmem:$0x51A0];
	_ =	sdelay $0x4  }
0x46: {  	[tilespmem:s9+$0x14A0] =	vst v0  }
0x47: {  	[tilespmem:s9+$0x3D20] =	vst v0  }
0x48: {  	v0 =	vld [tilespmem:$0x51B0];
	_ =	sdelay $0x4  }
0x49: {  	[tilespmem:s9+$0x14B0] =	vst v0  }
0x4a: {  	[tilespmem:s9+$0x3D30] =	vst v0  }
0x4b: {  	v0 =	vld [tilespmem:$0x51C0];
	_ =	sdelay $0x4  }
0x4c: {  	[tilespmem:s9+$0x14C0] =	vst v0  }
0x4d: {  	[tilespmem:s9+$0x3D40] =	vst v0  }
0x4e: {  	v0 =	vld [tilespmem:$0x51D0];
	_ =	sdelay $0x2  }
.Ltmp0:
0x4f: {  	(pc) =	sbr.rel @p1 .LBB2_2-.Ltmp0, $4  }
0x50: {  	_ = 	snop  }
0x51: {  	[tilespmem:s9+$0x14D0] =	vst v0  }
0x52: {  	[tilespmem:s9+$0x3D50] =	vst v0  }
0x53: {  	v0 =	vld [tilespmem:$0x51E0]  }
0x54: {  	_ =	sdelay $0x3  }
0x55: {  	[tilespmem:s9+$0x14E0] =	vst v0  }
0x56: {  	[tilespmem:s9+$0x3D60] =	vst v0  }
0x57: {  	v0 =	vld [tilespmem:$0x51F0];
	_ =	sdelay $0x3  }
0x58: {  	s10 =	stileid.u32  }
0x59: {  	s21 =	rddreg [dreg:$0x5];
	s10 =	sshll.u32 s10, $0x6;
	[tilespmem:s9+$0x14F0] =	vst v0  }
0x5a: {  	s11 =	rddreg [dreg:$0x6];
	[tilespmem:s9+$0x3D70] =	vst v0;
	s9 =	sor.u32 $0x1C05, s10;
	s10 =	sshrl.u32 s21, $0x3  }
0x5b: {  	[spmem:s10], [sflag:s9] =	dma.local [hbm:s11], $0x2700  }
0x5c: {  	_ =	swait.ge [sflag:s25], $0x2700  }
0x5d: {  	[sflag:s25] =	ssyncset.done $0x0;
	s11 =	rddreg [dreg:$0x7]  }
0x5e: {  	s12 =	rddreg [dreg:$0x8];
	[sflag:s25] =	ssyncadd.s32 $0xFFFFD900;
	s11 =	sshrl.u32 @!p0 s11, $0x3  }
0x5f: {  	[spmem:s11], [sflag:s9] =	dma.local @!p0 [hbm:s12], $0x100  }
0x60: {  	s12 =	simm.s32 @!p0 $0x5  }
0x61: {  	_ =	swait.ge @!p0 [sflag:s12], $0x100  }
0x62: {  	[sflag:s12] =	ssyncset.done @!p0 $0x0  }
0x63: {  	[sflag:s12] =	ssyncadd.s32 @!p0 $0xFFFFFF00  }
0x64: {  	[bflag:$0x0] =	sbarrier.arrive $0xFFFF  }
0x65: {  	s22 =	simm.s32 $0x0;
	s13 =	rddreg [dreg:$0x9]  }
0x66: {  	[tilespmem:s22], [sflag:$0x1] =	stream.linear.gather [hbm4b:s13+s22], $0x28, $0x38;
	[tilespmem:$0x18D80] =	vst v63  }
0x67: {  	s16 =	rddreg [dreg:$0xa]  }
0x68: {  	[tilespmem:s26], [sflag:$0x1] =	stream.linear.gather [hbm4b:s16+s22], $0x28, $0x38;
	[tilespmem:$0x18D80] =	vst v63  }
0x69: {  	s17 =	rddreg [dreg:$0xb]  }
0x6a: {  	[tilespmem:s28], [sflag:$0x2] =	stream.linear.gather [hbm4b:s17+s22], $0x1400, $0x38;
	[tilespmem:$0x18D80] =	vst v63  }
0x6b: {  	_ = 	snop  }
0x6c: {  	[tilespmem:s29], [sflag:$0x3] =	stream.linear.gather [hbm4b:s23+s2], $0x28, $0x38;
	[tilespmem:$0x18D80] =	vst v63  }
0x6d: {  	s18 =	sadd.s32 $0x0, s20  }
0x6e: {  	[tilespmem:s30], [sflag:$0x3] =	stream.linear.gather [hbm4b:s15+s2], $0x28, $0x38;
	[tilespmem:$0x18D80] =	vst v63  }
0x6f: {  	s21 =	sadd.s32 $0x280, s18  }
0x70: {  	[tilespmem:s31], [sflag:$0x4] =	stream.linear.gather [hbm4b:s21+s2], $0x1400, $0x38;
	[tilespmem:$0x18D80] =	vst v63  }
0x71: {  	_ =	swait.ge [sflag:s0], $0x28  }
0x72: {  	[sflag:s0] =	ssyncset.done $0x0  }
0x73: {  	[sflag:s0] =	ssyncadd.s32 $0xFFFFFFD8  }
0x74: {  	_ =	swait.ge [sflag:s0], $0x28  }
0x75: {  	[sflag:s0] =	ssyncset.done $0x0  }
0x76: {  	[sflag:s0] =	ssyncadd.s32 $0xFFFFFFD8  }
0x77: {  	_ =	swait.ge [sflag:s24], $0x1400  }
0x78: {  	[sflag:s24] =	ssyncset.done $0x0  }
0x79: {  	[sflag:s24] =	ssyncadd.s32 $0xFFFFEC00  }
0x7a: {  	[spmem:s1] =	stream.indirect.scatter.add.f32 [tilespmem:s28], [sflag:$0x5], $0x80, s2, s4, $0xb8;
	[tilespmem:$0x18D80] =	vst v63  }
0x7b: {  	_ =	swait.ge [sflag:s25], $0x2800  }
0x7c: {  	s22 =	sshrl.u32 s14, $0x3;
	[sflag:s25] =	ssyncset.done $0x0  }
0x7d: {  	s21 =	sadd.s32 s3, s22;
	[sflag:s25] =	ssyncadd.s32 $0xFFFFD800  }
0x7e: {  	[tilespmem:s2], [sflag:$0x1] =	stream.linear.gather [hbm4b:s21+s2], $0x28, $0x38;
	[tilespmem:$0x18D80] =	vst v63  }
0x7f: {  	s13 =	sadd.s32 s5, s22  }
0x80: {  	[tilespmem:s26], [sflag:$0x1] =	stream.linear.gather [hbm4b:s13+s2], $0x28, $0x38;
	[tilespmem:$0x18D80] =	vst v63  }
0x81: {  	s12 =	sadd.s32 $0x500, s18  }
0x82: {  	[tilespmem:s28], [sflag:$0x2] =	stream.linear.gather [hbm4b:s12+s2], $0x1400, $0x38;
	[tilespmem:$0x18D80] =	vst v63  }
0x83: {  	_ =	swait.ge [sflag:s6], $0x28  }
0x84: {  	[sflag:s6] =	ssyncset.done $0x0  }
0x85: {  	[sflag:s6] =	ssyncadd.s32 $0xFFFFFFD8  }
0x86: {  	_ =	swait.ge [sflag:s6], $0x28  }
0x87: {  	[sflag:s6] =	ssyncset.done $0x0  }
0x88: {  	[sflag:s6] =	ssyncadd.s32 $0xFFFFFFD8  }
0x89: {  	_ =	swait.ge [sflag:s7], $0x1400  }
0x8a: {  	[sflag:s7] =	ssyncset.done $0x0  }
0x8b: {  	[sflag:s7] =	ssyncadd.s32 $0xFFFFEC00  }
0x8c: {  	[spmem:s1] =	stream.indirect.scatter.add.f32 [tilespmem:s31], [sflag:$0x5], $0x80, s29, s4, $0xb8;
	[tilespmem:$0x18D80] =	vst v63  }
0x8d: {  	s22 =	smov.u32 s15;
	s21 =	smov.u32 s14;
	_ =	swait.ge [sflag:s25], $0x2800  }
0x8e: {  	s13 =	sadd.s32 $0xA, s23;
	s12 =	simm.s32 $0x500;
	[sflag:s25] =	ssyncset.done $0x0  }
.LBB2_4:
0x8f: {  	[sflag:s25] =	ssyncadd.s32 $0xFFFFD800;
	s21 =	sadd.s32 $0x50, s21;
	s22 =	sadd.s32 $0xA, s22  }
0x90: {  	[tilespmem:s29], [sflag:$0x3] =	stream.linear.gather [hbm4b:s13+s2], $0x28, $0x38;
	[tilespmem:$0x18D80] =	vst v63  }
0x91: {  	s16 =	sadd.s32 s12, s20;
	p1 =	sne.s32 s12, $0x26700;
	s12 =	sadd.s32 $0x500, s12  }
0x92: {  	[tilespmem:s30], [sflag:$0x3] =	stream.linear.gather [hbm4b:s22+s2], $0x28, $0x38;
	[tilespmem:$0x18D80] =	vst v63  }
0x93: {  	s17 =	sadd.s32 $0x280, s16  }
0x94: {  	[tilespmem:s31], [sflag:$0x4] =	stream.linear.gather [hbm4b:s17+s2], $0x1400, $0x38;
	[tilespmem:$0x18D80] =	vst v63  }
0x95: {  	_ =	swait.ge [sflag:s0], $0x28  }
0x96: {  	[sflag:s0] =	ssyncset.done $0x0  }
0x97: {  	[sflag:s0] =	ssyncadd.s32 $0xFFFFFFD8  }
0x98: {  	_ =	swait.ge [sflag:s0], $0x28  }
0x99: {  	[sflag:s0] =	ssyncset.done $0x0  }
0x9a: {  	[sflag:s0] =	ssyncadd.s32 $0xFFFFFFD8  }
0x9b: {  	_ =	swait.ge [sflag:s24], $0x1400  }
0x9c: {  	[sflag:s24] =	ssyncset.done $0x0  }
0x9d: {  	[sflag:s24] =	ssyncadd.s32 $0xFFFFEC00  }
0x9e: {  	[spmem:s1] =	stream.indirect.scatter.add.f32 [tilespmem:s28], [sflag:$0x5], $0x80, s2, s4, $0xb8;
	[tilespmem:$0x18D80] =	vst v63  }
0x9f: {  	_ =	swait.ge [sflag:s25], $0x2800  }
0xa0: {  	s17 =	sshrl.u32 s21, $0x3;
	[sflag:s25] =	ssyncset.done $0x0  }
0xa1: {  	s18 =	sadd.s32 s3, s17;
	[sflag:s25] =	ssyncadd.s32 $0xFFFFD800  }
0xa2: {  	[tilespmem:s2], [sflag:$0x1] =	stream.linear.gather [hbm4b:s18+s2], $0x28, $0x38;
	[tilespmem:$0x18D80] =	vst v63  }
0xa3: {  	s17 =	sadd.s32 s5, s17  }
0xa4: {  	[tilespmem:s26], [sflag:$0x1] =	stream.linear.gather [hbm4b:s17+s2], $0x28, $0x38;
	[tilespmem:$0x18D80] =	vst v63  }
0xa5: {  	s16 =	sadd.s32 $0x500, s16  }
0xa6: {  	[tilespmem:s28], [sflag:$0x2] =	stream.linear.gather [hbm4b:s16+s2], $0x1400, $0x38;
	[tilespmem:$0x18D80] =	vst v63  }
0xa7: {  	_ =	swait.ge [sflag:s6], $0x28  }
0xa8: {  	[sflag:s6] =	ssyncset.done $0x0  }
0xa9: {  	[sflag:s6] =	ssyncadd.s32 $0xFFFFFFD8  }
0xaa: {  	_ =	swait.ge [sflag:s6], $0x28  }
0xab: {  	[sflag:s6] =	ssyncset.done $0x0  }
0xac: {  	[sflag:s6] =	ssyncadd.s32 $0xFFFFFFD8  }
0xad: {  	_ =	swait.ge [sflag:s7], $0x1400  }
.Ltmp1:
0xae: {  	[sflag:s7] =	ssyncset.done $0x0;
	(pc) =	sbr.rel @p1 .LBB2_4-.Ltmp1, $4  }
0xaf: {  	[sflag:s7] =	ssyncadd.s32 $0xFFFFEC00  }
0xb0: {  	[spmem:s1] =	stream.indirect.scatter.add.f32 [tilespmem:s31], [sflag:$0x5], $0x80, s29, s4, $0xb8;
	[tilespmem:$0x18D80] =	vst v63  }
0xb1: {  	_ =	swait.ge [sflag:s25], $0x2800  }
0xb2: {  	s13 =	sadd.s32 $0xA, s13;
	[sflag:s25] =	ssyncset.done $0x0  }
0xb3: {  	[sflag:s25] =	ssyncadd.s32 $0xFFFFD800;
	s12 =	rddreg [dreg:$0xf]  }
0xb4: {  	[tilespmem:s29], [sflag:$0x3] =	stream.linear.gather [hbm4b:s12+s2], $0x28, $0x38;
	[tilespmem:$0x18D80] =	vst v63  }
0xb5: {  	s18 =	rddreg [dreg:$0x10]  }
0xb6: {  	[tilespmem:s30], [sflag:$0x3] =	stream.linear.gather [hbm4b:s18+s2], $0x28, $0x38;
	[tilespmem:$0x18D80] =	vst v63  }
0xb7: {  	_ = 	snop  }
0xb8: {  	[tilespmem:s31], [sflag:$0x4] =	stream.linear.gather [hbm4b:s19+s2], $0x1400, $0x38;
	[tilespmem:$0x18D80] =	vst v63  }
0xb9: {  	_ =	swait.ge [sflag:s0], $0x28  }
0xba: {  	[sflag:s0] =	ssyncset.done $0x0  }
0xbb: {  	[sflag:s0] =	ssyncadd.s32 $0xFFFFFFD8  }
0xbc: {  	_ =	swait.ge [sflag:s0], $0x28  }
0xbd: {  	[sflag:s0] =	ssyncset.done $0x0  }
0xbe: {  	[sflag:s0] =	ssyncadd.s32 $0xFFFFFFD8  }
0xbf: {  	_ =	swait.ge [sflag:s24], $0x1400  }
0xc0: {  	[sflag:s24] =	ssyncset.done $0x0  }
0xc1: {  	[sflag:s24] =	ssyncadd.s32 $0xFFFFEC00  }
0xc2: {  	[spmem:s1] =	stream.indirect.scatter.add.f32 [tilespmem:s28], [sflag:$0x5], $0x80, s2, s4, $0xb8;
	[tilespmem:$0x18D80] =	vst v63  }
0xc3: {  	_ =	swait.ge [sflag:s25], $0x2800  }
0xc4: {  	[sflag:s25] =	ssyncset.done $0x0  }
0xc5: {  	[sflag:s25] =	ssyncadd.s32 $0xFFFFD800  }
0xc6: {  	_ =	swait.ge [sflag:s6], $0x28  }
0xc7: {  	[sflag:s6] =	ssyncset.done $0x0  }
0xc8: {  	[sflag:s6] =	ssyncadd.s32 $0xFFFFFFD8  }
0xc9: {  	_ =	swait.ge [sflag:s6], $0x28  }
0xca: {  	[sflag:s6] =	ssyncset.done $0x0  }
0xcb: {  	[sflag:s6] =	ssyncadd.s32 $0xFFFFFFD8  }
0xcc: {  	_ =	swait.ge [sflag:s7], $0x1400  }
0xcd: {  	[sflag:s7] =	ssyncset.done $0x0  }
0xce: {  	[sflag:s7] =	ssyncadd.s32 $0xFFFFEC00  }
0xcf: {  	[spmem:s1] =	stream.indirect.scatter.add.f32 [tilespmem:s31], [sflag:$0x5], $0x80, s29, s4, $0xb8;
	[tilespmem:$0x18D80] =	vst v63  }
0xd0: {  	_ =	swait.ge [sflag:s25], $0x2800  }
0xd1: {  	[sflag:s25] =	ssyncset.done $0x0  }
0xd2: {  	[sflag:s25] =	ssyncadd.s32 $0xFFFFD800  }
0xd3: {  	[bflag:$0x0] =	sbarrier.arrive $0xFFFF  }
0xd4: {  	s21 =	rddreg [dreg:$0xc]  }
0xd5: {  	[hbm:s21], [sflag:s9] =	dma.local [spmem:s10], $0x2700  }
0xd6: {  	_ =	swait.ge [sflag:s25], $0x2700  }
0xd7: {  	[sflag:s25] =	ssyncset.done $0x0  }
0xd8: {  	s10 =	rddreg [dreg:$0xd];
	[sflag:s25] =	ssyncadd.s32 $0xFFFFD900  }
0xd9: {  	[hbm:s10], [sflag:s9] =	dma.local @!p0 [spmem:s11], $0x100  }
0xda: {  	s9 =	simm.s32 @!p0 $0x5  }
0xdb: {  	_ =	swait.ge @!p0 [sflag:s9], $0x100  }
0xdc: {  	s8 =	sadd.s32 $0x1, s8;
	s22 =	rddreg [dreg:$0xe]  }
0xdd: {  	p1 =	sne.s32 s8, s22  }
.Ltmp2:
0xde: {  	_ = 	snop;
	(pc) =	sbr.rel @p1 .LBB2_1-.Ltmp2, $3  }
0xdf: {  	_ =	sdelay $0x1  }
0xe0: {  	[sflag:s9] =	ssyncset.done @!p0 $0x0  }
0xe1: {  	[sflag:s9] =	ssyncadd.s32 @!p0 $0xFFFFFF00  }
0xe2: {  	_ =	sfence.sel $0x180000  }
0xe3: {  	[bflag:$0x0] =	sbarrier.arrive $0xFFFF  }
0xe4: {  	_ =	strace $0x90000047  }
0xe5: {  	s0 =	stileid.u32;
	[bflag:$0x2] =	sbarrier.arrive $0xFFFF  }
0xe6: {  	p0 =	sne.s32 s0, $0x0;
	s0 =	rddreg [dreg:$0x3]  }
0xe7: {  	s0 =	sadd.s32 @!p0 $0x100000, s0  }
0xe8: {  	[sflag:s0] =	ssyncadd.tile.s32 @!p0 $0x1;
	_ =	shalt  }
.Lfunc_end2:
_tile_overlayer_lowered:
.L_overlay_start_2:
0xe9: {  	(tag) =	ssettag $0x2  }
0xea: {  	s0 =	rddreg [dreg:$0x0];
	s2 =	stileid.u32  }
0xeb: {  	s1 =	rddreg [dreg:$0x1];
	p0 =	sne.s32 s2, $0x0  }
0xec: {  	s3 =	rddreg [dreg:$0x2];
	[bflag:$0x3] =	sbarrier.arrive $0xFFFF;
	s2 =	simm.s32 @!p0 $0x1C05  }
0xed: {  	[timem:s3], [sflag:s2] =	dma.local @!p0 [hbm:s0], s1  }
0xee: {  	s0 =	simm.s32 @!p0 $0x5  }
0xef: {  	_ =	swait.ge @!p0 [sflag:s0], s1  }
0xf0: {  	s1 =	ssub.s32 @!p0 $0x0, s1;
	[sflag:s0] =	ssyncset.done @!p0 $0x0  }
0xf1: {  	[sflag:s0] =	ssyncadd.s32 @!p0 s1  }
0xf2: {  	[bflag:$0x3] =	sbarrier.arrive $0xFFFF  }
0xf3: {  	_ =	shalt  }

// kernel: kernel.13.cloned.1.call-start
scs
__scs_entry_jumppad:
0x0: {  	(pc) =	sbr.rel $0x88, $3  }
0x1: {  	(tag) =	ssettag $0x0;
	lr =	simm.s32 $0x1  }
0x2: {  	[smem:$0x3F98] =	sst lr;
	_ =	strace $0xD0000000  }
0x3: {  	_ = 	snop  }
0x4: {  	_ = 	snop  }
0x5: {  	_ = 	snop  }
0x6: {  	_ = 	snop  }
0x7: {  	_ = 	snop  }
__scs_overlays_trampoline_lowered:
0x8: {  	[smem:$0x3FA7] =	sst s0  }
0x9: {  	[smem:$0x3FA8] =	sst s1  }
0xa: {  	[smem:$0x3FA9] =	sst s2  }
0xb: {  	[smem:$0x3FAA] =	sst s3  }
0xc: {  	[smem:$0x3FAB] =	sst s4  }
0xd: {  	[smem:$0x3FAC] =	sst s5  }
0xe: {  	[smem:$0x3FAD] =	sst s6  }
0xf: {  	[smem:$0x3FAE] =	sst s7  }
0x10: {  	[smem:$0x3FAF] =	sst s8  }
0x11: {  	[smem:$0x3FB0] =	sst s9;
	s0 =	simm.s32 @!p0 $0x0  }
0x12: {  	s1 =	sld [smem:$0x3F96];
	s0 =	simm.s32 @p0 $0x1  }
0x13: {  	[smem:$0x3FB1] =	sst s0;
	s0 =	simm.s32 @!p1 $0x0  }
0x14: {  	s2 =	sld [smem:$0x3F95];
	s0 =	simm.s32 @p1 $0x1  }
0x15: {  	[smem:$0x3FB2] =	sst s0;
	s0 =	simm.s32 @!p2 $0x0  }
0x16: {  	s3 =	sld [smem:$0x3FDB];
	s0 =	simm.s32 @p2 $0x1  }
0x17: {  	s4 =	simm.s32 $0x1BF5;
	[smem:$0x3FB4] =	sst s0  }
0x18: {  	s0 =	sld [smem:$0x3F97];
	_ =	swait.ge [sflag:s4], $0x0  }
0x19: {  	s7 =	sld [smem:$0x3F98]  }
0x1a: {  	s8 =	sadd.s32 $0xFFFFE003, lr  }
0x1b: {  	s9 =	sadd.s32 $0xFFFFFEF7, lr;
	s5 =	simm.s32 $0xFFFFFFFF;
	p2 =	slt.u32 s8, $0xFFFFF086  }
0x1c: {  	p1 =	slt.u32 s9, $0xF7A;
	s5 =	simm.s32 @!p2 $0x0  }
0x1d: {  	s5 =	simm.s32 @p1 $0x1;
	p0 =	seq.s32 s7, s2  }
0x1e: {  	s7 =	smul.u32 @!p0 $0xF7A, s2;
	p2 =	seq.s32 @!p0 s5, $0x0  }
0x1f: {  	s9 =	smul.u32 $0xF7A, s1;
	s8 =	simm.s32 @!p0 $0x1BF5;
	p2 =	por !p2, p0  }
0x20: {  	[sflag:s8] =	ssyncset.s32 @!p0 $0xFFFFF086;
	s6 =	sadd.s32 @!p0 s3, s7;
	s7 =	simm.s32 @!p0 $0x108  }
0x21: {  	s3 =	sadd.s32 s3, s9;
	s6 =	sadd.s32 @!p0 $0x88, s6;
	s7 =	simm.s32 @p2 $0x1082  }
0x22: {  	[simem:s7], [sflag:s8] =	dma.local @!p0 [hbm:s6], $0xF7A  }
0x23: {  	s9 =	sor.u32 $0xD0000000, s2;
	s6 =	simm.s32 $0x108;
	_ =	swait.ge @!p0 [sflag:s8], $0x0  }
0x24: {  	s3 =	sadd.s32 $0x88, s3;
	s6 =	simm.s32 @!p1 $0x1082;
	[sflag:s4] =	ssyncset.s32 $0xFFFFF086  }
0x25: {  	[simem:s6], [sflag:s4] =	dma.local [hbm:s3], $0xF7A  }
0x26: {  	[smem:$0x3F98] =	sst s1;
	(tag) =	ssettag s2;
	_ =	strace s9  }
0x27: {  	s1 =	sld [smem:$0x3FA8]  }
0x28: {  	s2 =	sld [smem:$0x3FA9]  }
0x29: {  	s4 =	sld [smem:$0x3FAB]  }
0x2a: {  	p0 =	seq.s32 s5, $0x0;
	s5 =	sld [smem:$0x3FAC]  }
0x2b: {  	s6 =	sld [smem:$0x3FAD]  }
0x2c: {  	s7 =	sld [smem:$0x3FAE]  }
0x2d: {  	s3 =	simm.s32 $0x108;
	s8 =	sld [smem:$0x3FAF]  }
0x2e: {  	s3 =	simm.s32 @!p0 $0x1082;
	s9 =	sld [smem:$0x3FB0]  }
0x2f: {  	lr =	sadd.s32 s0, s3;
	s0 =	sld [smem:$0x3FA7]  }
0x30: {  	s3 =	sld [smem:$0x3FAA]  }
0x31: {  	[smem:$0x3FB3] =	sst s10  }
0x32: {  	s10 =	sld [smem:$0x3FB1];
	_ =	sdelay $0x3  }
0x33: {  	p0 =	seq.s32 s10, $0x1;
	s10 =	sld [smem:$0x3FB3];
	_ =	sdelay $0x3  }
0x34: {  	[smem:$0x3FB3] =	sst s10  }
0x35: {  	s10 =	sld [smem:$0x3FB2];
	_ =	sdelay $0x3  }
0x36: {  	p1 =	seq.s32 s10, $0x1;
	s10 =	sld [smem:$0x3FB3];
	_ =	sdelay $0x3  }
0x37: {  	[smem:$0x3FB3] =	sst s10  }
0x38: {  	s10 =	sld [smem:$0x3FB4]  }
0x39: {  	_ = 	snop;
	(pc) =	sbr.ind lr, $3  }
0x3a: {  	_ = 	snop  }
0x3b: {  	_ = 	snop  }
0x3c: {  	p2 =	seq.s32 s10, $0x1;
	s10 =	sld [smem:$0x3FB3]  }
0x3d: {  	_ =	shalt  }
0x3e: {  	_ =	shalt  }
0x3f: {  	_ =	shalt  }
0x40: {  	_ =	shalt  }
0x41: {  	_ =	shalt  }
0x42: {  	_ =	shalt  }
0x43: {  	_ =	shalt  }
0x44: {  	_ =	shalt  }
0x45: {  	_ =	shalt  }
0x46: {  	_ =	shalt  }
0x47: {  	_ =	shalt  }
0x48: {  	_ =	shalt  }
0x49: {  	_ =	shalt  }
0x4a: {  	_ =	shalt  }
0x4b: {  	_ =	shalt  }
0x4c: {  	_ =	shalt  }
0x4d: {  	_ =	shalt  }
0x4e: {  	_ =	shalt  }
0x4f: {  	_ =	shalt  }
0x50: {  	_ =	shalt  }
0x51: {  	_ =	shalt  }
0x52: {  	_ =	shalt  }
0x53: {  	_ =	shalt  }
0x54: {  	_ =	shalt  }
0x55: {  	_ =	shalt  }
0x56: {  	_ =	shalt  }
0x57: {  	_ =	shalt  }
0x58: {  	_ =	shalt  }
0x59: {  	_ =	shalt  }
0x5a: {  	_ =	shalt  }
0x5b: {  	_ =	shalt  }
0x5c: {  	_ =	shalt  }
0x5d: {  	_ =	shalt  }
0x5e: {  	_ =	shalt  }
0x5f: {  	_ =	shalt  }
0x60: {  	_ =	shalt  }
0x61: {  	_ =	shalt  }
0x62: {  	_ =	shalt  }
0x63: {  	_ =	shalt  }
0x64: {  	_ =	shalt  }
0x65: {  	_ =	shalt  }
0x66: {  	_ =	shalt  }
0x67: {  	_ =	shalt  }
0x68: {  	_ =	shalt  }
0x69: {  	_ =	shalt  }
0x6a: {  	_ =	shalt  }
0x6b: {  	_ =	shalt  }
0x6c: {  	_ =	shalt  }
0x6d: {  	_ =	shalt  }
0x6e: {  	_ =	shalt  }
0x6f: {  	_ =	shalt  }
0x70: {  	_ =	shalt  }
0x71: {  	_ =	shalt  }
0x72: {  	_ =	shalt  }
0x73: {  	_ =	shalt  }
0x74: {  	_ =	shalt  }
0x75: {  	_ =	shalt  }
0x76: {  	_ =	shalt  }
0x77: {  	_ =	shalt  }
0x78: {  	_ =	shalt  }
0x79: {  	_ =	shalt  }
0x7a: {  	_ =	shalt  }
0x7b: {  	_ =	shalt  }
0x7c: {  	_ =	shalt  }
0x7d: {  	_ =	shalt  }
0x7e: {  	_ =	shalt  }
0x7f: {  	_ =	shalt  }
0x80: {  	_ =	shalt  }
0x81: {  	_ =	shalt  }
0x82: {  	_ =	shalt  }
0x83: {  	_ =	shalt  }
0x84: {  	_ =	shalt  }
0x85: {  	_ =	shalt  }
0x86: {  	_ =	shalt  }
0x87: {  	_ =	shalt  }
.Lfunc_end0:
.L_simem_size_0:
called_computation.1_lowered:
.L_overlay_start_0:
0x88: {  	s2 =	sld [smem:$0x3FD9]  }
0x89: {  	s3 =	sld [smem:$0x3FFE];
	_ =	sdelay $0x1  }
0x8a: {  	s1 =	srdreg.scid  }
0x8b: {  	s0 =	sand.u32 $0x1, s1  }
0x8c: {  	s17 =	sshll.u32 s0, $0xA;
	s2 =	sadd.s32 s3, s2  }
0x8d: {  	s2 =	sadd.s32 s2, s17  }
0x8e: {  	[smem:$0x3FBF] =	sst s2  }
0x8f: {  	_ = 	snop  }
0x90: {  	s2 =	sld [smem:$0x3FD0];
	(tm) =	ssettm $0x1  }
0x91: {  	s18 =	sld [smem:$0x3FFB];
	_ =	sdelay $0x3  }
0x92: {  	_ =	strace s18  }
0x93: {  	s3 =	sld [smem:$0x3FFC];
	_ =	sdelay $0x3  }
0x94: {  	_ =	strace s3  }
0x95: {  	s3 =	sld [smem:$0x3FFD];
	_ =	sdelay $0x3  }
0x96: {  	_ =	strace s3  }
0x97: {  	_ =	strace $0x8FFFFFFF  }
0x98: {  	s19 =	sld [smem:$0x3FDB];
	_ =	sdelay $0x1  }
0x99: {  	s4 =	simm.s32 $_scs_section_size  }
0x9a: {  	s5 =	simm.s32 $_size__tile_overlayer_lowered;
	s6 =	simm.s32 $_tile_overlayer_lowered  }
0x9b: {  	s22 =	simm.s32 $0x1BFF;
	s21 =	sshll.u32 s6, $0x1;
	s3 =	sadd.s32 s4, s19  }
0x9c: {  	s7 =	simm.s32 $0x0;
	s20 =	sshll.u32 s5, $0x1;
	s5 =	sadd.s32 s21, s3  }
0x9d: {  	[timem:s7], [sflag:s22] =	dma.local [hbm:s5], s20  }
0x9e: {  	_ =	swait.ge [sflag:s22], s20  }
0x9f: {  	s4 =	ssub.s32 $0x0, s20;
	[sflag:s22] =	ssyncset.done $0x0  }
0xa0: {  	[sflag:s22] =	ssyncadd.s32 s4;
	_ =	sdelay $0x1  }
0xa1: {  	s23 =	simm.s32 $0x1B8B  }
0xa2: {  	_ =	swait.ge [sflag:s23], $0x1  }
0xa3: {  	[sflag:s23] =	ssyncset.done $0x0  }
0xa4: {  	s25 =	simm.s32 $0x1B8E;
	s24 =	sld [smem:$0x3FFE];
	[sflag:s23] =	ssyncadd.s32 $0xFFFFFFFF  }
0xa5: {  	s26 =	simm.s32 $execute0_lowered;
	[smem:$0x3FD2] =	sst s25  }
0xa6: {  	s5 =	sshll.u32 s26, $0x1;
	_ =	strace $0x80000049;
	[dreg:$0x1] =	wrdreg $0xFFFFFFFF  }
0xa7: {  	s28 =	simm.s32 $_size_execute0_lowered;
	s3 =	sadd.s32 s3, s5;
	[dreg:$0x0] =	wrdreg $0x0  }
0xa8: {  	s5 =	sshll.u32 s28, $0x1;
	[dreg:$0x2] =	wrdreg s3  }
0xa9: {  	[dreg:$0x3] =	wrdreg s5  }
0xaa: {  	[dreg:$0x4] =	wrdreg $0xC0  }
0xab: {  	_ =	task [dreg:s7], $0x5FFFF  }
0xac: {  	[dreg:$0x1] =	wrdreg $0xFFFFFFFF  }
0xad: {  	[dreg:$0x0] =	wrdreg $0x60  }
0xae: {  	[dreg:$0x2] =	wrdreg s24  }
0xaf: {  	[dreg:$0x3] =	wrdreg s2  }
0xb0: {  	[dreg:$0x4] =	wrdreg $0xA2000  }
0xb1: {  	[dreg:$0x5] =	wrdreg $0x9  }
0xb2: {  	_ =	task.clear_ibuf [dreg:s7], $0x6FFFF;
	_ =	strace $0x90000049  }
0xb3: {  	s29 =	simm.s32 $0x9;
	_ =	strace $0x8000004B  }
0xb4: {  	_ =	swait.ge [sflag:s29], $0x1  }
0xb5: {  	[sflag:s29] =	ssyncadd.s32 $0xFFFFFFFF  }
0xb6: {  	_ =	strace $0x9000004B  }
0xb7: {  	_ =	sfence  }
0xb8: {  	s30 =	sld [smem:$0x0];
	_ =	sdelay $0x2  }
0xb9: {  	s31 =	sshll.u32 s1, $0xD;
	s1 =	sshrl.u32 s1, $0x2  }
0xba: {  	s3 =	sand.u32 $0x4000, s31;
	s1 =	sadd.s32 s1, s30  }
0xbb: {  	s0 =	sor.u32 s3, s0;
	s1 =	sshll.u32 s1, $0x11  }
0xbc: {  	s0 =	sor.u32 s1, s0  }
0xbd: {  	s0 =	sadd.s32 $0x8F2B, s0  }
0xbe: {  	[sflag:s0] =	ssyncadd.remote.s32 $0x1  }
0xbf: {  	_ =	sfence.sel $0xFFFF  }
0xc0: {  	[dreg:$0x0] =	wrdreg $0xFFFFFFFF;
	(pc) =	sbr.abs _section_cstart, $3  }
0xc1: {  	[dreg:$0x1] =	wrdreg $0xFFFFFFFF  }
0xc2: {  	_ =	task.clear_ibuf [dreg:s7], $0x2FFFF;
	_ =	strace $0x9FFFFFFF  }
0xc3: {  	(tm) =	ssettm $0x7FFFFFFF  }
tec
execute0_lowered:
.L_overlay_start_1:
0x0: {  	(tag) =	ssettag $0x1  }
0x1: {  	s0 =	rddreg [dreg:$0x0]  }
0x2: {  	s3 =	rddreg [dreg:$0x1]  }
0x3: {  	s1 =	rddreg [dreg:$0x2];
	s2 =	simm.s32 $0x0;
	s6 =	srdreg.scid  }
0x4: {  	s17 =	stileid.u32;
	s28 =	simm.s32 $0x2900;
	s29 =	simm.s32 $0x5100  }
0x5: {  	s30 =	simm.s32 $0x5180;
	s31 =	simm.s32 $0x7A00;
	[smem:$0x7FF] =	sst s2  }
0x6: {  	s4 =	sadd.s32 $0x4EEE00, s0;
	s5 =	sadd.s32 $0x4E5000, s0;
	s9 =	smul.u32 $0x4E000, s17  }
0x7: {  	s8 =	sand.u32 $0x1, s6;
	s6 =	sadd.s32 $0x3000, s0;
	s12 =	smul.u32 $0x13800, s17  }
0x8: {  	s7 =	sadd.s32 $0x547000, s0;
	s0 =	sadd.s32 $0x51200, s0;
	s14 =	smul.u32 $0x4E20, s17  }
0x9: {  	s23 =	sshll.u32 s17, $0x6;
	s24 =	sadd.s32 $0x138000, s1;
	s15 =	smul.u32 $0x271000, s17  }
0xa: {  	p0 =	sne.s32 s17, $0xF;
	_ =	strace $0x8000004A;
	s10 =	ssub.s32 $0x2, s8  }
0xb: {  	[dreg:$0x6] =	wrdreg s24;
	s16 =	smul.u32 $0x2710, s8;
	s11 =	sshrl.u32 s10, $0x1  }
0xc: {  	s9 =	sshrl.u32 s9, $0x2;
	s22 =	sshrl.u32 s12, $0x3;
	s25 =	sshrl.u32 s14, $0x3  }
0xd: {  	s19 =	sadd.s32 $0x50, s14;
	s13 =	ssub.s32 s10, s11;
	s9 =	sadd.s32 s9, s1  }
0xe: {  	s10 =	sor.u32 $0x1C07, s23;
	s11 =	smul.u32 $0x2710000, s8;
	s26 =	sadd.s32 s4, s25  }
0xf: {  	s20 =	sshrl.u32 s19, $0x3;
	s8 =	smul.u32 $0x138800, s8;
	[dreg:$0x4] =	wrdreg s9  }
0x10: {  	v0 =	vmov s16;
	s16 =	simm.s32 $0x0;
	s9 =	sadd.s32 s3, s22;
	[dreg:$0x8] =	wrdreg s26  }
0x11: {  	s3 =	sadd.s32 $0x27000, s3;
	s21 =	sadd.s32 s4, s20;
	[dreg:$0x5] =	wrdreg s9  }
0x12: {  	s22 =	sshll.u32 s19, $0x7;
	s23 =	sadd.s32 s5, s20;
	[dreg:$0x7] =	wrdreg s3  }
0x13: {  	s26 =	smax.u32 s13, $0x1;
	s13 =	simm.s32 $0x2;
	[dreg:$0xb] =	wrdreg s21  }
0x14: {  	s9 =	sadd.s32 s5, s25;
	s18 =	sadd.s32 s15, s11;
	[dreg:$0xc] =	wrdreg s23  }
0x15: {  	s24 =	sadd.s32 s12, s8;
	s8 =	sshrl.u32 s8, $0x3;
	s21 =	sadd.s32 $0xA0, s14  }
0x16: {  	[dreg:$0x10] =	wrdreg s26;
	s26 =	simm.s32 $0x80;
	s12 =	simm.s32 $0x3  }
0x17: {  	[dreg:$0x9] =	wrdreg s9;
	s3 =	sshrl.u32 s18, $0x3;
	s9 =	sshrl.u32 s24, $0x3  }
0x18: {  	s15 =	simm.s32 $0x5;
	s3 =	sadd.s32 s7, s3;
	s25 =	sadd.s32 s0, s9  }
0x19: {  	s0 =	sadd.s32 s0, s8;
	s8 =	simm.s32 $0x4;
	[dreg:$0xa] =	wrdreg s3  }
0x1a: {  	s9 =	simm.s32 $0x5200;
	s3 =	sadd.s32 s11, s22;
	[dreg:$0xe] =	wrdreg s25  }
0x1b: {  	s22 =	sadd.s32 $0xF0, s14;
	s0 =	sadd.s32 $0x27000, s0;
	s3 =	sshrl.u32 s3, $0x3  }
0x1c: {  	s25 =	simm.s32 $0x7;
	[dreg:$0xf] =	wrdreg s0;
	s3 =	sadd.s32 s7, s3  }
0x1d: {  	s14 =	simm.s32 $0x6;
	[dreg:$0xd] =	wrdreg s3;
	s3 =	simm.s32 $0x50  }
.LBB2_1:
0x1e: {  	s0 =	rddreg [dreg:$0x4]  }
0x1f: {  	s19 =	rddreg [dreg:$0x5];
	s17 =	sshrl.u32 s0, $0x3  }
0x20: {  	[dreg:$0x11] =	wrdreg s17  }
0x21: {  	[spmem:s17], [sflag:s10] =	dma.local [hbm:s19], $0x2700  }
0x22: {  	_ =	swait.ge [sflag:s25], $0x2700  }
0x23: {  	s19 =	simm.s32 @!p0 $0x7;
	[sflag:s25] =	ssyncset.done $0x0;
	s0 =	rddreg [dreg:$0x6]  }
0x24: {  	[sflag:s25] =	ssyncadd.s32 $0xFFFFD900;
	s18 =	sshrl.u32 @!p0 s0, $0x3;
	s0 =	rddreg [dreg:$0x7]  }
0x25: {  	[spmem:s18], [sflag:s10] =	dma.local @!p0 [hbm:s0], $0x100  }
0x26: {  	_ =	swait.ge @!p0 [sflag:s19], $0x100  }
0x27: {  	[sflag:s19] =	ssyncset.done @!p0 $0x0  }
0x28: {  	[sflag:s19] =	ssyncadd.s32 @!p0 $0xFFFFFF00  }
0x29: {  	[bflag:$0x0] =	sbarrier.arrive $0xFFFF  }
0x2a: {  	s20 =	rddreg [dreg:$0x8]  }
0x2b: {  	[tilespmem:s2], [sflag:$0x1] =	stream.linear.gather [hbm4b:s20+s2], $0x50, $0x38;
	[tilespmem:$0x1DA80] =	vst v63  }
0x2c: {  	s23 =	rddreg [dreg:$0x9]  }
0x2d: {  	[tilespmem:s26], [sflag:$0x1] =	stream.linear.gather [hbm4b:s23+s2], $0x50, $0x38;
	[tilespmem:$0x1DA80] =	vst v63  }
0x2e: {  	s24 =	rddreg [dreg:$0xa]  }
0x2f: {  	[tilespmem:s28], [sflag:$0x2] =	stream.linear.gather [hbm4b:s24+s2], $0x2800, $0x38;
	[tilespmem:$0x1DA80] =	vst v63  }
0x30: {  	s17 =	rddreg [dreg:$0xb]  }
0x31: {  	[tilespmem:s29], [sflag:$0x4] =	stream.linear.gather [hbm4b:s17+s2], $0x50, $0x38;
	[tilespmem:$0x1DA80] =	vst v63  }
0x32: {  	s19 =	rddreg [dreg:$0xc]  }
0x33: {  	[tilespmem:s30], [sflag:$0x4] =	stream.linear.gather [hbm4b:s19+s2], $0x50, $0x38;
	[tilespmem:$0x1DA80] =	vst v63  }
0x34: {  	s20 =	rddreg [dreg:$0xd];
	s23 =	simm.s32 $0x1  }
0x35: {  	[tilespmem:s31], [sflag:$0x5] =	stream.linear.gather [hbm4b:s20+s2], $0x2800, $0x38;
	[tilespmem:$0x1DA80] =	vst v63  }
0x36: {  	_ =	swait.ge [sflag:s23], $0x50  }
0x37: {  	[sflag:s23] =	ssyncset.done $0x0  }
0x38: {  	[sflag:s23] =	ssyncadd.s32 $0xFFFFFFB0  }
0x39: {  	_ =	swait.ge [sflag:s23], $0x50  }
0x3a: {  	[sflag:s23] =	ssyncset.done $0x0  }
0x3b: {  	[sflag:s23] =	ssyncadd.s32 $0xFFFFFFB0  }
0x3c: {  	v1 =	vld [tilespmem:$0x0]  }
0x3d: {  	v2 =	vld [tilespmem:$0x10]  }
0x3e: {  	v3 =	vld [tilespmem:$0x20]  }
0x3f: {  	v4 =	vld [tilespmem:$0x30]  }
0x40: {  	v5 =	vld [tilespmem:$0x40]  }
0x41: {  	v1 =	vadd.s32 v0, v1  }
0x42: {  	[tilespmem:$0x0] =	vst v1;
	v1 =	vadd.s32 v0, v2  }
0x43: {  	[tilespmem:$0x10] =	vst v1;
	v1 =	vadd.s32 v0, v3  }
0x44: {  	[tilespmem:$0x20] =	vst v1;
	v1 =	vadd.s32 v0, v4  }
0x45: {  	[tilespmem:$0x30] =	vst v1;
	v1 =	vadd.s32 v0, v5  }
0x46: {  	s24 =	simm.s32 $0x100;
	s19 =	simm.s32 $0x0;
	[tilespmem:$0x40] =	vst v1  }
0x47: {  	[tilespmem:s24], [sflag:$0x3] =	stream.indirect.gather [hbm4b:s6+s3], $0x80, s2, s3, $0xb8;
	[tilespmem:$0x1DA80] =	vst v63  }
.LBB2_2:
0x48: {  	_ =	swait.ge [sflag:s8], $0x50  }
0x49: {  	[sflag:s8] =	ssyncset.done $0x0  }
0x4a: {  	[sflag:s8] =	ssyncadd.s32 $0xFFFFFFB0  }
0x4b: {  	_ =	swait.ge [sflag:s8], $0x50  }
0x4c: {  	[sflag:s8] =	ssyncset.done $0x0  }
0x4d: {  	[sflag:s8] =	ssyncadd.s32 $0xFFFFFFB0  }
0x4e: {  	v1 =	vld [tilespmem:$0x5100]  }
0x4f: {  	v2 =	vld [tilespmem:$0x5110]  }
0x50: {  	v3 =	vld [tilespmem:$0x5120]  }
0x51: {  	v4 =	vld [tilespmem:$0x5130]  }
0x52: {  	v5 =	vld [tilespmem:$0x5140]  }
0x53: {  	v1 =	vadd.s32 v0, v1  }
0x54: {  	[tilespmem:$0x5100] =	vst v1;
	v1 =	vadd.s32 v0, v2  }
0x55: {  	[tilespmem:$0x5110] =	vst v1;
	v1 =	vadd.s32 v0, v3  }
0x56: {  	[tilespmem:$0x5120] =	vst v1;
	v1 =	vadd.s32 v0, v4  }
0x57: {  	[tilespmem:$0x5130] =	vst v1;
	v1 =	vadd.s32 v0, v5  }
0x58: {  	[tilespmem:$0x5140] =	vst v1  }
0x59: {  	[tilespmem:s9], [sflag:$0x6] =	stream.indirect.gather [hbm4b:s6+s3], $0x80, s29, s3, $0xb8;
	[tilespmem:$0x1DA80] =	vst v63  }
0x5a: {  	_ =	swait.ge [sflag:s12], $0x2800  }
0x5b: {  	[sflag:s12] =	ssyncset.done $0x0  }
0x5c: {  	[sflag:s12] =	ssyncadd.s32 $0xFFFFD800  }
0x5d: {  	_ =	swait.ge [sflag:s13], $0x2800  }
0x5e: {  	[sflag:s13] =	ssyncset.done $0x0  }
0x5f: {  	s20 =	simm.s32 $0xF0;
	[sflag:s13] =	ssyncadd.s32 $0xFFFFD800  }
0x60: {  	v7 =	vld [tilespmem:s20+$0x10]  }
0x61: {  	v8 =	vld [tilespmem:s20+$0x20]  }
0x62: {  	v9 =	vld [tilespmem:s20+$0x30]  }
0x63: {  	v10 =	vld [tilespmem:s20+$0x40]  }
0x64: {  	v11 =	vld [tilespmem:s20+$0x50]  }
0x65: {  	v12 =	vld [tilespmem:s20+$0x60]  }
0x66: {  	v13 =	vld [tilespmem:s20+$0x70]  }
0x67: {  	v14 =	vld [tilespmem:s20+$0x80]  }
0x68: {  	v15 =	vld [tilespmem:s20+$0x90]  }
0x69: {  	v16 =	vld [tilespmem:s20+$0xA0]  }
0x6a: {  	v6 =	vld [tilespmem:s20+$0xB0]  }
0x6b: {  	v5 =	vld [tilespmem:s20+$0xC0]  }
0x6c: {  	v4 =	vld [tilespmem:s20+$0xD0]  }
0x6d: {  	v17 =	vld [tilespmem:s20+$0x2810]  }
0x6e: {  	v18 =	vld [tilespmem:s20+$0x2820]  }
0x6f: {  	v3 =	vld [tilespmem:s20+$0xE0]  }
0x70: {  	v19 =	vld [tilespmem:s20+$0x2830]  }
0x71: {  	v20 =	vld [tilespmem:s20+$0x2840]  }
0x72: {  	v2 =	vld [tilespmem:s20+$0xF0];
	v7 =	vadd.f32 v17, v7  }
0x73: {  	v21 =	vld [tilespmem:s20+$0x2850];
	v8 =	vadd.f32 v18, v8  }
0x74: {  	v60 =	vld [tilespmem:s20+$0x2860];
	v7 =	vmax.f32 v7, $0.0e+00  }
0x75: {  	v1 =	vld [tilespmem:s20+$0x100];
	v8 =	vmax.f32 v8, $0.0e+00;
	[tilespmem:s20+$0x2810] =	vst v7;
	v7 =	vadd.f32 v19, v9  }
0x76: {  	v22 =	vld [tilespmem:s20+$0x2870];
	[tilespmem:s20+$0x2820] =	vst v8;
	v8 =	vadd.f32 v20, v10  }
0x77: {  	v61 =	vld [tilespmem:s20+$0x2880];
	v7 =	vmax.f32 v7, $0.0e+00  }
0x78: {  	v62 =	vld [tilespmem:s20+$0x2890];
	v9 =	vmax.f32 v8, $0.0e+00;
	[tilespmem:s20+$0x2830] =	vst v7;
	v7 =	vadd.f32 v21, v11  }
0x79: {  	v63 =	vld [tilespmem:s20+$0x28A0];
	[tilespmem:s20+$0x2840] =	vst v9;
	v9 =	vadd.f32 v60, v12  }
0x7a: {  	v8 =	vld [tilespmem:s20+$0x28B0];
	v10 =	vmax.f32 v7, $0.0e+00  }
0x7b: {  	v7 =	vld [tilespmem:s20+$0x28C0];
	v11 =	vmax.f32 v9, $0.0e+00;
	[tilespmem:s20+$0x2850] =	vst v10;
	v10 =	vadd.f32 v22, v13  }
0x7c: {  	v9 =	vld [tilespmem:s20+$0x28D0];
	[tilespmem:s20+$0x2860] =	vst v11;
	v11 =	vadd.f32 v61, v14  }
0x7d: {  	v13 =	vadd.f32 v62, v15;
	v12 =	vmax.f32 v10, $0.0e+00;
	v10 =	vld [tilespmem:s20+$0x28E0]  }
0x7e: {  	s23 =	simm.s32 $0x7C0;
	v14 =	vmax.f32 v11, $0.0e+00;
	v11 =	vld [tilespmem:s20+$0x28F0];
	[tilespmem:s20+$0x2870] =	vst v12;
	v12 =	vadd.f32 v63, v16  }
.LBB2_3:
0x7f: {  	s24 =	sshra.s32 s23, $0x2;
	p1 =	sne.s32 s23, $0x9FC0;
	[tilespmem:s20+$0x2880] =	vst v14;
	v13 =	vmax.f32 v13, $0.0e+00;
	v6 =	vadd.f32 v8, v6;
	v8 =	vld [tilespmem:s20+$0x2900]  }
0x80: {  	v14 =	vld [tilespmem:s24+$0x10];
	[tilespmem:s20+$0x2890] =	vst v13;
	v12 =	vmax.f32 v12, $0.0e+00;
	v5 =	vadd.f32 v7, v5  }
0x81: {  	v7 =	vld [tilespmem:s24+$0x20];
	[tilespmem:s20+$0x28A0] =	vst v12;
	v6 =	vmax.f32 v6, $0.0e+00;
	v4 =	vadd.f32 v9, v4  }
0x82: {  	v9 =	vld [tilespmem:s24+$0x30];
	[tilespmem:s20+$0x28B0] =	vst v6;
	v5 =	vmax.f32 v5, $0.0e+00;
	v3 =	vadd.f32 v10, v3  }
0x83: {  	v10 =	vld [tilespmem:s24+$0x40];
	[tilespmem:s20+$0x28C0] =	vst v5;
	v4 =	vmax.f32 v4, $0.0e+00;
	v2 =	vadd.f32 v11, v2  }
0x84: {  	v11 =	vld [tilespmem:s24+$0x50];
	[tilespmem:s20+$0x28D0] =	vst v4;
	v3 =	vmax.f32 v3, $0.0e+00;
	v1 =	vadd.f32 v8, v1  }
0x85: {  	v8 =	vld [tilespmem:s24+$0x60];
	[tilespmem:s20+$0x28E0] =	vst v3;
	v2 =	vmax.f32 v2, $0.0e+00  }
0x86: {  	v12 =	vld [tilespmem:s24+$0x70];
	[tilespmem:s20+$0x28F0] =	vst v2;
	v1 =	vmax.f32 v1, $0.0e+00  }
0x87: {  	v13 =	vld [tilespmem:s24+$0x80];
	[tilespmem:s20+$0x2900] =	vst v1;
	s20 =	smov.u32 s24  }
0x88: {  	v15 =	vld [tilespmem:s20+$0x90]  }
0x89: {  	v16 =	vld [tilespmem:s20+$0xA0]  }
0x8a: {  	v6 =	vld [tilespmem:s20+$0xB0]  }
0x8b: {  	v5 =	vld [tilespmem:s20+$0xC0]  }
0x8c: {  	v4 =	vld [tilespmem:s20+$0xD0]  }
0x8d: {  	v3 =	vld [tilespmem:s20+$0xE0]  }
0x8e: {  	v2 =	vld [tilespmem:s20+$0xF0]  }
0x8f: {  	v1 =	vld [tilespmem:s20+$0x100]  }
0x90: {  	v17 =	vld [tilespmem:s20+$0x2810]  }
0x91: {  	v18 =	vld [tilespmem:s20+$0x2820]  }
0x92: {  	v19 =	vld [tilespmem:s20+$0x2830]  }
0x93: {  	v20 =	vld [tilespmem:s20+$0x2840]  }
0x94: {  	v21 =	vld [tilespmem:s20+$0x2850]  }
0x95: {  	v14 =	vadd.f32 v17, v14;
	v17 =	vld [tilespmem:s20+$0x2860]  }
0x96: {  	v7 =	vadd.f32 v18, v7;
	v18 =	vld [tilespmem:s20+$0x2870]  }
0x97: {  	v14 =	vmax.f32 v14, $0.0e+00;
	v9 =	vadd.f32 v19, v9;
	v19 =	vld [tilespmem:s20+$0x2880]  }
0x98: {  	[tilespmem:s20+$0x2810] =	vst v14;
	v7 =	vmax.f32 v7, $0.0e+00;
	v10 =	vadd.f32 v20, v10;
	v14 =	vld [tilespmem:s20+$0x2890]  }
0x99: {  	[tilespmem:s20+$0x2820] =	vst v7;
	v7 =	vmax.f32 v9, $0.0e+00;
	v9 =	vadd.f32 v21, v11;
	v11 =	vld [tilespmem:s20+$0x28A0]  }
.Ltmp0:
0x9a: {  	[tilespmem:s20+$0x2830] =	vst v7;
	v7 =	vmax.f32 v10, $0.0e+00;
	v10 =	vadd.f32 v17, v8;
	v8 =	vld [tilespmem:s20+$0x28B0];
	(pc) =	sbr.rel @p1 .LBB2_3-.Ltmp0, $4  }
0x9b: {  	[tilespmem:s20+$0x2840] =	vst v7;
	v9 =	vmax.f32 v9, $0.0e+00;
	v12 =	vadd.f32 v18, v12;
	v7 =	vld [tilespmem:s20+$0x28C0]  }
0x9c: {  	[tilespmem:s20+$0x2850] =	vst v9;
	v10 =	vmax.f32 v10, $0.0e+00;
	v17 =	vadd.f32 v19, v13;
	v9 =	vld [tilespmem:s20+$0x28D0]  }
0x9d: {  	[tilespmem:s20+$0x2860] =	vst v10;
	v12 =	vmax.f32 v12, $0.0e+00;
	v13 =	vadd.f32 v14, v15;
	v10 =	vld [tilespmem:s20+$0x28E0]  }
0x9e: {  	s23 =	sadd.s32 $0x400, s23;
	[tilespmem:s20+$0x2870] =	vst v12;
	v14 =	vmax.f32 v17, $0.0e+00;
	v12 =	vadd.f32 v11, v16;
	v11 =	vld [tilespmem:s20+$0x28F0]  }
0x9f: {  	[tilespmem:s20+$0x2880] =	vst v14;
	v13 =	vmax.f32 v13, $0.0e+00;
	v6 =	vadd.f32 v8, v6;
	v8 =	vld [tilespmem:s20+$0x2900]  }
0xa0: {  	[tilespmem:s20+$0x2890] =	vst v13;
	v12 =	vmax.f32 v12, $0.0e+00;
	v5 =	vadd.f32 v7, v5  }
0xa1: {  	[tilespmem:s20+$0x28A0] =	vst v12;
	v6 =	vmax.f32 v6, $0.0e+00;
	v4 =	vadd.f32 v9, v4  }
0xa2: {  	[tilespmem:s20+$0x28B0] =	vst v6;
	v5 =	vmax.f32 v5, $0.0e+00;
	v3 =	vadd.f32 v10, v3  }
0xa3: {  	[tilespmem:s20+$0x28C0] =	vst v5;
	v4 =	vmax.f32 v4, $0.0e+00;
	v2 =	vadd.f32 v11, v2  }
0xa4: {  	[tilespmem:s20+$0x28D0] =	vst v4;
	v3 =	vmax.f32 v3, $0.0e+00;
	v1 =	vadd.f32 v8, v1  }
0xa5: {  	[tilespmem:s20+$0x28E0] =	vst v3;
	v2 =	vmax.f32 v2, $0.0e+00  }
0xa6: {  	p1 =	seq.s32 s19, $0x7C;
	[tilespmem:s20+$0x28F0] =	vst v2;
	v1 =	vmax.f32 v1, $0.0e+00  }
0xa7: {  	[tilespmem:s20+$0x2900] =	vst v1;
	s20 =	smul.u32 @!p1 $0xA0, s19  }
0xa8: {  	[spmem:s1] =	stream.indirect.scatter.add.f32 [tilespmem:s28], [sflag:$0x7], $0x80, s26, s3, $0xb8;
	[tilespmem:$0x1DA80] =	vst v63  }
0xa9: {  	_ =	swait.ge [sflag:s25], $0x2800;
	s23 =	sadd.s32 @!p1 s20, s21  }
0xaa: {  	[sflag:s25] =	ssyncset.done $0x0;
	s24 =	sshrl.u32 @!p1 s23, $0x3  }
0xab: {  	s17 =	simm.s32 @!p1 $0x0;
	[sflag:s25] =	ssyncadd.s32 $0xFFFFD800;
	s0 =	sadd.s32 @!p1 s4, s24  }
0xac: {  	[tilespmem:s17], [sflag:$0x1] =	stream.linear.gather @!p1 [hbm4b:s0+s17], $0x50, $0x38;
	[tilespmem:$0x1DA80] =	vst v63  }
0xad: {  	s0 =	sadd.s32 @!p1 s5, s24;
	s24 =	simm.s32 @!p1 $0x80  }
0xae: {  	[tilespmem:s24], [sflag:$0x1] =	stream.linear.gather @!p1 [hbm4b:s0+s17], $0x50, $0x38;
	[tilespmem:$0x1DA80] =	vst v63  }
0xaf: {  	s0 =	sshll.u32 @!p1 s23, $0x7  }
0xb0: {  	s0 =	sadd.s32 @!p1 s11, s0  }
0xb1: {  	s0 =	sshrl.u32 @!p1 s0, $0x3  }
0xb2: {  	s23 =	simm.s32 @!p1 $0x2900;
	s0 =	sadd.s32 @!p1 s7, s0  }
0xb3: {  	[tilespmem:s23], [sflag:$0x2] =	stream.linear.gather @!p1 [hbm4b:s0+s17], $0x2800, $0x38;
	[tilespmem:$0x1DA80] =	vst v63  }
0xb4: {  	s0 =	simm.s32 @!p1 $0x1  }
0xb5: {  	_ =	swait.ge @!p1 [sflag:s0], $0x50  }
0xb6: {  	[sflag:s0] =	ssyncset.done @!p1 $0x0  }
0xb7: {  	[sflag:s0] =	ssyncadd.s32 @!p1 $0xFFFFFFB0  }
0xb8: {  	_ =	swait.ge @!p1 [sflag:s0], $0x50  }
0xb9: {  	[sflag:s0] =	ssyncset.done @!p1 $0x0  }
0xba: {  	[sflag:s0] =	ssyncadd.s32 @!p1 $0xFFFFFFB0  }
0xbb: {  	v1 =	vld @!p1 [tilespmem:$0x0]  }
0xbc: {  	v2 =	vld @!p1 [tilespmem:$0x10]  }
0xbd: {  	v3 =	vld @!p1 [tilespmem:$0x20]  }
0xbe: {  	v4 =	vld @!p1 [tilespmem:$0x30]  }
0xbf: {  	v5 =	vld @!p1 [tilespmem:$0x40]  }
0xc0: {  	v1 =	vadd.s32 @!p1 v0, v1  }
0xc1: {  	[tilespmem:$0x0] =	vst @!p1 v1;
	v1 =	vadd.s32 @!p1 v0, v2  }
0xc2: {  	[tilespmem:$0x10] =	vst @!p1 v1;
	v1 =	vadd.s32 @!p1 v0, v3  }
0xc3: {  	[tilespmem:$0x20] =	vst @!p1 v1;
	v1 =	vadd.s32 @!p1 v0, v4  }
0xc4: {  	[tilespmem:$0x30] =	vst @!p1 v1;
	v1 =	vadd.s32 @!p1 v0, v5  }
0xc5: {  	s23 =	simm.s32 @!p1 $0x100;
	s0 =	simm.s32 @!p1 $0x50;
	[tilespmem:$0x40] =	vst @!p1 v1  }
0xc6: {  	[tilespmem:s23], [sflag:$0x3] =	stream.indirect.gather @!p1 [hbm4b:s6+s0], $0x80, s17, s0, $0xb8;
	[tilespmem:$0x1DA80] =	vst v63  }
0xc7: {  	_ =	swait.ge [sflag:s14], $0x2800  }
0xc8: {  	[sflag:s14] =	ssyncset.done $0x0  }
0xc9: {  	[sflag:s14] =	ssyncadd.s32 $0xFFFFD800  }
0xca: {  	_ =	swait.ge [sflag:s15], $0x2800  }
0xcb: {  	[sflag:s15] =	ssyncset.done $0x0  }
0xcc: {  	s23 =	simm.s32 $0xF0;
	[sflag:s15] =	ssyncadd.s32 $0xFFFFD800  }
0xcd: {  	v7 =	vld [tilespmem:s23+$0x5110]  }
0xce: {  	v8 =	vld [tilespmem:s23+$0x5120]  }
0xcf: {  	v9 =	vld [tilespmem:s23+$0x5130]  }
0xd0: {  	v10 =	vld [tilespmem:s23+$0x5140]  }
0xd1: {  	v11 =	vld [tilespmem:s23+$0x5150]  }
0xd2: {  	v12 =	vld [tilespmem:s23+$0x5160]  }
0xd3: {  	v13 =	vld [tilespmem:s23+$0x5170]  }
0xd4: {  	v14 =	vld [tilespmem:s23+$0x5180]  }
0xd5: {  	v15 =	vld [tilespmem:s23+$0x5190]  }
0xd6: {  	v16 =	vld [tilespmem:s23+$0x51A0]  }
0xd7: {  	v6 =	vld [tilespmem:s23+$0x51B0]  }
0xd8: {  	v5 =	vld [tilespmem:s23+$0x51C0]  }
0xd9: {  	v4 =	vld [tilespmem:s23+$0x51D0]  }
0xda: {  	v17 =	vld [tilespmem:s23+$0x7910]  }
0xdb: {  	v18 =	vld [tilespmem:s23+$0x7920]  }
0xdc: {  	v3 =	vld [tilespmem:s23+$0x51E0]  }
0xdd: {  	v19 =	vld [tilespmem:s23+$0x7930]  }
0xde: {  	v20 =	vld [tilespmem:s23+$0x7940]  }
0xdf: {  	v2 =	vld [tilespmem:s23+$0x51F0];
	v7 =	vadd.f32 v17, v7  }
0xe0: {  	v21 =	vld [tilespmem:s23+$0x7950];
	v8 =	vadd.f32 v18, v8  }
0xe1: {  	v60 =	vld [tilespmem:s23+$0x7960];
	v7 =	vmax.f32 v7, $0.0e+00  }
0xe2: {  	v1 =	vld [tilespmem:s23+$0x5200];
	v8 =	vmax.f32 v8, $0.0e+00;
	[tilespmem:s23+$0x7910] =	vst v7;
	v7 =	vadd.f32 v19, v9  }
0xe3: {  	v22 =	vld [tilespmem:s23+$0x7970];
	[tilespmem:s23+$0x7920] =	vst v8;
	v8 =	vadd.f32 v20, v10  }
0xe4: {  	v61 =	vld [tilespmem:s23+$0x7980];
	v7 =	vmax.f32 v7, $0.0e+00  }
0xe5: {  	v62 =	vld [tilespmem:s23+$0x7990];
	v9 =	vmax.f32 v8, $0.0e+00;
	[tilespmem:s23+$0x7930] =	vst v7;
	v7 =	vadd.f32 v21, v11  }
0xe6: {  	v63 =	vld [tilespmem:s23+$0x79A0];
	[tilespmem:s23+$0x7940] =	vst v9;
	v9 =	vadd.f32 v60, v12  }
0xe7: {  	v8 =	vld [tilespmem:s23+$0x79B0];
	v10 =	vmax.f32 v7, $0.0e+00  }
0xe8: {  	v7 =	vld [tilespmem:s23+$0x79C0];
	v11 =	vmax.f32 v9, $0.0e+00;
	[tilespmem:s23+$0x7950] =	vst v10;
	v10 =	vadd.f32 v22, v13  }
0xe9: {  	v9 =	vld [tilespmem:s23+$0x79D0];
	[tilespmem:s23+$0x7960] =	vst v11;
	v11 =	vadd.f32 v61, v14  }
0xea: {  	v13 =	vadd.f32 v62, v15;
	v12 =	vmax.f32 v10, $0.0e+00;
	v10 =	vld [tilespmem:s23+$0x79E0]  }
0xeb: {  	s19 =	sadd.s32 $0x1, s19;
	s24 =	simm.s32 $0x7C0;
	v14 =	vmax.f32 v11, $0.0e+00;
	v11 =	vld [tilespmem:s23+$0x79F0];
	[tilespmem:s23+$0x7970] =	vst v12;
	v12 =	vadd.f32 v63, v16  }
.LBB2_5:
0xec: {  	s0 =	sshra.s32 s24, $0x2;
	p2 =	sne.s32 s24, $0x9FC0;
	[tilespmem:s23+$0x7980] =	vst v14;
	v13 =	vmax.f32 v13, $0.0e+00;
	v6 =	vadd.f32 v8, v6;
	v8 =	vld [tilespmem:s23+$0x7A00]  }
0xed: {  	v14 =	vld [tilespmem:s0+$0x5110];
	[tilespmem:s23+$0x7990] =	vst v13;
	v12 =	vmax.f32 v12, $0.0e+00;
	v5 =	vadd.f32 v7, v5  }
0xee: {  	v7 =	vld [tilespmem:s0+$0x5120];
	[tilespmem:s23+$0x79A0] =	vst v12;
	v6 =	vmax.f32 v6, $0.0e+00;
	v4 =	vadd.f32 v9, v4  }
0xef: {  	v9 =	vld [tilespmem:s0+$0x5130];
	[tilespmem:s23+$0x79B0] =	vst v6;
	v5 =	vmax.f32 v5, $0.0e+00;
	v3 =	vadd.f32 v10, v3  }
0xf0: {  	v10 =	vld [tilespmem:s0+$0x5140];
	[tilespmem:s23+$0x79C0] =	vst v5;
	v4 =	vmax.f32 v4, $0.0e+00;
	v2 =	vadd.f32 v11, v2  }
0xf1: {  	v11 =	vld [tilespmem:s0+$0x5150];
	[tilespmem:s23+$0x79D0] =	vst v4;
	v3 =	vmax.f32 v3, $0.0e+00;
	v1 =	vadd.f32 v8, v1  }
0xf2: {  	v8 =	vld [tilespmem:s0+$0x5160];
	[tilespmem:s23+$0x79E0] =	vst v3;
	v2 =	vmax.f32 v2, $0.0e+00  }
0xf3: {  	v12 =	vld [tilespmem:s0+$0x5170];
	[tilespmem:s23+$0x79F0] =	vst v2;
	v1 =	vmax.f32 v1, $0.0e+00  }
0xf4: {  	v13 =	vld [tilespmem:s0+$0x5180];
	[tilespmem:s23+$0x7A00] =	vst v1;
	s23 =	smov.u32 s0  }
0xf5: {  	v15 =	vld [tilespmem:s23+$0x5190]  }
0xf6: {  	v16 =	vld [tilespmem:s23+$0x51A0]  }
0xf7: {  	v6 =	vld [tilespmem:s23+$0x51B0]  }
0xf8: {  	v5 =	vld [tilespmem:s23+$0x51C0]  }
0xf9: {  	v4 =	vld [tilespmem:s23+$0x51D0]  }
0xfa: {  	v3 =	vld [tilespmem:s23+$0x51E0]  }
0xfb: {  	v2 =	vld [tilespmem:s23+$0x51F0]  }
0xfc: {  	v1 =	vld [tilespmem:s23+$0x5200]  }
0xfd: {  	v17 =	vld [tilespmem:s23+$0x7910]  }
0xfe: {  	v18 =	vld [tilespmem:s23+$0x7920]  }
0xff: {  	v19 =	vld [tilespmem:s23+$0x7930]  }
0x100: {  	v20 =	vld [tilespmem:s23+$0x7940]  }
0x101: {  	v21 =	vld [tilespmem:s23+$0x7950]  }
0x102: {  	v14 =	vadd.f32 v17, v14;
	v17 =	vld [tilespmem:s23+$0x7960]  }
0x103: {  	v7 =	vadd.f32 v18, v7;
	v18 =	vld [tilespmem:s23+$0x7970]  }
0x104: {  	v14 =	vmax.f32 v14, $0.0e+00;
	v9 =	vadd.f32 v19, v9;
	v19 =	vld [tilespmem:s23+$0x7980]  }
0x105: {  	[tilespmem:s23+$0x7910] =	vst v14;
	v7 =	vmax.f32 v7, $0.0e+00;
	v10 =	vadd.f32 v20, v10;
	v14 =	vld [tilespmem:s23+$0x7990]  }
0x106: {  	[tilespmem:s23+$0x7920] =	vst v7;
	v7 =	vmax.f32 v9, $0.0e+00;
	v9 =	vadd.f32 v21, v11;
	v11 =	vld [tilespmem:s23+$0x79A0]  }
.Ltmp1:
0x107: {  	[tilespmem:s23+$0x7930] =	vst v7;
	v7 =	vmax.f32 v10, $0.0e+00;
	v10 =	vadd.f32 v17, v8;
	v8 =	vld [tilespmem:s23+$0x79B0];
	(pc) =	sbr.rel @p2 .LBB2_5-.Ltmp1, $4  }
0x108: {  	[tilespmem:s23+$0x7940] =	vst v7;
	v9 =	vmax.f32 v9, $0.0e+00;
	v12 =	vadd.f32 v18, v12;
	v7 =	vld [tilespmem:s23+$0x79C0]  }
0x109: {  	[tilespmem:s23+$0x7950] =	vst v9;
	v10 =	vmax.f32 v10, $0.0e+00;
	v17 =	vadd.f32 v19, v13;
	v9 =	vld [tilespmem:s23+$0x79D0]  }
0x10a: {  	[tilespmem:s23+$0x7960] =	vst v10;
	v12 =	vmax.f32 v12, $0.0e+00;
	v13 =	vadd.f32 v14, v15;
	v10 =	vld [tilespmem:s23+$0x79E0]  }
0x10b: {  	s24 =	sadd.s32 $0x400, s24;
	[tilespmem:s23+$0x7970] =	vst v12;
	v14 =	vmax.f32 v17, $0.0e+00;
	v12 =	vadd.f32 v11, v16;
	v11 =	vld [tilespmem:s23+$0x79F0]  }
0x10c: {  	[tilespmem:s23+$0x7980] =	vst v14;
	v13 =	vmax.f32 v13, $0.0e+00;
	v6 =	vadd.f32 v8, v6;
	v63 =	vld [tilespmem:s23+$0x7A00]  }
0x10d: {  	[tilespmem:s23+$0x7990] =	vst v13;
	v12 =	vmax.f32 v12, $0.0e+00;
	v5 =	vadd.f32 v7, v5  }
0x10e: {  	[tilespmem:s23+$0x79A0] =	vst v12;
	v6 =	vmax.f32 v6, $0.0e+00;
	v4 =	vadd.f32 v9, v4  }
0x10f: {  	[tilespmem:s23+$0x79B0] =	vst v6;
	v5 =	vmax.f32 v5, $0.0e+00;
	v3 =	vadd.f32 v10, v3  }
0x110: {  	[tilespmem:s23+$0x79C0] =	vst v5;
	v4 =	vmax.f32 v4, $0.0e+00;
	v2 =	vadd.f32 v11, v2  }
0x111: {  	[tilespmem:s23+$0x79D0] =	vst v4;
	v3 =	vmax.f32 v3, $0.0e+00;
	v1 =	vadd.f32 v63, v1  }
0x112: {  	[tilespmem:s23+$0x79E0] =	vst v3;
	v2 =	vmax.f32 v2, $0.0e+00  }
0x113: {  	[tilespmem:s23+$0x79F0] =	vst v2;
	v1 =	vmax.f32 v1, $0.0e+00  }
0x114: {  	s0 =	sadd.s32 @!p1 s20, s22;
	[tilespmem:s23+$0x7A00] =	vst v1  }
0x115: {  	[spmem:s1] =	stream.indirect.scatter.add.f32 [tilespmem:s31], [sflag:$0x7], $0x80, s30, s3, $0xb8;
	[tilespmem:$0x1DA80] =	vst v63  }
0x116: {  	s24 =	simm.s32 @!p1 $0x5100;
	s17 =	sshrl.u32 @!p1 s0, $0x3;
	_ =	swait.ge [sflag:s25], $0x2800  }
0x117: {  	s0 =	sshll.u32 @!p1 s0, $0x7;
	s20 =	sadd.s32 @!p1 s4, s17;
	[sflag:s25] =	ssyncset.done $0x0  }
0x118: {  	s0 =	sadd.s32 @!p1 s11, s0;
	s23 =	simm.s32 @!p1 $0x0;
	[sflag:s25] =	ssyncadd.s32 $0xFFFFD800  }
0x119: {  	[tilespmem:s24], [sflag:$0x4] =	stream.linear.gather @!p1 [hbm4b:s20+s23], $0x50, $0x38;
	[tilespmem:$0x1DA80] =	vst v63  }
0x11a: {  	s17 =	sadd.s32 @!p1 s5, s17;
	s0 =	sshrl.u32 @!p1 s0, $0x3;
	s20 =	simm.s32 @!p1 $0x5180  }
0x11b: {  	[tilespmem:s20], [sflag:$0x4] =	stream.linear.gather @!p1 [hbm4b:s17+s23], $0x50, $0x38;
	[tilespmem:$0x1DA80] =	vst v63  }
0x11c: {  	p2 =	sne.s32 @!p1 s19, $0x7D;
	s0 =	sadd.s32 @!p1 s7, s0;
	s17 =	simm.s32 @!p1 $0x7A00  }
0x11d: {  	[tilespmem:s17], [sflag:$0x5] =	stream.linear.gather @!p1 [hbm4b:s0+s23], $0x2800, $0x38;
	[tilespmem:$0x1DA80] =	vst v63  }
0x11e: {  	p1 =	por p1, !p2  }
.Ltmp2:
0x11f: {  	_ = 	snop;
	(pc) =	sbr.rel @!p1 .LBB2_2-.Ltmp2, $1  }
0x120: {  	_ =	sdelay $0x3  }
0x121: {  	[bflag:$0x0] =	sbarrier.arrive $0xFFFF  }
0x122: {  	s0 =	rddreg [dreg:$0xe]  }
0x123: {  	s17 =	rddreg [dreg:$0x11]  }
0x124: {  	[hbm:s0], [sflag:s10] =	dma.local [spmem:s17], $0x2700  }
0x125: {  	_ =	swait.ge [sflag:s25], $0x2700  }
0x126: {  	[sflag:s25] =	ssyncset.done $0x0  }
0x127: {  	s0 =	rddreg [dreg:$0xf];
	[sflag:s25] =	ssyncadd.s32 $0xFFFFD900  }
0x128: {  	[hbm:s0], [sflag:s10] =	dma.local @!p0 [spmem:s18], $0x100  }
0x129: {  	s0 =	simm.s32 @!p0 $0x7  }
0x12a: {  	_ =	swait.ge @!p0 [sflag:s0], $0x100  }
0x12b: {  	s16 =	sadd.s32 $0x1, s16;
	s24 =	rddreg [dreg:$0x10]  }
0x12c: {  	p1 =	sne.s32 s16, s24  }
.Ltmp3:
0x12d: {  	_ = 	snop;
	(pc) =	sbr.rel @p1 .LBB2_1-.Ltmp3, $3  }
0x12e: {  	_ =	sdelay $0x1  }
0x12f: {  	[sflag:s0] =	ssyncset.done @!p0 $0x0  }
0x130: {  	[sflag:s0] =	ssyncadd.s32 @!p0 $0xFFFFFF00  }
0x131: {  	_ =	sfence.sel $0x180000  }
0x132: {  	[bflag:$0x0] =	sbarrier.arrive $0xFFFF  }
0x133: {  	_ =	strace $0x9000004A  }
0x134: {  	s0 =	stileid.u32;
	[bflag:$0x2] =	sbarrier.arrive $0xFFFF  }
0x135: {  	p0 =	sne.s32 s0, $0x0;
	s0 =	rddreg [dreg:$0x3]  }
0x136: {  	s0 =	sadd.s32 @!p0 $0x100000, s0  }
0x137: {  	[sflag:s0] =	ssyncadd.tile.s32 @!p0 $0x1;
	_ =	shalt  }
.Lfunc_end2:
_tile_overlayer_lowered:
.L_overlay_start_2:
0x138: {  	(tag) =	ssettag $0x2  }
0x139: {  	s0 =	rddreg [dreg:$0x0];
	s2 =	stileid.u32  }
0x13a: {  	s1 =	rddreg [dreg:$0x1];
	p0 =	sne.s32 s2, $0x0  }
0x13b: {  	s3 =	rddreg [dreg:$0x2];
	[bflag:$0x3] =	sbarrier.arrive $0xFFFF;
	s2 =	simm.s32 @!p0 $0x1C07  }
0x13c: {  	[timem:s3], [sflag:s2] =	dma.local @!p0 [hbm:s0], s1  }
0x13d: {  	s0 =	simm.s32 @!p0 $0x7  }
0x13e: {  	_ =	swait.ge @!p0 [sflag:s0], s1  }
0x13f: {  	s1 =	ssub.s32 @!p0 $0x0, s1;
	[sflag:s0] =	ssyncset.done @!p0 $0x0  }
0x140: {  	[sflag:s0] =	ssyncadd.s32 @!p0 s1  }
0x141: {  	[bflag:$0x3] =	sbarrier.arrive $0xFFFF  }
0x142: {  	_ =	shalt  }

</sc_bundles>
